<compile_context>
chip_gen: v7x
topology: tpu7x:2x2x1
jax: 0.10.2.dev20260603
libtpu: 0.0.44.dev20260713+nightly
codegen_flags: <defaults>
</compile_context>

<pallas_src>
import functools

import jax
import jax.numpy as jnp
from jax import lax
from jax.experimental import pallas as pl
from jax.experimental.pallas import tpu as pltpu
from jax.experimental.pallas import tpu_sc as plsc

_NC = 2
_NS = 16
_NW = _NC * _NS
_LANES = 16


def _sc_gather(cat3, table4, dim):
    nplanes, vb, _ = table4.shape
    nf, ng, _ = cat3.shape
    per_t = nplanes // _NW
    qg = ng // 4

    mesh = plsc.VectorSubcoreMesh(core_axis_name="c", subcore_axis_name="s")

    @functools.partial(
        pl.kernel,
        mesh=mesh,
        out_type=jax.ShapeDtypeStruct((nplanes, ng, 128), jnp.float32),
        compiler_params=pltpu.CompilerParams(
            use_tc_tiling_on_sc=False, needs_layout_passes=False
        ),
        scratch_types=[
            pltpu.VMEM((vb, 128), jnp.float32),
            pltpu.VMEM((ng, 128), jnp.int32),
            pltpu.VMEM((2, qg, 128), jnp.float32),
            pltpu.SemaphoreType.DMA,
            pltpu.SemaphoreType.DMA,
            pltpu.SemaphoreType.DMA,
            pltpu.SemaphoreType.DMA,
        ],
    )
    def k(cat_hbm, table_hbm, out_hbm, plane_v, catv, outv, sem_p, sem_c,
          sem_o0, sem_o1):
        wid = lax.axis_index("s") * _NC + lax.axis_index("c")
        sem_o = (sem_o0, sem_o1)

        def plane(pi, _):
            p = wid * per_t + pi
            fi = lax.div(p, dim)
            cp_p = pltpu.async_copy(table_hbm.at[p], plane_v, sem_p)
            cp_c = pltpu.async_copy(cat_hbm.at[fi], catv, sem_c)
            cp_p.wait()
            cp_c.wait()
            for q in range(4):
                buf = q % 2

                def drain():
                    pltpu.make_async_copy(
                        outv.at[buf], out_hbm.at[p, pl.ds(q * qg, qg)],
                        sem_o[buf],
                    ).wait()

                if q >= 2:
                    drain()
                else:
                    pl.when(pi > 0)(drain)

                @plsc.parallel_loop(0, qg, unroll=4)
                def _(r):
                    for cc in range(8):
                        idx = catv[q * qg + r, pl.ds(cc * _LANES, _LANES)]
                        hi = lax.shift_right_logical(idx, 7)
                        lo = lax.bitwise_and(idx, 127)
                        outv[buf, r, pl.ds(cc * _LANES, _LANES)] = (
                            plsc.load_gather(plane_v, [hi, lo])
                        )

                pltpu.async_copy(
                    outv.at[buf], out_hbm.at[p, pl.ds(q * qg, qg)], sem_o[buf]
                )
            return 0

        lax.fori_loop(0, per_t, plane, 0)
        for buf in range(2):
            pltpu.make_async_copy(
                outv.at[buf], out_hbm.at[0, pl.ds(0, qg)], sem_o[buf]
            ).wait()

    return k(cat3, table4)


def _mlp2_body(emb_ref, dense_ref, mean_ref, var_ref, w1e_ref, w1d_ref,
               b1_ref, woutt_ref, bout_ref, out_ref):
    normed = (dense_ref[...] - mean_ref[...]) * lax.rsqrt(var_ref[...] + 1e-6)
    hd = jnp.dot(normed, w1d_ref[...], preferred_element_type=jnp.float32)
    dn = (((0,), (0,)), ((), ()))
    for rb in range(8):
        h = lax.dot_general(emb_ref[:, rb, :], w1e_ref[...], dn,
                            preferred_element_type=jnp.float32)
        h = jnp.maximum(h + hd[rb * 128:(rb + 1) * 128, :] + b1_ref[...], 0.0)
        o = jnp.sum(h * woutt_ref[...], axis=1, keepdims=True) + bout_ref[...]
        out_ref[pl.ds(rb * 128, 128), :] = jax.nn.sigmoid(o)


def _tc_mlp2(emb3, dense, mean, var, w1e, w1d, b1, woutt, bout):
    npl = emb3.shape[0]
    bsz, nd = dense.shape
    hid = w1d.shape[1]
    bm = 1024
    gb = bm // 128
    grid = (bsz // bm,)
    return pl.pallas_call(
        _mlp2_body,
        grid=grid,
        in_specs=[
            pl.BlockSpec((npl, gb, 128), lambda i: (0, i, 0)),
            pl.BlockSpec((bm, nd), lambda i: (i, 0)),
            pl.BlockSpec((1, nd), lambda i: (0, 0)),
            pl.BlockSpec((1, nd), lambda i: (0, 0)),
            pl.BlockSpec((npl, hid), lambda i: (0, 0)),
            pl.BlockSpec((nd, hid), lambda i: (0, 0)),
            pl.BlockSpec((1, hid), lambda i: (0, 0)),
            pl.BlockSpec((1, hid), lambda i: (0, 0)),
            pl.BlockSpec((1, 1), lambda i: (0, 0)),
        ],
        out_specs=pl.BlockSpec((bm, 1), lambda i: (i, 0)),
        out_shape=jax.ShapeDtypeStruct((bsz, 1), jnp.float32),
    )(emb3, dense, mean, var, w1e, w1d, b1, woutt, bout)


def kernel(cat_indices, dense_features, emb_tables, norm_mean, norm_var, W1,
           b1, W_out, b_out):
    b, f = cat_indices.shape
    _, v, d = emb_tables.shape
    vb = (v + 127) // 128
    cat3 = cat_indices.T.reshape(f, b // 128, 128)
    table4 = jnp.pad(
        emb_tables, ((0, 0), (0, vb * 128 - v), (0, 0))
    ).transpose(0, 2, 1).reshape(f * d, vb, 128)

    emb3 = _sc_gather(cat3, table4, d)

    out = _tc_mlp2(
        emb3,
        dense_features,
        norm_mean.reshape(1, -1),
        norm_var.reshape(1, -1),
        W1[: f * d],
        W1[f * d:],
        b1.reshape(1, -1),
        W_out.reshape(1, -1),
        b_out.reshape(1, 1),
    )
    return out

# --- scband reference (transcript-rebuilt; emitter-appended) ---
"""Pipeline reference for scband-basic-ranker-72275709657395 (READ-ONLY COPY).

The authoritative reference and input builder live on the scoring server;
editing this copy changes nothing except your own understanding.
"""

import jax, jax.numpy as jnp
import numpy as np

B = 16384
F = 26
V = 100001
D = 16
ND = 13
HID = 128


def setup_inputs(seed: int = 0) -> dict:
    key = jax.random.key(seed)
    ks = jax.random.split(key, 10)
    cat_indices = jax.random.randint(ks[0], (B, F), 0, V, dtype=jnp.int32)
    dense_features = jax.random.normal(ks[1], (B, ND), dtype=jnp.float32)
    # Learned parameters: one embedding table per categorical field, stacked.
    emb_tables = jax.random.normal(ks[2], (F, V, D), dtype=jnp.float32) * 0.05
    # Keras Normalization layer statistics (adapted mean/variance per numeric feature)
    norm_mean = jax.random.normal(ks[3], (ND,), dtype=jnp.float32)
    norm_var = jax.random.uniform(ks[4], (ND,), dtype=jnp.float32, minval=0.5, maxval=2.0)
    concat_dim = F * D + ND
    W1 = jax.random.normal(ks[5], (concat_dim, HID), dtype=jnp.float32) * (1.0 / np.sqrt(concat_dim))
    b1 = jnp.zeros((HID,), dtype=jnp.float32)
    W_out = jax.random.normal(ks[6], (HID, 1), dtype=jnp.float32) * (1.0 / np.sqrt(HID))
    b_out = jnp.zeros((1,), dtype=jnp.float32)
    return {
        "cat_indices": cat_indices,
        "dense_features": dense_features,
        "emb_tables": emb_tables,
        "norm_mean": norm_mean,
        "norm_var": norm_var,
        "W1": W1,
        "b1": b1,
        "W_out": W_out,
        "b_out": b_out,
    }


def reference(cat_indices, dense_features, emb_tables, norm_mean, norm_var, W1, b1, W_out, b_out):
    # Per-field embedding lookup: emb_tables[f][cat_indices[:, f]] -> [B, F, D]
    field_ids = jnp.arange(F, dtype=cat_indices.dtype)  # [F]
    embedded = emb_tables[field_ids[None, :], cat_indices]  # [B, F, D]
    emb_flat = embedded.reshape(cat_indices.shape[0], F * D)  # [B, F*D]
    # Normalization layers on numeric features, expand_dims(axis=1) then concat -> [B, ND]
    normed = (dense_features - norm_mean[None, :]) / jnp.sqrt(norm_var[None, :] + 1e-6)
    concatenated = jnp.concatenate([emb_flat, normed], axis=1)  # [B, F*D + ND]
    # Dense(128, relu); Dropout is identity at inference
    h = jnp.maximum(concatenated @ W1 + b1, 0.0)
    # Dense(1, sigmoid) -> main label output
    main_label_output = jax.nn.sigmoid(h @ W_out + b_out)
    return main_label_output

if __name__ == "__main__":
    import jax
    _d = setup_inputs()
    print(jax.jit(kernel)(*tuple(_d.values())))

</pallas_src>

<mosaic_0001>
#map = affine_map<(d0, d1) -> (0, 0, 0)>
module attributes {stable_mosaic.version = 14 : i64} {
  func.func @k(%arg0: i32, %arg1: i32, %arg2: memref<26x128x128xi32, #tpu.memory_space<hbm>>, %arg3: memref<416x782x128xf32, #tpu.memory_space<hbm>>, %arg4: memref<416x128x128xf32, #tpu.memory_space<hbm>>, %arg5: memref<782x128xf32, #tpu.memory_space<vmem>>, %arg6: memref<128x128xi32, #tpu.memory_space<vmem>>, %arg7: memref<2x32x128xf32, #tpu.memory_space<vmem>>, %arg8: memref<!tpu.dma_semaphore, #tpu.memory_space<semaphore_mem>>, %arg9: memref<!tpu.dma_semaphore, #tpu.memory_space<semaphore_mem>>, %arg10: memref<!tpu.dma_semaphore, #tpu.memory_space<semaphore_mem>>, %arg11: memref<!tpu.dma_semaphore, #tpu.memory_space<semaphore_mem>>) attributes {dimension_semantics = [#tpu.dimension_semantics<core_parallel>, #tpu.dimension_semantics<subcore_parallel>], iteration_bounds = array<i64: 2, 16>, scalar_prefetch = 0 : i64, scratch_operands = 7 : i64, tpu.core_type = #tpu.core_type<sc_vector_subcore>, window_params = [{transform_indices = #map}, {transform_indices = #map}, {transform_indices = #map}]} {
    %mul3A = arith.constant 2 : i32
    %mul3A_0 = arith.muli %arg1, %mul3A : i32
    %add3A = arith.addi %mul3A_0, %arg0 : i32
    %scan3A = arith.constant 0 : i32
    %scan3A_1 = arith.constant 0 : i32
    %scan3A_2 = arith.constant 13 : i32
    %scan3A_3 = arith.addi %scan3A_1, %scan3A_2 : i32
    %scan3A_4 = arith.constant 1 : i32
    %scan3A_5 = scf.for %scan3A_42 = %scan3A_1 to %scan3A_3 step %scan3A_4 iter_args(%scan3A_43 = %scan3A) -> (i32)  : i32 {
      %mul3A_44 = arith.constant 13 : i32
      %mul3A_45 = arith.muli %add3A, %mul3A_44 : i32
      %add3A_46 = arith.addi %mul3A_45, %scan3A_42 : i32
      %div3A = arith.constant 16 : i32
      %div3A_47 = arith.divsi %add3A_46, %div3A : i32
      %dma_start3A = arith.constant 0 : i32
      %dma_start3A_48 = arith.constant 0 : i32
      %dma_start3A_49 = tpu.memref_slice %arg3[%add3A_46, %dma_start3A, %dma_start3A_48] : memref<416x782x128xf32, #tpu.memory_space<hbm>> -> memref<1x782x128xf32, #tpu.memory_space<hbm>>
      %dma_start3A_50 = tpu.memref_squeeze %dma_start3A_49 : memref<1x782x128xf32, #tpu.memory_space<hbm>> -> memref<782x128xf32, #tpu.memory_space<hbm>>
      %dma_start3A_51 = arith.constant 0 : i32
      %dma_start3A_52 = arith.constant 0 : i32
      %dma_start3A_53 = tpu.memref_slice %arg3[%add3A_46, %dma_start3A_51, %dma_start3A_52] : memref<416x782x128xf32, #tpu.memory_space<hbm>> -> memref<1x782x128xf32, #tpu.memory_space<hbm>>
      %dma_start3A_54 = tpu.memref_squeeze %dma_start3A_53 : memref<1x782x128xf32, #tpu.memory_space<hbm>> -> memref<782x128xf32, #tpu.memory_space<hbm>>
      tpu.enqueue_dma source(%dma_start3A_54 : memref<782x128xf32, #tpu.memory_space<hbm>>) target(%arg5 : memref<782x128xf32, #tpu.memory_space<vmem>>) target_semaphore(%arg8 : memref<!tpu.dma_semaphore, #tpu.memory_space<semaphore_mem>>)
      %dma_start3A_55 = arith.constant 0 : i32
      %dma_start3A_56 = arith.constant 0 : i32
      %dma_start3A_57 = tpu.memref_slice %arg2[%div3A_47, %dma_start3A_55, %dma_start3A_56] : memref<26x128x128xi32, #tpu.memory_space<hbm>> -> memref<1x128x128xi32, #tpu.memory_space<hbm>>
      %dma_start3A_58 = tpu.memref_squeeze %dma_start3A_57 : memref<1x128x128xi32, #tpu.memory_space<hbm>> -> memref<128x128xi32, #tpu.memory_space<hbm>>
      %dma_start3A_59 = arith.constant 0 : i32
      %dma_start3A_60 = arith.constant 0 : i32
      %dma_start3A_61 = tpu.memref_slice %arg2[%div3A_47, %dma_start3A_59, %dma_start3A_60] : memref<26x128x128xi32, #tpu.memory_space<hbm>> -> memref<1x128x128xi32, #tpu.memory_space<hbm>>
      %dma_start3A_62 = tpu.memref_squeeze %dma_start3A_61 : memref<1x128x128xi32, #tpu.memory_space<hbm>> -> memref<128x128xi32, #tpu.memory_space<hbm>>
      tpu.enqueue_dma source(%dma_start3A_62 : memref<128x128xi32, #tpu.memory_space<hbm>>) target(%arg6 : memref<128x128xi32, #tpu.memory_space<vmem>>) target_semaphore(%arg9 : memref<!tpu.dma_semaphore, #tpu.memory_space<semaphore_mem>>)
      %dma_wait3A_63 = arith.constant 0 : i32
      %dma_wait3A_64 = arith.constant 0 : i32
      %dma_wait3A_65 = tpu.memref_slice %arg3[%add3A_46, %dma_wait3A_63, %dma_wait3A_64] : memref<416x782x128xf32, #tpu.memory_space<hbm>> -> memref<1x782x128xf32, #tpu.memory_space<hbm>>
      %dma_wait3A_66 = tpu.memref_squeeze %dma_wait3A_65 : memref<1x782x128xf32, #tpu.memory_space<hbm>> -> memref<782x128xf32, #tpu.memory_space<hbm>>
      %dma_wait3A_67 = arith.constant 0 : i32
      %dma_wait3A_68 = arith.constant 0 : i32
      %dma_wait3A_69 = tpu.memref_slice %arg3[%add3A_46, %dma_wait3A_67, %dma_wait3A_68] : memref<416x782x128xf32, #tpu.memory_space<hbm>> -> memref<1x782x128xf32, #tpu.memory_space<hbm>>
      %dma_wait3A_70 = tpu.memref_squeeze %dma_wait3A_69 : memref<1x782x128xf32, #tpu.memory_space<hbm>> -> memref<782x128xf32, #tpu.memory_space<hbm>>
      tpu.wait_dma2 semaphore(%arg8 : memref<!tpu.dma_semaphore, #tpu.memory_space<semaphore_mem>>) src(%dma_wait3A_70 : memref<782x128xf32, #tpu.memory_space<hbm>>) dst(%arg5 : memref<782x128xf32, #tpu.memory_space<vmem>>)
      %dma_wait3A_71 = arith.constant 0 : i32
      %dma_wait3A_72 = arith.constant 0 : i32
      %dma_wait3A_73 = tpu.memref_slice %arg2[%div3A_47, %dma_wait3A_71, %dma_wait3A_72] : memref<26x128x128xi32, #tpu.memory_space<hbm>> -> memref<1x128x128xi32, #tpu.memory_space<hbm>>
      %dma_wait3A_74 = tpu.memref_squeeze %dma_wait3A_73 : memref<1x128x128xi32, #tpu.memory_space<hbm>> -> memref<128x128xi32, #tpu.memory_space<hbm>>
      %dma_wait3A_75 = arith.constant 0 : i32
      %dma_wait3A_76 = arith.constant 0 : i32
      %dma_wait3A_77 = tpu.memref_slice %arg2[%div3A_47, %dma_wait3A_75, %dma_wait3A_76] : memref<26x128x128xi32, #tpu.memory_space<hbm>> -> memref<1x128x128xi32, #tpu.memory_space<hbm>>
      %dma_wait3A_78 = tpu.memref_squeeze %dma_wait3A_77 : memref<1x128x128xi32, #tpu.memory_space<hbm>> -> memref<128x128xi32, #tpu.memory_space<hbm>>
      tpu.wait_dma2 semaphore(%arg9 : memref<!tpu.dma_semaphore, #tpu.memory_space<semaphore_mem>>) src(%dma_wait3A_78 : memref<128x128xi32, #tpu.memory_space<hbm>>) dst(%arg6 : memref<128x128xi32, #tpu.memory_space<vmem>>)
      %gt3A = arith.constant 0 : i32
      %gt3A_79 = arith.cmpi sgt, %scan3A_42, %gt3A : i32
      %convert_element_type3A = arith.extui %gt3A_79 : i1 to i32
      %cond3A = arith.constant 0 : i32
      %cond3A_80 = arith.cmpi ne, %convert_element_type3A, %cond3A : i32
      scf.if %cond3A_80 {
        %dma_wait3A_200 = arith.constant 0 : i32
        %dma_wait3A_201 = arith.constant 0 : i32
        %dma_wait3A_202 = arith.constant 0 : i32
        %dma_wait3A_203 = tpu.memref_slice %arg7[%dma_wait3A_200, %dma_wait3A_201, %dma_wait3A_202] : memref<2x32x128xf32, #tpu.memory_space<vmem>> -> memref<1x32x128xf32, #tpu.memory_space<vmem>>
        %dma_wait3A_204 = tpu.memref_squeeze %dma_wait3A_203 : memref<1x32x128xf32, #tpu.memory_space<vmem>> -> memref<32x128xf32, #tpu.memory_space<vmem>>
        %dma_wait3A_205 = arith.constant 0 : i32
        %dma_wait3A_206 = arith.constant 0 : i32
        %dma_wait3A_207 = tpu.memref_slice %arg4[%add3A_46, %dma_wait3A_205, %dma_wait3A_206] : memref<416x128x128xf32, #tpu.memory_space<hbm>> -> memref<1x32x128xf32, #tpu.memory_space<hbm>>
        %dma_wait3A_208 = tpu.memref_squeeze %dma_wait3A_207 : memref<1x32x128xf32, #tpu.memory_space<hbm>> -> memref<32x128xf32, #tpu.memory_space<hbm>>
        %dma_wait3A_209 = arith.constant 0 : i32
        %dma_wait3A_210 = arith.constant 0 : i32
        %dma_wait3A_211 = tpu.memref_slice %arg4[%add3A_46, %dma_wait3A_209, %dma_wait3A_210] : memref<416x128x128xf32, #tpu.memory_space<hbm>> -> memref<1x32x128xf32, #tpu.memory_space<hbm>>
        %dma_wait3A_212 = tpu.memref_squeeze %dma_wait3A_211 : memref<1x32x128xf32, #tpu.memory_space<hbm>> -> memref<32x128xf32, #tpu.memory_space<hbm>>
        %dma_wait3A_213 = arith.constant 0 : i32
        %dma_wait3A_214 = arith.constant 0 : i32
        %dma_wait3A_215 = tpu.memref_slice %arg7[%dma_wait3A_200, %dma_wait3A_213, %dma_wait3A_214] : memref<2x32x128xf32, #tpu.memory_space<vmem>> -> memref<1x32x128xf32, #tpu.memory_space<vmem>>
        %dma_wait3A_216 = tpu.memref_squeeze %dma_wait3A_215 : memref<1x32x128xf32, #tpu.memory_space<vmem>> -> memref<32x128xf32, #tpu.memory_space<vmem>>
        tpu.wait_dma2 semaphore(%arg10 : memref<!tpu.dma_semaphore, #tpu.memory_space<semaphore_mem>>) src(%dma_wait3A_216 : memref<32x128xf32, #tpu.memory_space<vmem>>) dst(%dma_wait3A_212 : memref<32x128xf32, #tpu.memory_space<hbm>>)
      } else {
      }
      %parallel_loop3A = arith.constant 0 : i32
      %parallel_loop3A_81 = arith.constant 32 : i32
      %parallel_loop3A_82 = arith.constant 1 : i32
      scf.for %parallel_loop3A_200 = %parallel_loop3A to %parallel_loop3A_81 step %parallel_loop3A_82  : i32 {
        %parallel_loop3A_201 = arith.constant 0 : i32
        %parallel_loop3A_202 = arith.addi %parallel_loop3A_201, %parallel_loop3A_200 : i32
        %parallel_loop3A_203 = arith.index_cast %parallel_loop3A_202 : i32 to index
        %parallel_loop3A_204 = arith.constant 0 : index
        %parallel_loop3A_205 = tpu.vector_load %arg6[%parallel_loop3A_203, %parallel_loop3A_204] {strides = array<i32>} : memref<128x128xi32, #tpu.memory_space<vmem>>, vector<16xi32>,
        %parallel_loop3A_206 = arith.constant 7 : i32
        %parallel_loop3A_207 = vector.broadcast %parallel_loop3A_206 : i32 to vector<16xi32>
        %parallel_loop3A_208 = arith.shrui %parallel_loop3A_205, %parallel_loop3A_207 : vector<16xi32>
        %parallel_loop3A_209 = arith.constant 127 : i32
        %parallel_loop3A_210 = vector.broadcast %parallel_loop3A_209 : i32 to vector<16xi32>
        %parallel_loop3A_211 = arith.andi %parallel_loop3A_205, %parallel_loop3A_210 : vector<16xi32>
        %parallel_loop3A_212 = tpu.vector_load_idx %arg5[%parallel_loop3A_208, %parallel_loop3A_211] : memref<782x128xf32, #tpu.memory_space<vmem>>[vector<16xi32>, vector<16xi32>], vector<16xf32>,
        %parallel_loop3A_213 = arith.constant 0 : i32
        %parallel_loop3A_214 = arith.index_cast %parallel_loop3A_213 : i32 to index
        %parallel_loop3A_215 = arith.index_cast %parallel_loop3A_200 : i32 to index
        %parallel_loop3A_216 = arith.constant 0 : index
        %parallel_loop3A_217 = tpu.vector_load %arg7[%parallel_loop3A_214, %parallel_loop3A_215, %parallel_loop3A_216] {strides = array<i32>} : memref<2x32x128xf32, #tpu.memory_space<vmem>>, vector<16xf32>,
        tpu.vector_store %arg7[%parallel_loop3A_214, %parallel_loop3A_215, %parallel_loop3A_216], %parallel_loop3A_212 {strides = array<i32>} : memref<2x32x128xf32, #tpu.memory_space<vmem>>, vector<16xf32>,
        %parallel_loop3A_218 = arith.constant 0 : i32
        %parallel_loop3A_219 = arith.addi %parallel_loop3A_218, %parallel_loop3A_200 : i32
        %parallel_loop3A_220 = arith.index_cast %parallel_loop3A_219 : i32 to index
        %parallel_loop3A_221 = arith.constant 16 : index
        %parallel_loop3A_222 = tpu.vector_load %arg6[%parallel_loop3A_220, %parallel_loop3A_221] {strides = array<i32>} : memref<128x128xi32, #tpu.memory_space<vmem>>, vector<16xi32>,
        %parallel_loop3A_223 = arith.constant 7 : i32
        %parallel_loop3A_224 = vector.broadcast %parallel_loop3A_223 : i32 to vector<16xi32>
        %parallel_loop3A_225 = arith.shrui %parallel_loop3A_222, %parallel_loop3A_224 : vector<16xi32>
        %parallel_loop3A_226 = arith.constant 127 : i32
        %parallel_loop3A_227 = vector.broadcast %parallel_loop3A_226 : i32 to vector<16xi32>
        %parallel_loop3A_228 = arith.andi %parallel_loop3A_222, %parallel_loop3A_227 : vector<16xi32>
        %parallel_loop3A_229 = tpu.vector_load_idx %arg5[%parallel_loop3A_225, %parallel_loop3A_228] : memref<782x128xf32, #tpu.memory_space<vmem>>[vector<16xi32>, vector<16xi32>], vector<16xf32>,
        %parallel_loop3A_230 = arith.constant 0 : i32
        %parallel_loop3A_231 = arith.index_cast %parallel_loop3A_230 : i32 to index
        %parallel_loop3A_232 = arith.index_cast %parallel_loop3A_200 : i32 to index
        %parallel_loop3A_233 = arith.constant 16 : index
        %parallel_loop3A_234 = tpu.vector_load %arg7[%parallel_loop3A_231, %parallel_loop3A_232, %parallel_loop3A_233] {strides = array<i32>} : memref<2x32x128xf32, #tpu.memory_space<vmem>>, vector<16xf32>,
        tpu.vector_store %arg7[%parallel_loop3A_231, %parallel_loop3A_232, %parallel_loop3A_233], %parallel_loop3A_229 {strides = array<i32>} : memref<2x32x128xf32, #tpu.memory_space<vmem>>, vector<16xf32>,
        %parallel_loop3A_235 = arith.constant 0 : i32
        %parallel_loop3A_236 = arith.addi %parallel_loop3A_235, %parallel_loop3A_200 : i32
        %parallel_loop3A_237 = arith.index_cast %parallel_loop3A_236 : i32 to index
        %parallel_loop3A_238 = arith.constant 32 : index
        %parallel_loop3A_239 = tpu.vector_load %arg6[%parallel_loop3A_237, %parallel_loop3A_238] {strides = array<i32>} : memref<128x128xi32, #tpu.memory_space<vmem>>, vector<16xi32>,
        %parallel_loop3A_240 = arith.constant 7 : i32
        %parallel_loop3A_241 = vector.broadcast %parallel_loop3A_240 : i32 to vector<16xi32>
        %parallel_loop3A_242 = arith.shrui %parallel_loop3A_239, %parallel_loop3A_241 : vector<16xi32>
        %parallel_loop3A_243 = arith.constant 127 : i32
        %parallel_loop3A_244 = vector.broadcast %parallel_loop3A_243 : i32 to vector<16xi32>
        %parallel_loop3A_245 = arith.andi %parallel_loop3A_239, %parallel_loop3A_244 : vector<16xi32>
        %parallel_loop3A_246 = tpu.vector_load_idx %arg5[%parallel_loop3A_242, %parallel_loop3A_245] : memref<782x128xf32, #tpu.memory_space<vmem>>[vector<16xi32>, vector<16xi32>], vector<16xf32>,
        %parallel_loop3A_247 = arith.constant 0 : i32
        %parallel_loop3A_248 = arith.index_cast %parallel_loop3A_247 : i32 to index
        %parallel_loop3A_249 = arith.index_cast %parallel_loop3A_200 : i32 to index
        %parallel_loop3A_250 = arith.constant 32 : index
        %parallel_loop3A_251 = tpu.vector_load %arg7[%parallel_loop3A_248, %parallel_loop3A_249, %parallel_loop3A_250] {strides = array<i32>} : memref<2x32x128xf32, #tpu.memory_space<vmem>>, vector<16xf32>,
        tpu.vector_store %arg7[%parallel_loop3A_248, %parallel_loop3A_249, %parallel_loop3A_250], %parallel_loop3A_246 {strides = array<i32>} : memref<2x32x128xf32, #tpu.memory_space<vmem>>, vector<16xf32>,
        %parallel_loop3A_252 = arith.constant 0 : i32
        %parallel_loop3A_253 = arith.addi %parallel_loop3A_252, %parallel_loop3A_200 : i32
        %parallel_loop3A_254 = arith.index_cast %parallel_loop3A_253 : i32 to index
        %parallel_loop3A_255 = arith.constant 48 : index
        %parallel_loop3A_256 = tpu.vector_load %arg6[%parallel_loop3A_254, %parallel_loop3A_255] {strides = array<i32>} : memref<128x128xi32, #tpu.memory_space<vmem>>, vector<16xi32>,
        %parallel_loop3A_257 = arith.constant 7 : i32
        %parallel_loop3A_258 = vector.broadcast %parallel_loop3A_257 : i32 to vector<16xi32>
        %parallel_loop3A_259 = arith.shrui %parallel_loop3A_256, %parallel_loop3A_258 : vector<16xi32>
        %parallel_loop3A_260 = arith.constant 127 : i32
        %parallel_loop3A_261 = vector.broadcast %parallel_loop3A_260 : i32 to vector<16xi32>
        %parallel_loop3A_262 = arith.andi %parallel_loop3A_256, %parallel_loop3A_261 : vector<16xi32>
        %parallel_loop3A_263 = tpu.vector_load_idx %arg5[%parallel_loop3A_259, %parallel_loop3A_262] : memref<782x128xf32, #tpu.memory_space<vmem>>[vector<16xi32>, vector<16xi32>], vector<16xf32>,
        %parallel_loop3A_264 = arith.constant 0 : i32
        %parallel_loop3A_265 = arith.index_cast %parallel_loop3A_264 : i32 to index
        %parallel_loop3A_266 = arith.index_cast %parallel_loop3A_200 : i32 to index
        %parallel_loop3A_267 = arith.constant 48 : index
        %parallel_loop3A_268 = tpu.vector_load %arg7[%parallel_loop3A_265, %parallel_loop3A_266, %parallel_loop3A_267] {strides = array<i32>} : memref<2x32x128xf32, #tpu.memory_space<vmem>>, vector<16xf32>,
        tpu.vector_store %arg7[%parallel_loop3A_265, %parallel_loop3A_266, %parallel_loop3A_267], %parallel_loop3A_263 {strides = array<i32>} : memref<2x32x128xf32, #tpu.memory_space<vmem>>, vector<16xf32>,
        %parallel_loop3A_269 = arith.constant 0 : i32
        %parallel_loop3A_270 = arith.addi %parallel_loop3A_269, %parallel_loop3A_200 : i32
        %parallel_loop3A_271 = arith.index_cast %parallel_loop3A_270 : i32 to index
        %parallel_loop3A_272 = arith.constant 64 : index
        %parallel_loop3A_273 = tpu.vector_load %arg6[%parallel_loop3A_271, %parallel_loop3A_272] {strides = array<i32>} : memref<128x128xi32, #tpu.memory_space<vmem>>, vector<16xi32>,
        %parallel_loop3A_274 = arith.constant 7 : i32
        %parallel_loop3A_275 = vector.broadcast %parallel_loop3A_274 : i32 to vector<16xi32>
        %parallel_loop3A_276 = arith.shrui %parallel_loop3A_273, %parallel_loop3A_275 : vector<16xi32>
        %parallel_loop3A_277 = arith.constant 127 : i32
        %parallel_loop3A_278 = vector.broadcast %parallel_loop3A_277 : i32 to vector<16xi32>
        %parallel_loop3A_279 = arith.andi %parallel_loop3A_273, %parallel_loop3A_278 : vector<16xi32>
        %parallel_loop3A_280 = tpu.vector_load_idx %arg5[%parallel_loop3A_276, %parallel_loop3A_279] : memref<782x128xf32, #tpu.memory_space<vmem>>[vector<16xi32>, vector<16xi32>], vector<16xf32>,
        %parallel_loop3A_281 = arith.constant 0 : i32
        %parallel_loop3A_282 = arith.index_cast %parallel_loop3A_281 : i32 to index
        %parallel_loop3A_283 = arith.index_cast %parallel_loop3A_200 : i32 to index
        %parallel_loop3A_284 = arith.constant 64 : index
        %parallel_loop3A_285 = tpu.vector_load %arg7[%parallel_loop3A_282, %parallel_loop3A_283, %parallel_loop3A_284] {strides = array<i32>} : memref<2x32x128xf32, #tpu.memory_space<vmem>>, vector<16xf32>,
        tpu.vector_store %arg7[%parallel_loop3A_282, %parallel_loop3A_283, %parallel_loop3A_284], %parallel_loop3A_280 {strides = array<i32>} : memref<2x32x128xf32, #tpu.memory_space<vmem>>, vector<16xf32>,
        %parallel_loop3A_286 = arith.constant 0 : i32
        %parallel_loop3A_287 = arith.addi %parallel_loop3A_286, %parallel_loop3A_200 : i32
        %parallel_loop3A_288 = arith.index_cast %parallel_loop3A_287 : i32 to index
        %parallel_loop3A_289 = arith.constant 80 : index
        %parallel_loop3A_290 = tpu.vector_load %arg6[%parallel_loop3A_288, %parallel_loop3A_289] {strides = array<i32>} : memref<128x128xi32, #tpu.memory_space<vmem>>, vector<16xi32>,
        %parallel_loop3A_291 = arith.constant 7 : i32
        %parallel_loop3A_292 = vector.broadcast %parallel_loop3A_291 : i32 to vector<16xi32>
        %parallel_loop3A_293 = arith.shrui %parallel_loop3A_290, %parallel_loop3A_292 : vector<16xi32>
        %parallel_loop3A_294 = arith.constant 127 : i32
        %parallel_loop3A_295 = vector.broadcast %parallel_loop3A_294 : i32 to vector<16xi32>
        %parallel_loop3A_296 = arith.andi %parallel_loop3A_290, %parallel_loop3A_295 : vector<16xi32>
        %parallel_loop3A_297 = tpu.vector_load_idx %arg5[%parallel_loop3A_293, %parallel_loop3A_296] : memref<782x128xf32, #tpu.memory_space<vmem>>[vector<16xi32>, vector<16xi32>], vector<16xf32>,
        %parallel_loop3A_298 = arith.constant 0 : i32
        %parallel_loop3A_299 = arith.index_cast %parallel_loop3A_298 : i32 to index
        %parallel_loop3A_300 = arith.index_cast %parallel_loop3A_200 : i32 to index
        %parallel_loop3A_301 = arith.constant 80 : index
        %parallel_loop3A_302 = tpu.vector_load %arg7[%parallel_loop3A_299, %parallel_loop3A_300, %parallel_loop3A_301] {strides = array<i32>} : memref<2x32x128xf32, #tpu.memory_space<vmem>>, vector<16xf32>,
        tpu.vector_store %arg7[%parallel_loop3A_299, %parallel_loop3A_300, %parallel_loop3A_301], %parallel_loop3A_297 {strides = array<i32>} : memref<2x32x128xf32, #tpu.memory_space<vmem>>, vector<16xf32>,
        %parallel_loop3A_303 = arith.constant 0 : i32
        %parallel_loop3A_304 = arith.addi %parallel_loop3A_303, %parallel_loop3A_200 : i32
        %parallel_loop3A_305 = arith.index_cast %parallel_loop3A_304 : i32 to index
        %parallel_loop3A_306 = arith.constant 96 : index
        %parallel_loop3A_307 = tpu.vector_load %arg6[%parallel_loop3A_305, %parallel_loop3A_306] {strides = array<i32>} : memref<128x128xi32, #tpu.memory_space<vmem>>, vector<16xi32>,
        %parallel_loop3A_308 = arith.constant 7 : i32
        %parallel_loop3A_309 = vector.broadcast %parallel_loop3A_308 : i32 to vector<16xi32>
        %parallel_loop3A_310 = arith.shrui %parallel_loop3A_307, %parallel_loop3A_309 : vector<16xi32>
        %parallel_loop3A_311 = arith.constant 127 : i32
        %parallel_loop3A_312 = vector.broadcast %parallel_loop3A_311 : i32 to vector<16xi32>
        %parallel_loop3A_313 = arith.andi %parallel_loop3A_307, %parallel_loop3A_312 : vector<16xi32>
        %parallel_loop3A_314 = tpu.vector_load_idx %arg5[%parallel_loop3A_310, %parallel_loop3A_313] : memref<782x128xf32, #tpu.memory_space<vmem>>[vector<16xi32>, vector<16xi32>], vector<16xf32>,
        %parallel_loop3A_315 = arith.constant 0 : i32
        %parallel_loop3A_316 = arith.index_cast %parallel_loop3A_315 : i32 to index
        %parallel_loop3A_317 = arith.index_cast %parallel_loop3A_200 : i32 to index
        %parallel_loop3A_318 = arith.constant 96 : index
        %parallel_loop3A_319 = tpu.vector_load %arg7[%parallel_loop3A_316, %parallel_loop3A_317, %parallel_loop3A_318] {strides = array<i32>} : memref<2x32x128xf32, #tpu.memory_space<vmem>>, vector<16xf32>,
        tpu.vector_store %arg7[%parallel_loop3A_316, %parallel_loop3A_317, %parallel_loop3A_318], %parallel_loop3A_314 {strides = array<i32>} : memref<2x32x128xf32, #tpu.memory_space<vmem>>, vector<16xf32>,
        %parallel_loop3A_320 = arith.constant 0 : i32
        %parallel_loop3A_321 = arith.addi %parallel_loop3A_320, %parallel_loop3A_200 : i32
        %parallel_loop3A_322 = arith.index_cast %parallel_loop3A_321 : i32 to index
        %parallel_loop3A_323 = arith.constant 112 : index
        %parallel_loop3A_324 = tpu.vector_load %arg6[%parallel_loop3A_322, %parallel_loop3A_323] {strides = array<i32>} : memref<128x128xi32, #tpu.memory_space<vmem>>, vector<16xi32>,
        %parallel_loop3A_325 = arith.constant 7 : i32
        %parallel_loop3A_326 = vector.broadcast %parallel_loop3A_325 : i32 to vector<16xi32>
        %parallel_loop3A_327 = arith.shrui %parallel_loop3A_324, %parallel_loop3A_326 : vector<16xi32>
        %parallel_loop3A_328 = arith.constant 127 : i32
        %parallel_loop3A_329 = vector.broadcast %parallel_loop3A_328 : i32 to vector<16xi32>
        %parallel_loop3A_330 = arith.andi %parallel_loop3A_324, %parallel_loop3A_329 : vector<16xi32>
        %parallel_loop3A_331 = tpu.vector_load_idx %arg5[%parallel_loop3A_327, %parallel_loop3A_330] : memref<782x128xf32, #tpu.memory_space<vmem>>[vector<16xi32>, vector<16xi32>], vector<16xf32>,
        %parallel_loop3A_332 = arith.constant 0 : i32
        %parallel_loop3A_333 = arith.index_cast %parallel_loop3A_332 : i32 to index
        %parallel_loop3A_334 = arith.index_cast %parallel_loop3A_200 : i32 to index
        %parallel_loop3A_335 = arith.constant 112 : index
        %parallel_loop3A_336 = tpu.vector_load %arg7[%parallel_loop3A_333, %parallel_loop3A_334, %parallel_loop3A_335] {strides = array<i32>} : memref<2x32x128xf32, #tpu.memory_space<vmem>>, vector<16xf32>,
        tpu.vector_store %arg7[%parallel_loop3A_333, %parallel_loop3A_334, %parallel_loop3A_335], %parallel_loop3A_331 {strides = array<i32>} : memref<2x32x128xf32, #tpu.memory_space<vmem>>, vector<16xf32>,
      } {sc.loop_unroll_factor = 4 : i64, sc.parallel_access}
      %dma_start3A_83 = arith.constant 0 : i32
      %dma_start3A_84 = arith.constant 0 : i32
      %dma_start3A_85 = arith.constant 0 : i32
      %dma_start3A_86 = tpu.memref_slice %arg7[%dma_start3A_83, %dma_start3A_84, %dma_start3A_85] : memref<2x32x128xf32, #tpu.memory_space<vmem>> -> memref<1x32x128xf32, #tpu.memory_space<vmem>>
      %dma_start3A_87 = tpu.memref_squeeze %dma_start3A_86 : memref<1x32x128xf32, #tpu.memory_space<vmem>> -> memref<32x128xf32, #tpu.memory_space<vmem>>
      %dma_start3A_88 = arith.constant 0 : i32
      %dma_start3A_89 = arith.constant 0 : i32
      %dma_start3A_90 = tpu.memref_slice %arg4[%add3A_46, %dma_start3A_88, %dma_start3A_89] : memref<416x128x128xf32, #tpu.memory_space<hbm>> -> memref<1x32x128xf32, #tpu.memory_space<hbm>>
      %dma_start3A_91 = tpu.memref_squeeze %dma_start3A_90 : memref<1x32x128xf32, #tpu.memory_space<hbm>> -> memref<32x128xf32, #tpu.memory_space<hbm>>
      %dma_start3A_92 = arith.constant 0 : i32
      %dma_start3A_93 = arith.constant 0 : i32
      %dma_start3A_94 = tpu.memref_slice %arg4[%add3A_46, %dma_start3A_92, %dma_start3A_93] : memref<416x128x128xf32, #tpu.memory_space<hbm>> -> memref<1x32x128xf32, #tpu.memory_space<hbm>>
      %dma_start3A_95 = tpu.memref_squeeze %dma_start3A_94 : memref<1x32x128xf32, #tpu.memory_space<hbm>> -> memref<32x128xf32, #tpu.memory_space<hbm>>
      %dma_start3A_96 = arith.constant 0 : i32
      %dma_start3A_97 = arith.constant 0 : i32
      %dma_start3A_98 = tpu.memref_slice %arg7[%dma_start3A_83, %dma_start3A_96, %dma_start3A_97] : memref<2x32x128xf32, #tpu.memory_space<vmem>> -> memref<1x32x128xf32, #tpu.memory_space<vmem>>
      %dma_start3A_99 = tpu.memref_squeeze %dma_start3A_98 : memref<1x32x128xf32, #tpu.memory_space<vmem>> -> memref<32x128xf32, #tpu.memory_space<vmem>>
      tpu.enqueue_dma source(%dma_start3A_99 : memref<32x128xf32, #tpu.memory_space<vmem>>) target(%dma_start3A_95 : memref<32x128xf32, #tpu.memory_space<hbm>>) target_semaphore(%arg10 : memref<!tpu.dma_semaphore, #tpu.memory_space<semaphore_mem>>)
      %gt3A_100 = arith.constant 0 : i32
      %gt3A_101 = arith.cmpi sgt, %scan3A_42, %gt3A_100 : i32
      %convert_element_type3A_102 = arith.extui %gt3A_101 : i1 to i32
      %cond3A_103 = arith.constant 0 : i32
      %cond3A_104 = arith.cmpi ne, %convert_element_type3A_102, %cond3A_103 : i32
      scf.if %cond3A_104 {
        %dma_wait3A_200 = arith.constant 1 : i32
        %dma_wait3A_201 = arith.constant 0 : i32
        %dma_wait3A_202 = arith.constant 0 : i32
        %dma_wait3A_203 = tpu.memref_slice %arg7[%dma_wait3A_200, %dma_wait3A_201, %dma_wait3A_202] : memref<2x32x128xf32, #tpu.memory_space<vmem>> -> memref<1x32x128xf32, #tpu.memory_space<vmem>>
        %dma_wait3A_204 = tpu.memref_squeeze %dma_wait3A_203 : memref<1x32x128xf32, #tpu.memory_space<vmem>> -> memref<32x128xf32, #tpu.memory_space<vmem>>
        %dma_wait3A_205 = arith.constant 32 : i32
        %dma_wait3A_206 = arith.constant 0 : i32
        %dma_wait3A_207 = tpu.memref_slice %arg4[%add3A_46, %dma_wait3A_205, %dma_wait3A_206] : memref<416x128x128xf32, #tpu.memory_space<hbm>> -> memref<1x32x128xf32, #tpu.memory_space<hbm>>
        %dma_wait3A_208 = tpu.memref_squeeze %dma_wait3A_207 : memref<1x32x128xf32, #tpu.memory_space<hbm>> -> memref<32x128xf32, #tpu.memory_space<hbm>>
        %dma_wait3A_209 = arith.constant 32 : i32
        %dma_wait3A_210 = arith.constant 0 : i32
        %dma_wait3A_211 = tpu.memref_slice %arg4[%add3A_46, %dma_wait3A_209, %dma_wait3A_210] : memref<416x128x128xf32, #tpu.memory_space<hbm>> -> memref<1x32x128xf32, #tpu.memory_space<hbm>>
        %dma_wait3A_212 = tpu.memref_squeeze %dma_wait3A_211 : memref<1x32x128xf32, #tpu.memory_space<hbm>> -> memref<32x128xf32, #tpu.memory_space<hbm>>
        %dma_wait3A_213 = arith.constant 0 : i32
        %dma_wait3A_214 = arith.constant 0 : i32
        %dma_wait3A_215 = tpu.memref_slice %arg7[%dma_wait3A_200, %dma_wait3A_213, %dma_wait3A_214] : memref<2x32x128xf32, #tpu.memory_space<vmem>> -> memref<1x32x128xf32, #tpu.memory_space<vmem>>
        %dma_wait3A_216 = tpu.memref_squeeze %dma_wait3A_215 : memref<1x32x128xf32, #tpu.memory_space<vmem>> -> memref<32x128xf32, #tpu.memory_space<vmem>>
        tpu.wait_dma2 semaphore(%arg11 : memref<!tpu.dma_semaphore, #tpu.memory_space<semaphore_mem>>) src(%dma_wait3A_216 : memref<32x128xf32, #tpu.memory_space<vmem>>) dst(%dma_wait3A_212 : memref<32x128xf32, #tpu.memory_space<hbm>>)
      } else {
      }
      %parallel_loop3A_105 = arith.constant 0 : i32
      %parallel_loop3A_106 = arith.constant 32 : i32
      %parallel_loop3A_107 = arith.constant 1 : i32
      scf.for %parallel_loop3A_200 = %parallel_loop3A_105 to %parallel_loop3A_106 step %parallel_loop3A_107  : i32 {
        %parallel_loop3A_201 = arith.constant 32 : i32
        %parallel_loop3A_202 = arith.addi %parallel_loop3A_201, %parallel_loop3A_200 : i32
        %parallel_loop3A_203 = arith.index_cast %parallel_loop3A_202 : i32 to index
        %parallel_loop3A_204 = arith.constant 0 : index
        %parallel_loop3A_205 = tpu.vector_load %arg6[%parallel_loop3A_203, %parallel_loop3A_204] {strides = array<i32>} : memref<128x128xi32, #tpu.memory_space<vmem>>, vector<16xi32>,
        %parallel_loop3A_206 = arith.constant 7 : i32
        %parallel_loop3A_207 = vector.broadcast %parallel_loop3A_206 : i32 to vector<16xi32>
        %parallel_loop3A_208 = arith.shrui %parallel_loop3A_205, %parallel_loop3A_207 : vector<16xi32>
        %parallel_loop3A_209 = arith.constant 127 : i32
        %parallel_loop3A_210 = vector.broadcast %parallel_loop3A_209 : i32 to vector<16xi32>
        %parallel_loop3A_211 = arith.andi %parallel_loop3A_205, %parallel_loop3A_210 : vector<16xi32>
        %parallel_loop3A_212 = tpu.vector_load_idx %arg5[%parallel_loop3A_208, %parallel_loop3A_211] : memref<782x128xf32, #tpu.memory_space<vmem>>[vector<16xi32>, vector<16xi32>], vector<16xf32>,
        %parallel_loop3A_213 = arith.constant 1 : i32
        %parallel_loop3A_214 = arith.index_cast %parallel_loop3A_213 : i32 to index
        %parallel_loop3A_215 = arith.index_cast %parallel_loop3A_200 : i32 to index
        %parallel_loop3A_216 = arith.constant 0 : index
        %parallel_loop3A_217 = tpu.vector_load %arg7[%parallel_loop3A_214, %parallel_loop3A_215, %parallel_loop3A_216] {strides = array<i32>} : memref<2x32x128xf32, #tpu.memory_space<vmem>>, vector<16xf32>,
        tpu.vector_store %arg7[%parallel_loop3A_214, %parallel_loop3A_215, %parallel_loop3A_216], %parallel_loop3A_212 {strides = array<i32>} : memref<2x32x128xf32, #tpu.memory_space<vmem>>, vector<16xf32>,
        %parallel_loop3A_218 = arith.constant 32 : i32
        %parallel_loop3A_219 = arith.addi %parallel_loop3A_218, %parallel_loop3A_200 : i32
        %parallel_loop3A_220 = arith.index_cast %parallel_loop3A_219 : i32 to index
        %parallel_loop3A_221 = arith.constant 16 : index
        %parallel_loop3A_222 = tpu.vector_load %arg6[%parallel_loop3A_220, %parallel_loop3A_221] {strides = array<i32>} : memref<128x128xi32, #tpu.memory_space<vmem>>, vector<16xi32>,
        %parallel_loop3A_223 = arith.constant 7 : i32
        %parallel_loop3A_224 = vector.broadcast %parallel_loop3A_223 : i32 to vector<16xi32>
        %parallel_loop3A_225 = arith.shrui %parallel_loop3A_222, %parallel_loop3A_224 : vector<16xi32>
        %parallel_loop3A_226 = arith.constant 127 : i32
        %parallel_loop3A_227 = vector.broadcast %parallel_loop3A_226 : i32 to vector<16xi32>
        %parallel_loop3A_228 = arith.andi %parallel_loop3A_222, %parallel_loop3A_227 : vector<16xi32>
        %parallel_loop3A_229 = tpu.vector_load_idx %arg5[%parallel_loop3A_225, %parallel_loop3A_228] : memref<782x128xf32, #tpu.memory_space<vmem>>[vector<16xi32>, vector<16xi32>], vector<16xf32>,
        %parallel_loop3A_230 = arith.constant 1 : i32
        %parallel_loop3A_231 = arith.index_cast %parallel_loop3A_230 : i32 to index
        %parallel_loop3A_232 = arith.index_cast %parallel_loop3A_200 : i32 to index
        %parallel_loop3A_233 = arith.constant 16 : index
        %parallel_loop3A_234 = tpu.vector_load %arg7[%parallel_loop3A_231, %parallel_loop3A_232, %parallel_loop3A_233] {strides = array<i32>} : memref<2x32x128xf32, #tpu.memory_space<vmem>>, vector<16xf32>,
        tpu.vector_store %arg7[%parallel_loop3A_231, %parallel_loop3A_232, %parallel_loop3A_233], %parallel_loop3A_229 {strides = array<i32>} : memref<2x32x128xf32, #tpu.memory_space<vmem>>, vector<16xf32>,
        %parallel_loop3A_235 = arith.constant 32 : i32
        %parallel_loop3A_236 = arith.addi %parallel_loop3A_235, %parallel_loop3A_200 : i32
        %parallel_loop3A_237 = arith.index_cast %parallel_loop3A_236 : i32 to index
        %parallel_loop3A_238 = arith.constant 32 : index
        %parallel_loop3A_239 = tpu.vector_load %arg6[%parallel_loop3A_237, %parallel_loop3A_238] {strides = array<i32>} : memref<128x128xi32, #tpu.memory_space<vmem>>, vector<16xi32>,
        %parallel_loop3A_240 = arith.constant 7 : i32
        %parallel_loop3A_241 = vector.broadcast %parallel_loop3A_240 : i32 to vector<16xi32>
        %parallel_loop3A_242 = arith.shrui %parallel_loop3A_239, %parallel_loop3A_241 : vector<16xi32>
        %parallel_loop3A_243 = arith.constant 127 : i32
        %parallel_loop3A_244 = vector.broadcast %parallel_loop3A_243 : i32 to vector<16xi32>
        %parallel_loop3A_245 = arith.andi %parallel_loop3A_239, %parallel_loop3A_244 : vector<16xi32>
        %parallel_loop3A_246 = tpu.vector_load_idx %arg5[%parallel_loop3A_242, %parallel_loop3A_245] : memref<782x128xf32, #tpu.memory_space<vmem>>[vector<16xi32>, vector<16xi32>], vector<16xf32>,
        %parallel_loop3A_247 = arith.constant 1 : i32
        %parallel_loop3A_248 = arith.index_cast %parallel_loop3A_247 : i32 to index
        %parallel_loop3A_249 = arith.index_cast %parallel_loop3A_200 : i32 to index
        %parallel_loop3A_250 = arith.constant 32 : index
        %parallel_loop3A_251 = tpu.vector_load %arg7[%parallel_loop3A_248, %parallel_loop3A_249, %parallel_loop3A_250] {strides = array<i32>} : memref<2x32x128xf32, #tpu.memory_space<vmem>>, vector<16xf32>,
        tpu.vector_store %arg7[%parallel_loop3A_248, %parallel_loop3A_249, %parallel_loop3A_250], %parallel_loop3A_246 {strides = array<i32>} : memref<2x32x128xf32, #tpu.memory_space<vmem>>, vector<16xf32>,
        %parallel_loop3A_252 = arith.constant 32 : i32
        %parallel_loop3A_253 = arith.addi %parallel_loop3A_252, %parallel_loop3A_200 : i32
        %parallel_loop3A_254 = arith.index_cast %parallel_loop3A_253 : i32 to index
        %parallel_loop3A_255 = arith.constant 48 : index
        %parallel_loop3A_256 = tpu.vector_load %arg6[%parallel_loop3A_254, %parallel_loop3A_255] {strides = array<i32>} : memref<128x128xi32, #tpu.memory_space<vmem>>, vector<16xi32>,
        %parallel_loop3A_257 = arith.constant 7 : i32
        %parallel_loop3A_258 = vector.broadcast %parallel_loop3A_257 : i32 to vector<16xi32>
        %parallel_loop3A_259 = arith.shrui %parallel_loop3A_256, %parallel_loop3A_258 : vector<16xi32>
        %parallel_loop3A_260 = arith.constant 127 : i32
        %parallel_loop3A_261 = vector.broadcast %parallel_loop3A_260 : i32 to vector<16xi32>
        %parallel_loop3A_262 = arith.andi %parallel_loop3A_256, %parallel_loop3A_261 : vector<16xi32>
        %parallel_loop3A_263 = tpu.vector_load_idx %arg5[%parallel_loop3A_259, %parallel_loop3A_262] : memref<782x128xf32, #tpu.memory_space<vmem>>[vector<16xi32>, vector<16xi32>], vector<16xf32>,
        %parallel_loop3A_264 = arith.constant 1 : i32
        %parallel_loop3A_265 = arith.index_cast %parallel_loop3A_264 : i32 to index
        %parallel_loop3A_266 = arith.index_cast %parallel_loop3A_200 : i32 to index
        %parallel_loop3A_267 = arith.constant 48 : index
        %parallel_loop3A_268 = tpu.vector_load %arg7[%parallel_loop3A_265, %parallel_loop3A_266, %parallel_loop3A_267] {strides = array<i32>} : memref<2x32x128xf32, #tpu.memory_space<vmem>>, vector<16xf32>,
        tpu.vector_store %arg7[%parallel_loop3A_265, %parallel_loop3A_266, %parallel_loop3A_267], %parallel_loop3A_263 {strides = array<i32>} : memref<2x32x128xf32, #tpu.memory_space<vmem>>, vector<16xf32>,
        %parallel_loop3A_269 = arith.constant 32 : i32
        %parallel_loop3A_270 = arith.addi %parallel_loop3A_269, %parallel_loop3A_200 : i32
        %parallel_loop3A_271 = arith.index_cast %parallel_loop3A_270 : i32 to index
        %parallel_loop3A_272 = arith.constant 64 : index
        %parallel_loop3A_273 = tpu.vector_load %arg6[%parallel_loop3A_271, %parallel_loop3A_272] {strides = array<i32>} : memref<128x128xi32, #tpu.memory_space<vmem>>, vector<16xi32>,
        %parallel_loop3A_274 = arith.constant 7 : i32
        %parallel_loop3A_275 = vector.broadcast %parallel_loop3A_274 : i32 to vector<16xi32>
        %parallel_loop3A_276 = arith.shrui %parallel_loop3A_273, %parallel_loop3A_275 : vector<16xi32>
        %parallel_loop3A_277 = arith.constant 127 : i32
        %parallel_loop3A_278 = vector.broadcast %parallel_loop3A_277 : i32 to vector<16xi32>
        %parallel_loop3A_279 = arith.andi %parallel_loop3A_273, %parallel_loop3A_278 : vector<16xi32>
        %parallel_loop3A_280 = tpu.vector_load_idx %arg5[%parallel_loop3A_276, %parallel_loop3A_279] : memref<782x128xf32, #tpu.memory_space<vmem>>[vector<16xi32>, vector<16xi32>], vector<16xf32>,
        %parallel_loop3A_281 = arith.constant 1 : i32
        %parallel_loop3A_282 = arith.index_cast %parallel_loop3A_281 : i32 to index
        %parallel_loop3A_283 = arith.index_cast %parallel_loop3A_200 : i32 to index
        %parallel_loop3A_284 = arith.constant 64 : index
        %parallel_loop3A_285 = tpu.vector_load %arg7[%parallel_loop3A_282, %parallel_loop3A_283, %parallel_loop3A_284] {strides = array<i32>} : memref<2x32x128xf32, #tpu.memory_space<vmem>>, vector<16xf32>,
        tpu.vector_store %arg7[%parallel_loop3A_282, %parallel_loop3A_283, %parallel_loop3A_284], %parallel_loop3A_280 {strides = array<i32>} : memref<2x32x128xf32, #tpu.memory_space<vmem>>, vector<16xf32>,
        %parallel_loop3A_286 = arith.constant 32 : i32
        %parallel_loop3A_287 = arith.addi %parallel_loop3A_286, %parallel_loop3A_200 : i32
        %parallel_loop3A_288 = arith.index_cast %parallel_loop3A_287 : i32 to index
        %parallel_loop3A_289 = arith.constant 80 : index
        %parallel_loop3A_290 = tpu.vector_load %arg6[%parallel_loop3A_288, %parallel_loop3A_289] {strides = array<i32>} : memref<128x128xi32, #tpu.memory_space<vmem>>, vector<16xi32>,
        %parallel_loop3A_291 = arith.constant 7 : i32
        %parallel_loop3A_292 = vector.broadcast %parallel_loop3A_291 : i32 to vector<16xi32>
        %parallel_loop3A_293 = arith.shrui %parallel_loop3A_290, %parallel_loop3A_292 : vector<16xi32>
        %parallel_loop3A_294 = arith.constant 127 : i32
        %parallel_loop3A_295 = vector.broadcast %parallel_loop3A_294 : i32 to vector<16xi32>
        %parallel_loop3A_296 = arith.andi %parallel_loop3A_290, %parallel_loop3A_295 : vector<16xi32>
        %parallel_loop3A_297 = tpu.vector_load_idx %arg5[%parallel_loop3A_293, %parallel_loop3A_296] : memref<782x128xf32, #tpu.memory_space<vmem>>[vector<16xi32>, vector<16xi32>], vector<16xf32>,
        %parallel_loop3A_298 = arith.constant 1 : i32
        %parallel_loop3A_299 = arith.index_cast %parallel_loop3A_298 : i32 to index
        %parallel_loop3A_300 = arith.index_cast %parallel_loop3A_200 : i32 to index
        %parallel_loop3A_301 = arith.constant 80 : index
        %parallel_loop3A_302 = tpu.vector_load %arg7[%parallel_loop3A_299, %parallel_loop3A_300, %parallel_loop3A_301] {strides = array<i32>} : memref<2x32x128xf32, #tpu.memory_space<vmem>>, vector<16xf32>,
        tpu.vector_store %arg7[%parallel_loop3A_299, %parallel_loop3A_300, %parallel_loop3A_301], %parallel_loop3A_297 {strides = array<i32>} : memref<2x32x128xf32, #tpu.memory_space<vmem>>, vector<16xf32>,
        %parallel_loop3A_303 = arith.constant 32 : i32
        %parallel_loop3A_304 = arith.addi %parallel_loop3A_303, %parallel_loop3A_200 : i32
        %parallel_loop3A_305 = arith.index_cast %parallel_loop3A_304 : i32 to index
        %parallel_loop3A_306 = arith.constant 96 : index
        %parallel_loop3A_307 = tpu.vector_load %arg6[%parallel_loop3A_305, %parallel_loop3A_306] {strides = array<i32>} : memref<128x128xi32, #tpu.memory_space<vmem>>, vector<16xi32>,
        %parallel_loop3A_308 = arith.constant 7 : i32
        %parallel_loop3A_309 = vector.broadcast %parallel_loop3A_308 : i32 to vector<16xi32>
        %parallel_loop3A_310 = arith.shrui %parallel_loop3A_307, %parallel_loop3A_309 : vector<16xi32>
        %parallel_loop3A_311 = arith.constant 127 : i32
        %parallel_loop3A_312 = vector.broadcast %parallel_loop3A_311 : i32 to vector<16xi32>
        %parallel_loop3A_313 = arith.andi %parallel_loop3A_307, %parallel_loop3A_312 : vector<16xi32>
        %parallel_loop3A_314 = tpu.vector_load_idx %arg5[%parallel_loop3A_310, %parallel_loop3A_313] : memref<782x128xf32, #tpu.memory_space<vmem>>[vector<16xi32>, vector<16xi32>], vector<16xf32>,
        %parallel_loop3A_315 = arith.constant 1 : i32
        %parallel_loop3A_316 = arith.index_cast %parallel_loop3A_315 : i32 to index
        %parallel_loop3A_317 = arith.index_cast %parallel_loop3A_200 : i32 to index
        %parallel_loop3A_318 = arith.constant 96 : index
        %parallel_loop3A_319 = tpu.vector_load %arg7[%parallel_loop3A_316, %parallel_loop3A_317, %parallel_loop3A_318] {strides = array<i32>} : memref<2x32x128xf32, #tpu.memory_space<vmem>>, vector<16xf32>,
        tpu.vector_store %arg7[%parallel_loop3A_316, %parallel_loop3A_317, %parallel_loop3A_318], %parallel_loop3A_314 {strides = array<i32>} : memref<2x32x128xf32, #tpu.memory_space<vmem>>, vector<16xf32>,
        %parallel_loop3A_320 = arith.constant 32 : i32
        %parallel_loop3A_321 = arith.addi %parallel_loop3A_320, %parallel_loop3A_200 : i32
        %parallel_loop3A_322 = arith.index_cast %parallel_loop3A_321 : i32 to index
        %parallel_loop3A_323 = arith.constant 112 : index
        %parallel_loop3A_324 = tpu.vector_load %arg6[%parallel_loop3A_322, %parallel_loop3A_323] {strides = array<i32>} : memref<128x128xi32, #tpu.memory_space<vmem>>, vector<16xi32>,
        %parallel_loop3A_325 = arith.constant 7 : i32
        %parallel_loop3A_326 = vector.broadcast %parallel_loop3A_325 : i32 to vector<16xi32>
        %parallel_loop3A_327 = arith.shrui %parallel_loop3A_324, %parallel_loop3A_326 : vector<16xi32>
        %parallel_loop3A_328 = arith.constant 127 : i32
        %parallel_loop3A_329 = vector.broadcast %parallel_loop3A_328 : i32 to vector<16xi32>
        %parallel_loop3A_330 = arith.andi %parallel_loop3A_324, %parallel_loop3A_329 : vector<16xi32>
        %parallel_loop3A_331 = tpu.vector_load_idx %arg5[%parallel_loop3A_327, %parallel_loop3A_330] : memref<782x128xf32, #tpu.memory_space<vmem>>[vector<16xi32>, vector<16xi32>], vector<16xf32>,
        %parallel_loop3A_332 = arith.constant 1 : i32
        %parallel_loop3A_333 = arith.index_cast %parallel_loop3A_332 : i32 to index
        %parallel_loop3A_334 = arith.index_cast %parallel_loop3A_200 : i32 to index
        %parallel_loop3A_335 = arith.constant 112 : index
        %parallel_loop3A_336 = tpu.vector_load %arg7[%parallel_loop3A_333, %parallel_loop3A_334, %parallel_loop3A_335] {strides = array<i32>} : memref<2x32x128xf32, #tpu.memory_space<vmem>>, vector<16xf32>,
        tpu.vector_store %arg7[%parallel_loop3A_333, %parallel_loop3A_334, %parallel_loop3A_335], %parallel_loop3A_331 {strides = array<i32>} : memref<2x32x128xf32, #tpu.memory_space<vmem>>, vector<16xf32>,
      } {sc.loop_unroll_factor = 4 : i64, sc.parallel_access}
      %dma_start3A_108 = arith.constant 1 : i32
      %dma_start3A_109 = arith.constant 0 : i32
      %dma_start3A_110 = arith.constant 0 : i32
      %dma_start3A_111 = tpu.memref_slice %arg7[%dma_start3A_108, %dma_start3A_109, %dma_start3A_110] : memref<2x32x128xf32, #tpu.memory_space<vmem>> -> memref<1x32x128xf32, #tpu.memory_space<vmem>>
      %dma_start3A_112 = tpu.memref_squeeze %dma_start3A_111 : memref<1x32x128xf32, #tpu.memory_space<vmem>> -> memref<32x128xf32, #tpu.memory_space<vmem>>
      %dma_start3A_113 = arith.constant 32 : i32
      %dma_start3A_114 = arith.constant 0 : i32
      %dma_start3A_115 = tpu.memref_slice %arg4[%add3A_46, %dma_start3A_113, %dma_start3A_114] : memref<416x128x128xf32, #tpu.memory_space<hbm>> -> memref<1x32x128xf32, #tpu.memory_space<hbm>>
      %dma_start3A_116 = tpu.memref_squeeze %dma_start3A_115 : memref<1x32x128xf32, #tpu.memory_space<hbm>> -> memref<32x128xf32, #tpu.memory_space<hbm>>
      %dma_start3A_117 = arith.constant 32 : i32
      %dma_start3A_118 = arith.constant 0 : i32
      %dma_start3A_119 = tpu.memref_slice %arg4[%add3A_46, %dma_start3A_117, %dma_start3A_118] : memref<416x128x128xf32, #tpu.memory_space<hbm>> -> memref<1x32x128xf32, #tpu.memory_space<hbm>>
      %dma_start3A_120 = tpu.memref_squeeze %dma_start3A_119 : memref<1x32x128xf32, #tpu.memory_space<hbm>> -> memref<32x128xf32, #tpu.memory_space<hbm>>
      %dma_start3A_121 = arith.constant 0 : i32
      %dma_start3A_122 = arith.constant 0 : i32
      %dma_start3A_123 = tpu.memref_slice %arg7[%dma_start3A_108, %dma_start3A_121, %dma_start3A_122] : memref<2x32x128xf32, #tpu.memory_space<vmem>> -> memref<1x32x128xf32, #tpu.memory_space<vmem>>
      %dma_start3A_124 = tpu.memref_squeeze %dma_start3A_123 : memref<1x32x128xf32, #tpu.memory_space<vmem>> -> memref<32x128xf32, #tpu.memory_space<vmem>>
      tpu.enqueue_dma source(%dma_start3A_124 : memref<32x128xf32, #tpu.memory_space<vmem>>) target(%dma_start3A_120 : memref<32x128xf32, #tpu.memory_space<hbm>>) target_semaphore(%arg11 : memref<!tpu.dma_semaphore, #tpu.memory_space<semaphore_mem>>)
      %dma_wait3A_125 = arith.constant 0 : i32
      %dma_wait3A_126 = arith.constant 0 : i32
      %dma_wait3A_127 = arith.constant 0 : i32
      %dma_wait3A_128 = tpu.memref_slice %arg7[%dma_wait3A_125, %dma_wait3A_126, %dma_wait3A_127] : memref<2x32x128xf32, #tpu.memory_space<vmem>> -> memref<1x32x128xf32, #tpu.memory_space<vmem>>
      %dma_wait3A_129 = tpu.memref_squeeze %dma_wait3A_128 : memref<1x32x128xf32, #tpu.memory_space<vmem>> -> memref<32x128xf32, #tpu.memory_space<vmem>>
      %dma_wait3A_130 = arith.constant 64 : i32
      %dma_wait3A_131 = arith.constant 0 : i32
      %dma_wait3A_132 = tpu.memref_slice %arg4[%add3A_46, %dma_wait3A_130, %dma_wait3A_131] : memref<416x128x128xf32, #tpu.memory_space<hbm>> -> memref<1x32x128xf32, #tpu.memory_space<hbm>>
      %dma_wait3A_133 = tpu.memref_squeeze %dma_wait3A_132 : memref<1x32x128xf32, #tpu.memory_space<hbm>> -> memref<32x128xf32, #tpu.memory_space<hbm>>
      %dma_wait3A_134 = arith.constant 64 : i32
      %dma_wait3A_135 = arith.constant 0 : i32
      %dma_wait3A_136 = tpu.memref_slice %arg4[%add3A_46, %dma_wait3A_134, %dma_wait3A_135] : memref<416x128x128xf32, #tpu.memory_space<hbm>> -> memref<1x32x128xf32, #tpu.memory_space<hbm>>
      %dma_wait3A_137 = tpu.memref_squeeze %dma_wait3A_136 : memref<1x32x128xf32, #tpu.memory_space<hbm>> -> memref<32x128xf32, #tpu.memory_space<hbm>>
      %dma_wait3A_138 = arith.constant 0 : i32
      %dma_wait3A_139 = arith.constant 0 : i32
      %dma_wait3A_140 = tpu.memref_slice %arg7[%dma_wait3A_125, %dma_wait3A_138, %dma_wait3A_139] : memref<2x32x128xf32, #tpu.memory_space<vmem>> -> memref<1x32x128xf32, #tpu.memory_space<vmem>>
      %dma_wait3A_141 = tpu.memref_squeeze %dma_wait3A_140 : memref<1x32x128xf32, #tpu.memory_space<vmem>> -> memref<32x128xf32, #tpu.memory_space<vmem>>
      tpu.wait_dma2 semaphore(%arg10 : memref<!tpu.dma_semaphore, #tpu.memory_space<semaphore_mem>>) src(%dma_wait3A_141 : memref<32x128xf32, #tpu.memory_space<vmem>>) dst(%dma_wait3A_137 : memref<32x128xf32, #tpu.memory_space<hbm>>)
      %parallel_loop3A_142 = arith.constant 0 : i32
      %parallel_loop3A_143 = arith.constant 32 : i32
      %parallel_loop3A_144 = arith.constant 1 : i32
      scf.for %parallel_loop3A_200 = %parallel_loop3A_142 to %parallel_loop3A_143 step %parallel_loop3A_144  : i32 {
        %parallel_loop3A_201 = arith.constant 64 : i32
        %parallel_loop3A_202 = arith.addi %parallel_loop3A_201, %parallel_loop3A_200 : i32
        %parallel_loop3A_203 = arith.index_cast %parallel_loop3A_202 : i32 to index
        %parallel_loop3A_204 = arith.constant 0 : index
        %parallel_loop3A_205 = tpu.vector_load %arg6[%parallel_loop3A_203, %parallel_loop3A_204] {strides = array<i32>} : memref<128x128xi32, #tpu.memory_space<vmem>>, vector<16xi32>,
        %parallel_loop3A_206 = arith.constant 7 : i32
        %parallel_loop3A_207 = vector.broadcast %parallel_loop3A_206 : i32 to vector<16xi32>
        %parallel_loop3A_208 = arith.shrui %parallel_loop3A_205, %parallel_loop3A_207 : vector<16xi32>
        %parallel_loop3A_209 = arith.constant 127 : i32
        %parallel_loop3A_210 = vector.broadcast %parallel_loop3A_209 : i32 to vector<16xi32>
        %parallel_loop3A_211 = arith.andi %parallel_loop3A_205, %parallel_loop3A_210 : vector<16xi32>
        %parallel_loop3A_212 = tpu.vector_load_idx %arg5[%parallel_loop3A_208, %parallel_loop3A_211] : memref<782x128xf32, #tpu.memory_space<vmem>>[vector<16xi32>, vector<16xi32>], vector<16xf32>,
        %parallel_loop3A_213 = arith.constant 0 : i32
        %parallel_loop3A_214 = arith.index_cast %parallel_loop3A_213 : i32 to index
        %parallel_loop3A_215 = arith.index_cast %parallel_loop3A_200 : i32 to index
        %parallel_loop3A_216 = arith.constant 0 : index
        %parallel_loop3A_217 = tpu.vector_load %arg7[%parallel_loop3A_214, %parallel_loop3A_215, %parallel_loop3A_216] {strides = array<i32>} : memref<2x32x128xf32, #tpu.memory_space<vmem>>, vector<16xf32>,
        tpu.vector_store %arg7[%parallel_loop3A_214, %parallel_loop3A_215, %parallel_loop3A_216], %parallel_loop3A_212 {strides = array<i32>} : memref<2x32x128xf32, #tpu.memory_space<vmem>>, vector<16xf32>,
        %parallel_loop3A_218 = arith.constant 64 : i32
        %parallel_loop3A_219 = arith.addi %parallel_loop3A_218, %parallel_loop3A_200 : i32
        %parallel_loop3A_220 = arith.index_cast %parallel_loop3A_219 : i32 to index
        %parallel_loop3A_221 = arith.constant 16 : index
        %parallel_loop3A_222 = tpu.vector_load %arg6[%parallel_loop3A_220, %parallel_loop3A_221] {strides = array<i32>} : memref<128x128xi32, #tpu.memory_space<vmem>>, vector<16xi32>,
        %parallel_loop3A_223 = arith.constant 7 : i32
        %parallel_loop3A_224 = vector.broadcast %parallel_loop3A_223 : i32 to vector<16xi32>
        %parallel_loop3A_225 = arith.shrui %parallel_loop3A_222, %parallel_loop3A_224 : vector<16xi32>
        %parallel_loop3A_226 = arith.constant 127 : i32
        %parallel_loop3A_227 = vector.broadcast %parallel_loop3A_226 : i32 to vector<16xi32>
        %parallel_loop3A_228 = arith.andi %parallel_loop3A_222, %parallel_loop3A_227 : vector<16xi32>
        %parallel_loop3A_229 = tpu.vector_load_idx %arg5[%parallel_loop3A_225, %parallel_loop3A_228] : memref<782x128xf32, #tpu.memory_space<vmem>>[vector<16xi32>, vector<16xi32>], vector<16xf32>,
        %parallel_loop3A_230 = arith.constant 0 : i32
        %parallel_loop3A_231 = arith.index_cast %parallel_loop3A_230 : i32 to index
        %parallel_loop3A_232 = arith.index_cast %parallel_loop3A_200 : i32 to index
        %parallel_loop3A_233 = arith.constant 16 : index
        %parallel_loop3A_234 = tpu.vector_load %arg7[%parallel_loop3A_231, %parallel_loop3A_232, %parallel_loop3A_233] {strides = array<i32>} : memref<2x32x128xf32, #tpu.memory_space<vmem>>, vector<16xf32>,
        tpu.vector_store %arg7[%parallel_loop3A_231, %parallel_loop3A_232, %parallel_loop3A_233], %parallel_loop3A_229 {strides = array<i32>} : memref<2x32x128xf32, #tpu.memory_space<vmem>>, vector<16xf32>,
        %parallel_loop3A_235 = arith.constant 64 : i32
        %parallel_loop3A_236 = arith.addi %parallel_loop3A_235, %parallel_loop3A_200 : i32
        %parallel_loop3A_237 = arith.index_cast %parallel_loop3A_236 : i32 to index
        %parallel_loop3A_238 = arith.constant 32 : index
        %parallel_loop3A_239 = tpu.vector_load %arg6[%parallel_loop3A_237, %parallel_loop3A_238] {strides = array<i32>} : memref<128x128xi32, #tpu.memory_space<vmem>>, vector<16xi32>,
        %parallel_loop3A_240 = arith.constant 7 : i32
        %parallel_loop3A_241 = vector.broadcast %parallel_loop3A_240 : i32 to vector<16xi32>
        %parallel_loop3A_242 = arith.shrui %parallel_loop3A_239, %parallel_loop3A_241 : vector<16xi32>
        %parallel_loop3A_243 = arith.constant 127 : i32
        %parallel_loop3A_244 = vector.broadcast %parallel_loop3A_243 : i32 to vector<16xi32>
        %parallel_loop3A_245 = arith.andi %parallel_loop3A_239, %parallel_loop3A_244 : vector<16xi32>
        %parallel_loop3A_246 = tpu.vector_load_idx %arg5[%parallel_loop3A_242, %parallel_loop3A_245] : memref<782x128xf32, #tpu.memory_space<vmem>>[vector<16xi32>, vector<16xi32>], vector<16xf32>,
        %parallel_loop3A_247 = arith.constant 0 : i32
        %parallel_loop3A_248 = arith.index_cast %parallel_loop3A_247 : i32 to index
        %parallel_loop3A_249 = arith.index_cast %parallel_loop3A_200 : i32 to index
        %parallel_loop3A_250 = arith.constant 32 : index
        %parallel_loop3A_251 = tpu.vector_load %arg7[%parallel_loop3A_248, %parallel_loop3A_249, %parallel_loop3A_250] {strides = array<i32>} : memref<2x32x128xf32, #tpu.memory_space<vmem>>, vector<16xf32>,
        tpu.vector_store %arg7[%parallel_loop3A_248, %parallel_loop3A_249, %parallel_loop3A_250], %parallel_loop3A_246 {strides = array<i32>} : memref<2x32x128xf32, #tpu.memory_space<vmem>>, vector<16xf32>,
        %parallel_loop3A_252 = arith.constant 64 : i32
        %parallel_loop3A_253 = arith.addi %parallel_loop3A_252, %parallel_loop3A_200 : i32
        %parallel_loop3A_254 = arith.index_cast %parallel_loop3A_253 : i32 to index
        %parallel_loop3A_255 = arith.constant 48 : index
        %parallel_loop3A_256 = tpu.vector_load %arg6[%parallel_loop3A_254, %parallel_loop3A_255] {strides = array<i32>} : memref<128x128xi32, #tpu.memory_space<vmem>>, vector<16xi32>,
        %parallel_loop3A_257 = arith.constant 7 : i32
        %parallel_loop3A_258 = vector.broadcast %parallel_loop3A_257 : i32 to vector<16xi32>
        %parallel_loop3A_259 = arith.shrui %parallel_loop3A_256, %parallel_loop3A_258 : vector<16xi32>
        %parallel_loop3A_260 = arith.constant 127 : i32
        %parallel_loop3A_261 = vector.broadcast %parallel_loop3A_260 : i32 to vector<16xi32>
        %parallel_loop3A_262 = arith.andi %parallel_loop3A_256, %parallel_loop3A_261 : vector<16xi32>
        %parallel_loop3A_263 = tpu.vector_load_idx %arg5[%parallel_loop3A_259, %parallel_loop3A_262] : memref<782x128xf32, #tpu.memory_space<vmem>>[vector<16xi32>, vector<16xi32>], vector<16xf32>,
        %parallel_loop3A_264 = arith.constant 0 : i32
        %parallel_loop3A_265 = arith.index_cast %parallel_loop3A_264 : i32 to index
        %parallel_loop3A_266 = arith.index_cast %parallel_loop3A_200 : i32 to index
        %parallel_loop3A_267 = arith.constant 48 : index
        %parallel_loop3A_268 = tpu.vector_load %arg7[%parallel_loop3A_265, %parallel_loop3A_266, %parallel_loop3A_267] {strides = array<i32>} : memref<2x32x128xf32, #tpu.memory_space<vmem>>, vector<16xf32>,
        tpu.vector_store %arg7[%parallel_loop3A_265, %parallel_loop3A_266, %parallel_loop3A_267], %parallel_loop3A_263 {strides = array<i32>} : memref<2x32x128xf32, #tpu.memory_space<vmem>>, vector<16xf32>,
        %parallel_loop3A_269 = arith.constant 64 : i32
        %parallel_loop3A_270 = arith.addi %parallel_loop3A_269, %parallel_loop3A_200 : i32
        %parallel_loop3A_271 = arith.index_cast %parallel_loop3A_270 : i32 to index
        %parallel_loop3A_272 = arith.constant 64 : index
        %parallel_loop3A_273 = tpu.vector_load %arg6[%parallel_loop3A_271, %parallel_loop3A_272] {strides = array<i32>} : memref<128x128xi32, #tpu.memory_space<vmem>>, vector<16xi32>,
        %parallel_loop3A_274 = arith.constant 7 : i32
        %parallel_loop3A_275 = vector.broadcast %parallel_loop3A_274 : i32 to vector<16xi32>
        %parallel_loop3A_276 = arith.shrui %parallel_loop3A_273, %parallel_loop3A_275 : vector<16xi32>
        %parallel_loop3A_277 = arith.constant 127 : i32
        %parallel_loop3A_278 = vector.broadcast %parallel_loop3A_277 : i32 to vector<16xi32>
        %parallel_loop3A_279 = arith.andi %parallel_loop3A_273, %parallel_loop3A_278 : vector<16xi32>
        %parallel_loop3A_280 = tpu.vector_load_idx %arg5[%parallel_loop3A_276, %parallel_loop3A_279] : memref<782x128xf32, #tpu.memory_space<vmem>>[vector<16xi32>, vector<16xi32>], vector<16xf32>,
        %parallel_loop3A_281 = arith.constant 0 : i32
        %parallel_loop3A_282 = arith.index_cast %parallel_loop3A_281 : i32 to index
        %parallel_loop3A_283 = arith.index_cast %parallel_loop3A_200 : i32 to index
        %parallel_loop3A_284 = arith.constant 64 : index
        %parallel_loop3A_285 = tpu.vector_load %arg7[%parallel_loop3A_282, %parallel_loop3A_283, %parallel_loop3A_284] {strides = array<i32>} : memref<2x32x128xf32, #tpu.memory_space<vmem>>, vector<16xf32>,
        tpu.vector_store %arg7[%parallel_loop3A_282, %parallel_loop3A_283, %parallel_loop3A_284], %parallel_loop3A_280 {strides = array<i32>} : memref<2x32x128xf32, #tpu.memory_space<vmem>>, vector<16xf32>,
        %parallel_loop3A_286 = arith.constant 64 : i32
        %parallel_loop3A_287 = arith.addi %parallel_loop3A_286, %parallel_loop3A_200 : i32
        %parallel_loop3A_288 = arith.index_cast %parallel_loop3A_287 : i32 to index
        %parallel_loop3A_289 = arith.constant 80 : index
        %parallel_loop3A_290 = tpu.vector_load %arg6[%parallel_loop3A_288, %parallel_loop3A_289] {strides = array<i32>} : memref<128x128xi32, #tpu.memory_space<vmem>>, vector<16xi32>,
        %parallel_loop3A_291 = arith.constant 7 : i32
        %parallel_loop3A_292 = vector.broadcast %parallel_loop3A_291 : i32 to vector<16xi32>
        %parallel_loop3A_293 = arith.shrui %parallel_loop3A_290, %parallel_loop3A_292 : vector<16xi32>
        %parallel_loop3A_294 = arith.constant 127 : i32
        %parallel_loop3A_295 = vector.broadcast %parallel_loop3A_294 : i32 to vector<16xi32>
        %parallel_loop3A_296 = arith.andi %parallel_loop3A_290, %parallel_loop3A_295 : vector<16xi32>
        %parallel_loop3A_297 = tpu.vector_load_idx %arg5[%parallel_loop3A_293, %parallel_loop3A_296] : memref<782x128xf32, #tpu.memory_space<vmem>>[vector<16xi32>, vector<16xi32>], vector<16xf32>,
        %parallel_loop3A_298 = arith.constant 0 : i32
        %parallel_loop3A_299 = arith.index_cast %parallel_loop3A_298 : i32 to index
        %parallel_loop3A_300 = arith.index_cast %parallel_loop3A_200 : i32 to index
        %parallel_loop3A_301 = arith.constant 80 : index
        %parallel_loop3A_302 = tpu.vector_load %arg7[%parallel_loop3A_299, %parallel_loop3A_300, %parallel_loop3A_301] {strides = array<i32>} : memref<2x32x128xf32, #tpu.memory_space<vmem>>, vector<16xf32>,
        tpu.vector_store %arg7[%parallel_loop3A_299, %parallel_loop3A_300, %parallel_loop3A_301], %parallel_loop3A_297 {strides = array<i32>} : memref<2x32x128xf32, #tpu.memory_space<vmem>>, vector<16xf32>,
        %parallel_loop3A_303 = arith.constant 64 : i32
        %parallel_loop3A_304 = arith.addi %parallel_loop3A_303, %parallel_loop3A_200 : i32
        %parallel_loop3A_305 = arith.index_cast %parallel_loop3A_304 : i32 to index
        %parallel_loop3A_306 = arith.constant 96 : index
        %parallel_loop3A_307 = tpu.vector_load %arg6[%parallel_loop3A_305, %parallel_loop3A_306] {strides = array<i32>} : memref<128x128xi32, #tpu.memory_space<vmem>>, vector<16xi32>,
        %parallel_loop3A_308 = arith.constant 7 : i32
        %parallel_loop3A_309 = vector.broadcast %parallel_loop3A_308 : i32 to vector<16xi32>
        %parallel_loop3A_310 = arith.shrui %parallel_loop3A_307, %parallel_loop3A_309 : vector<16xi32>
        %parallel_loop3A_311 = arith.constant 127 : i32
        %parallel_loop3A_312 = vector.broadcast %parallel_loop3A_311 : i32 to vector<16xi32>
        %parallel_loop3A_313 = arith.andi %parallel_loop3A_307, %parallel_loop3A_312 : vector<16xi32>
        %parallel_loop3A_314 = tpu.vector_load_idx %arg5[%parallel_loop3A_310, %parallel_loop3A_313] : memref<782x128xf32, #tpu.memory_space<vmem>>[vector<16xi32>, vector<16xi32>], vector<16xf32>,
        %parallel_loop3A_315 = arith.constant 0 : i32
        %parallel_loop3A_316 = arith.index_cast %parallel_loop3A_315 : i32 to index
        %parallel_loop3A_317 = arith.index_cast %parallel_loop3A_200 : i32 to index
        %parallel_loop3A_318 = arith.constant 96 : index
        %parallel_loop3A_319 = tpu.vector_load %arg7[%parallel_loop3A_316, %parallel_loop3A_317, %parallel_loop3A_318] {strides = array<i32>} : memref<2x32x128xf32, #tpu.memory_space<vmem>>, vector<16xf32>,
        tpu.vector_store %arg7[%parallel_loop3A_316, %parallel_loop3A_317, %parallel_loop3A_318], %parallel_loop3A_314 {strides = array<i32>} : memref<2x32x128xf32, #tpu.memory_space<vmem>>, vector<16xf32>,
        %parallel_loop3A_320 = arith.constant 64 : i32
        %parallel_loop3A_321 = arith.addi %parallel_loop3A_320, %parallel_loop3A_200 : i32
        %parallel_loop3A_322 = arith.index_cast %parallel_loop3A_321 : i32 to index
        %parallel_loop3A_323 = arith.constant 112 : index
        %parallel_loop3A_324 = tpu.vector_load %arg6[%parallel_loop3A_322, %parallel_loop3A_323] {strides = array<i32>} : memref<128x128xi32, #tpu.memory_space<vmem>>, vector<16xi32>,
        %parallel_loop3A_325 = arith.constant 7 : i32
        %parallel_loop3A_326 = vector.broadcast %parallel_loop3A_325 : i32 to vector<16xi32>
        %parallel_loop3A_327 = arith.shrui %parallel_loop3A_324, %parallel_loop3A_326 : vector<16xi32>
        %parallel_loop3A_328 = arith.constant 127 : i32
        %parallel_loop3A_329 = vector.broadcast %parallel_loop3A_328 : i32 to vector<16xi32>
        %parallel_loop3A_330 = arith.andi %parallel_loop3A_324, %parallel_loop3A_329 : vector<16xi32>
        %parallel_loop3A_331 = tpu.vector_load_idx %arg5[%parallel_loop3A_327, %parallel_loop3A_330] : memref<782x128xf32, #tpu.memory_space<vmem>>[vector<16xi32>, vector<16xi32>], vector<16xf32>,
        %parallel_loop3A_332 = arith.constant 0 : i32
        %parallel_loop3A_333 = arith.index_cast %parallel_loop3A_332 : i32 to index
        %parallel_loop3A_334 = arith.index_cast %parallel_loop3A_200 : i32 to index
        %parallel_loop3A_335 = arith.constant 112 : index
        %parallel_loop3A_336 = tpu.vector_load %arg7[%parallel_loop3A_333, %parallel_loop3A_334, %parallel_loop3A_335] {strides = array<i32>} : memref<2x32x128xf32, #tpu.memory_space<vmem>>, vector<16xf32>,
        tpu.vector_store %arg7[%parallel_loop3A_333, %parallel_loop3A_334, %parallel_loop3A_335], %parallel_loop3A_331 {strides = array<i32>} : memref<2x32x128xf32, #tpu.memory_space<vmem>>, vector<16xf32>,
      } {sc.loop_unroll_factor = 4 : i64, sc.parallel_access}
      %dma_start3A_145 = arith.constant 0 : i32
      %dma_start3A_146 = arith.constant 0 : i32
      %dma_start3A_147 = arith.constant 0 : i32
      %dma_start3A_148 = tpu.memref_slice %arg7[%dma_start3A_145, %dma_start3A_146, %dma_start3A_147] : memref<2x32x128xf32, #tpu.memory_space<vmem>> -> memref<1x32x128xf32, #tpu.memory_space<vmem>>
      %dma_start3A_149 = tpu.memref_squeeze %dma_start3A_148 : memref<1x32x128xf32, #tpu.memory_space<vmem>> -> memref<32x128xf32, #tpu.memory_space<vmem>>
      %dma_start3A_150 = arith.constant 64 : i32
      %dma_start3A_151 = arith.constant 0 : i32
      %dma_start3A_152 = tpu.memref_slice %arg4[%add3A_46, %dma_start3A_150, %dma_start3A_151] : memref<416x128x128xf32, #tpu.memory_space<hbm>> -> memref<1x32x128xf32, #tpu.memory_space<hbm>>
      %dma_start3A_153 = tpu.memref_squeeze %dma_start3A_152 : memref<1x32x128xf32, #tpu.memory_space<hbm>> -> memref<32x128xf32, #tpu.memory_space<hbm>>
      %dma_start3A_154 = arith.constant 64 : i32
      %dma_start3A_155 = arith.constant 0 : i32
      %dma_start3A_156 = tpu.memref_slice %arg4[%add3A_46, %dma_start3A_154, %dma_start3A_155] : memref<416x128x128xf32, #tpu.memory_space<hbm>> -> memref<1x32x128xf32, #tpu.memory_space<hbm>>
      %dma_start3A_157 = tpu.memref_squeeze %dma_start3A_156 : memref<1x32x128xf32, #tpu.memory_space<hbm>> -> memref<32x128xf32, #tpu.memory_space<hbm>>
      %dma_start3A_158 = arith.constant 0 : i32
      %dma_start3A_159 = arith.constant 0 : i32
      %dma_start3A_160 = tpu.memref_slice %arg7[%dma_start3A_145, %dma_start3A_158, %dma_start3A_159] : memref<2x32x128xf32, #tpu.memory_space<vmem>> -> memref<1x32x128xf32, #tpu.memory_space<vmem>>
      %dma_start3A_161 = tpu.memref_squeeze %dma_start3A_160 : memref<1x32x128xf32, #tpu.memory_space<vmem>> -> memref<32x128xf32, #tpu.memory_space<vmem>>
      tpu.enqueue_dma source(%dma_start3A_161 : memref<32x128xf32, #tpu.memory_space<vmem>>) target(%dma_start3A_157 : memref<32x128xf32, #tpu.memory_space<hbm>>) target_semaphore(%arg10 : memref<!tpu.dma_semaphore, #tpu.memory_space<semaphore_mem>>)
      %dma_wait3A_162 = arith.constant 1 : i32
      %dma_wait3A_163 = arith.constant 0 : i32
      %dma_wait3A_164 = arith.constant 0 : i32
      %dma_wait3A_165 = tpu.memref_slice %arg7[%dma_wait3A_162, %dma_wait3A_163, %dma_wait3A_164] : memref<2x32x128xf32, #tpu.memory_space<vmem>> -> memref<1x32x128xf32, #tpu.memory_space<vmem>>
      %dma_wait3A_166 = tpu.memref_squeeze %dma_wait3A_165 : memref<1x32x128xf32, #tpu.memory_space<vmem>> -> memref<32x128xf32, #tpu.memory_space<vmem>>
      %dma_wait3A_167 = arith.constant 96 : i32
      %dma_wait3A_168 = arith.constant 0 : i32
      %dma_wait3A_169 = tpu.memref_slice %arg4[%add3A_46, %dma_wait3A_167, %dma_wait3A_168] : memref<416x128x128xf32, #tpu.memory_space<hbm>> -> memref<1x32x128xf32, #tpu.memory_space<hbm>>
      %dma_wait3A_170 = tpu.memref_squeeze %dma_wait3A_169 : memref<1x32x128xf32, #tpu.memory_space<hbm>> -> memref<32x128xf32, #tpu.memory_space<hbm>>
      %dma_wait3A_171 = arith.constant 96 : i32
      %dma_wait3A_172 = arith.constant 0 : i32
      %dma_wait3A_173 = tpu.memref_slice %arg4[%add3A_46, %dma_wait3A_171, %dma_wait3A_172] : memref<416x128x128xf32, #tpu.memory_space<hbm>> -> memref<1x32x128xf32, #tpu.memory_space<hbm>>
      %dma_wait3A_174 = tpu.memref_squeeze %dma_wait3A_173 : memref<1x32x128xf32, #tpu.memory_space<hbm>> -> memref<32x128xf32, #tpu.memory_space<hbm>>
      %dma_wait3A_175 = arith.constant 0 : i32
      %dma_wait3A_176 = arith.constant 0 : i32
      %dma_wait3A_177 = tpu.memref_slice %arg7[%dma_wait3A_162, %dma_wait3A_175, %dma_wait3A_176] : memref<2x32x128xf32, #tpu.memory_space<vmem>> -> memref<1x32x128xf32, #tpu.memory_space<vmem>>
      %dma_wait3A_178 = tpu.memref_squeeze %dma_wait3A_177 : memref<1x32x128xf32, #tpu.memory_space<vmem>> -> memref<32x128xf32, #tpu.memory_space<vmem>>
      tpu.wait_dma2 semaphore(%arg11 : memref<!tpu.dma_semaphore, #tpu.memory_space<semaphore_mem>>) src(%dma_wait3A_178 : memref<32x128xf32, #tpu.memory_space<vmem>>) dst(%dma_wait3A_174 : memref<32x128xf32, #tpu.memory_space<hbm>>)
      %parallel_loop3A_179 = arith.constant 0 : i32
      %parallel_loop3A_180 = arith.constant 32 : i32
      %parallel_loop3A_181 = arith.constant 1 : i32
      scf.for %parallel_loop3A_200 = %parallel_loop3A_179 to %parallel_loop3A_180 step %parallel_loop3A_181  : i32 {
        %parallel_loop3A_201 = arith.constant 96 : i32
        %parallel_loop3A_202 = arith.addi %parallel_loop3A_201, %parallel_loop3A_200 : i32
        %parallel_loop3A_203 = arith.index_cast %parallel_loop3A_202 : i32 to index
        %parallel_loop3A_204 = arith.constant 0 : index
        %parallel_loop3A_205 = tpu.vector_load %arg6[%parallel_loop3A_203, %parallel_loop3A_204] {strides = array<i32>} : memref<128x128xi32, #tpu.memory_space<vmem>>, vector<16xi32>,
        %parallel_loop3A_206 = arith.constant 7 : i32
        %parallel_loop3A_207 = vector.broadcast %parallel_loop3A_206 : i32 to vector<16xi32>
        %parallel_loop3A_208 = arith.shrui %parallel_loop3A_205, %parallel_loop3A_207 : vector<16xi32>
        %parallel_loop3A_209 = arith.constant 127 : i32
        %parallel_loop3A_210 = vector.broadcast %parallel_loop3A_209 : i32 to vector<16xi32>
        %parallel_loop3A_211 = arith.andi %parallel_loop3A_205, %parallel_loop3A_210 : vector<16xi32>
        %parallel_loop3A_212 = tpu.vector_load_idx %arg5[%parallel_loop3A_208, %parallel_loop3A_211] : memref<782x128xf32, #tpu.memory_space<vmem>>[vector<16xi32>, vector<16xi32>], vector<16xf32>,
        %parallel_loop3A_213 = arith.constant 1 : i32
        %parallel_loop3A_214 = arith.index_cast %parallel_loop3A_213 : i32 to index
        %parallel_loop3A_215 = arith.index_cast %parallel_loop3A_200 : i32 to index
        %parallel_loop3A_216 = arith.constant 0 : index
        %parallel_loop3A_217 = tpu.vector_load %arg7[%parallel_loop3A_214, %parallel_loop3A_215, %parallel_loop3A_216] {strides = array<i32>} : memref<2x32x128xf32, #tpu.memory_space<vmem>>, vector<16xf32>,
        tpu.vector_store %arg7[%parallel_loop3A_214, %parallel_loop3A_215, %parallel_loop3A_216], %parallel_loop3A_212 {strides = array<i32>} : memref<2x32x128xf32, #tpu.memory_space<vmem>>, vector<16xf32>,
        %parallel_loop3A_218 = arith.constant 96 : i32
        %parallel_loop3A_219 = arith.addi %parallel_loop3A_218, %parallel_loop3A_200 : i32
        %parallel_loop3A_220 = arith.index_cast %parallel_loop3A_219 : i32 to index
        %parallel_loop3A_221 = arith.constant 16 : index
        %parallel_loop3A_222 = tpu.vector_load %arg6[%parallel_loop3A_220, %parallel_loop3A_221] {strides = array<i32>} : memref<128x128xi32, #tpu.memory_space<vmem>>, vector<16xi32>,
        %parallel_loop3A_223 = arith.constant 7 : i32
        %parallel_loop3A_224 = vector.broadcast %parallel_loop3A_223 : i32 to vector<16xi32>
        %parallel_loop3A_225 = arith.shrui %parallel_loop3A_222, %parallel_loop3A_224 : vector<16xi32>
        %parallel_loop3A_226 = arith.constant 127 : i32
        %parallel_loop3A_227 = vector.broadcast %parallel_loop3A_226 : i32 to vector<16xi32>
        %parallel_loop3A_228 = arith.andi %parallel_loop3A_222, %parallel_loop3A_227 : vector<16xi32>
        %parallel_loop3A_229 = tpu.vector_load_idx %arg5[%parallel_loop3A_225, %parallel_loop3A_228] : memref<782x128xf32, #tpu.memory_space<vmem>>[vector<16xi32>, vector<16xi32>], vector<16xf32>,
        %parallel_loop3A_230 = arith.constant 1 : i32
        %parallel_loop3A_231 = arith.index_cast %parallel_loop3A_230 : i32 to index
        %parallel_loop3A_232 = arith.index_cast %parallel_loop3A_200 : i32 to index
        %parallel_loop3A_233 = arith.constant 16 : index
        %parallel_loop3A_234 = tpu.vector_load %arg7[%parallel_loop3A_231, %parallel_loop3A_232, %parallel_loop3A_233] {strides = array<i32>} : memref<2x32x128xf32, #tpu.memory_space<vmem>>, vector<16xf32>,
        tpu.vector_store %arg7[%parallel_loop3A_231, %parallel_loop3A_232, %parallel_loop3A_233], %parallel_loop3A_229 {strides = array<i32>} : memref<2x32x128xf32, #tpu.memory_space<vmem>>, vector<16xf32>,
        %parallel_loop3A_235 = arith.constant 96 : i32
        %parallel_loop3A_236 = arith.addi %parallel_loop3A_235, %parallel_loop3A_200 : i32
        %parallel_loop3A_237 = arith.index_cast %parallel_loop3A_236 : i32 to index
        %parallel_loop3A_238 = arith.constant 32 : index
        %parallel_loop3A_239 = tpu.vector_load %arg6[%parallel_loop3A_237, %parallel_loop3A_238] {strides = array<i32>} : memref<128x128xi32, #tpu.memory_space<vmem>>, vector<16xi32>,
        %parallel_loop3A_240 = arith.constant 7 : i32
        %parallel_loop3A_241 = vector.broadcast %parallel_loop3A_240 : i32 to vector<16xi32>
        %parallel_loop3A_242 = arith.shrui %parallel_loop3A_239, %parallel_loop3A_241 : vector<16xi32>
        %parallel_loop3A_243 = arith.constant 127 : i32
        %parallel_loop3A_244 = vector.broadcast %parallel_loop3A_243 : i32 to vector<16xi32>
        %parallel_loop3A_245 = arith.andi %parallel_loop3A_239, %parallel_loop3A_244 : vector<16xi32>
        %parallel_loop3A_246 = tpu.vector_load_idx %arg5[%parallel_loop3A_242, %parallel_loop3A_245] : memref<782x128xf32, #tpu.memory_space<vmem>>[vector<16xi32>, vector<16xi32>], vector<16xf32>,
        %parallel_loop3A_247 = arith.constant 1 : i32
        %parallel_loop3A_248 = arith.index_cast %parallel_loop3A_247 : i32 to index
        %parallel_loop3A_249 = arith.index_cast %parallel_loop3A_200 : i32 to index
        %parallel_loop3A_250 = arith.constant 32 : index
        %parallel_loop3A_251 = tpu.vector_load %arg7[%parallel_loop3A_248, %parallel_loop3A_249, %parallel_loop3A_250] {strides = array<i32>} : memref<2x32x128xf32, #tpu.memory_space<vmem>>, vector<16xf32>,
        tpu.vector_store %arg7[%parallel_loop3A_248, %parallel_loop3A_249, %parallel_loop3A_250], %parallel_loop3A_246 {strides = array<i32>} : memref<2x32x128xf32, #tpu.memory_space<vmem>>, vector<16xf32>,
        %parallel_loop3A_252 = arith.constant 96 : i32
        %parallel_loop3A_253 = arith.addi %parallel_loop3A_252, %parallel_loop3A_200 : i32
        %parallel_loop3A_254 = arith.index_cast %parallel_loop3A_253 : i32 to index
        %parallel_loop3A_255 = arith.constant 48 : index
        %parallel_loop3A_256 = tpu.vector_load %arg6[%parallel_loop3A_254, %parallel_loop3A_255] {strides = array<i32>} : memref<128x128xi32, #tpu.memory_space<vmem>>, vector<16xi32>,
        %parallel_loop3A_257 = arith.constant 7 : i32
        %parallel_loop3A_258 = vector.broadcast %parallel_loop3A_257 : i32 to vector<16xi32>
        %parallel_loop3A_259 = arith.shrui %parallel_loop3A_256, %parallel_loop3A_258 : vector<16xi32>
        %parallel_loop3A_260 = arith.constant 127 : i32
        %parallel_loop3A_261 = vector.broadcast %parallel_loop3A_260 : i32 to vector<16xi32>
        %parallel_loop3A_262 = arith.andi %parallel_loop3A_256, %parallel_loop3A_261 : vector<16xi32>
        %parallel_loop3A_263 = tpu.vector_load_idx %arg5[%parallel_loop3A_259, %parallel_loop3A_262] : memref<782x128xf32, #tpu.memory_space<vmem>>[vector<16xi32>, vector<16xi32>], vector<16xf32>,
        %parallel_loop3A_264 = arith.constant 1 : i32
        %parallel_loop3A_265 = arith.index_cast %parallel_loop3A_264 : i32 to index
        %parallel_loop3A_266 = arith.index_cast %parallel_loop3A_200 : i32 to index
        %parallel_loop3A_267 = arith.constant 48 : index
        %parallel_loop3A_268 = tpu.vector_load %arg7[%parallel_loop3A_265, %parallel_loop3A_266, %parallel_loop3A_267] {strides = array<i32>} : memref<2x32x128xf32, #tpu.memory_space<vmem>>, vector<16xf32>,
        tpu.vector_store %arg7[%parallel_loop3A_265, %parallel_loop3A_266, %parallel_loop3A_267], %parallel_loop3A_263 {strides = array<i32>} : memref<2x32x128xf32, #tpu.memory_space<vmem>>, vector<16xf32>,
        %parallel_loop3A_269 = arith.constant 96 : i32
        %parallel_loop3A_270 = arith.addi %parallel_loop3A_269, %parallel_loop3A_200 : i32
        %parallel_loop3A_271 = arith.index_cast %parallel_loop3A_270 : i32 to index
        %parallel_loop3A_272 = arith.constant 64 : index
        %parallel_loop3A_273 = tpu.vector_load %arg6[%parallel_loop3A_271, %parallel_loop3A_272] {strides = array<i32>} : memref<128x128xi32, #tpu.memory_space<vmem>>, vector<16xi32>,
        %parallel_loop3A_274 = arith.constant 7 : i32
        %parallel_loop3A_275 = vector.broadcast %parallel_loop3A_274 : i32 to vector<16xi32>
        %parallel_loop3A_276 = arith.shrui %parallel_loop3A_273, %parallel_loop3A_275 : vector<16xi32>
        %parallel_loop3A_277 = arith.constant 127 : i32
        %parallel_loop3A_278 = vector.broadcast %parallel_loop3A_277 : i32 to vector<16xi32>
        %parallel_loop3A_279 = arith.andi %parallel_loop3A_273, %parallel_loop3A_278 : vector<16xi32>
        %parallel_loop3A_280 = tpu.vector_load_idx %arg5[%parallel_loop3A_276, %parallel_loop3A_279] : memref<782x128xf32, #tpu.memory_space<vmem>>[vector<16xi32>, vector<16xi32>], vector<16xf32>,
        %parallel_loop3A_281 = arith.constant 1 : i32
        %parallel_loop3A_282 = arith.index_cast %parallel_loop3A_281 : i32 to index
        %parallel_loop3A_283 = arith.index_cast %parallel_loop3A_200 : i32 to index
        %parallel_loop3A_284 = arith.constant 64 : index
        %parallel_loop3A_285 = tpu.vector_load %arg7[%parallel_loop3A_282, %parallel_loop3A_283, %parallel_loop3A_284] {strides = array<i32>} : memref<2x32x128xf32, #tpu.memory_space<vmem>>, vector<16xf32>,
        tpu.vector_store %arg7[%parallel_loop3A_282, %parallel_loop3A_283, %parallel_loop3A_284], %parallel_loop3A_280 {strides = array<i32>} : memref<2x32x128xf32, #tpu.memory_space<vmem>>, vector<16xf32>,
        %parallel_loop3A_286 = arith.constant 96 : i32
        %parallel_loop3A_287 = arith.addi %parallel_loop3A_286, %parallel_loop3A_200 : i32
        %parallel_loop3A_288 = arith.index_cast %parallel_loop3A_287 : i32 to index
        %parallel_loop3A_289 = arith.constant 80 : index
        %parallel_loop3A_290 = tpu.vector_load %arg6[%parallel_loop3A_288, %parallel_loop3A_289] {strides = array<i32>} : memref<128x128xi32, #tpu.memory_space<vmem>>, vector<16xi32>,
        %parallel_loop3A_291 = arith.constant 7 : i32
        %parallel_loop3A_292 = vector.broadcast %parallel_loop3A_291 : i32 to vector<16xi32>
        %parallel_loop3A_293 = arith.shrui %parallel_loop3A_290, %parallel_loop3A_292 : vector<16xi32>
        %parallel_loop3A_294 = arith.constant 127 : i32
        %parallel_loop3A_295 = vector.broadcast %parallel_loop3A_294 : i32 to vector<16xi32>
        %parallel_loop3A_296 = arith.andi %parallel_loop3A_290, %parallel_loop3A_295 : vector<16xi32>
        %parallel_loop3A_297 = tpu.vector_load_idx %arg5[%parallel_loop3A_293, %parallel_loop3A_296] : memref<782x128xf32, #tpu.memory_space<vmem>>[vector<16xi32>, vector<16xi32>], vector<16xf32>,
        %parallel_loop3A_298 = arith.constant 1 : i32
        %parallel_loop3A_299 = arith.index_cast %parallel_loop3A_298 : i32 to index
        %parallel_loop3A_300 = arith.index_cast %parallel_loop3A_200 : i32 to index
        %parallel_loop3A_301 = arith.constant 80 : index
        %parallel_loop3A_302 = tpu.vector_load %arg7[%parallel_loop3A_299, %parallel_loop3A_300, %parallel_loop3A_301] {strides = array<i32>} : memref<2x32x128xf32, #tpu.memory_space<vmem>>, vector<16xf32>,
        tpu.vector_store %arg7[%parallel_loop3A_299, %parallel_loop3A_300, %parallel_loop3A_301], %parallel_loop3A_297 {strides = array<i32>} : memref<2x32x128xf32, #tpu.memory_space<vmem>>, vector<16xf32>,
        %parallel_loop3A_303 = arith.constant 96 : i32
        %parallel_loop3A_304 = arith.addi %parallel_loop3A_303, %parallel_loop3A_200 : i32
        %parallel_loop3A_305 = arith.index_cast %parallel_loop3A_304 : i32 to index
        %parallel_loop3A_306 = arith.constant 96 : index
        %parallel_loop3A_307 = tpu.vector_load %arg6[%parallel_loop3A_305, %parallel_loop3A_306] {strides = array<i32>} : memref<128x128xi32, #tpu.memory_space<vmem>>, vector<16xi32>,
        %parallel_loop3A_308 = arith.constant 7 : i32
        %parallel_loop3A_309 = vector.broadcast %parallel_loop3A_308 : i32 to vector<16xi32>
        %parallel_loop3A_310 = arith.shrui %parallel_loop3A_307, %parallel_loop3A_309 : vector<16xi32>
        %parallel_loop3A_311 = arith.constant 127 : i32
        %parallel_loop3A_312 = vector.broadcast %parallel_loop3A_311 : i32 to vector<16xi32>
        %parallel_loop3A_313 = arith.andi %parallel_loop3A_307, %parallel_loop3A_312 : vector<16xi32>
        %parallel_loop3A_314 = tpu.vector_load_idx %arg5[%parallel_loop3A_310, %parallel_loop3A_313] : memref<782x128xf32, #tpu.memory_space<vmem>>[vector<16xi32>, vector<16xi32>], vector<16xf32>,
        %parallel_loop3A_315 = arith.constant 1 : i32
        %parallel_loop3A_316 = arith.index_cast %parallel_loop3A_315 : i32 to index
        %parallel_loop3A_317 = arith.index_cast %parallel_loop3A_200 : i32 to index
        %parallel_loop3A_318 = arith.constant 96 : index
        %parallel_loop3A_319 = tpu.vector_load %arg7[%parallel_loop3A_316, %parallel_loop3A_317, %parallel_loop3A_318] {strides = array<i32>} : memref<2x32x128xf32, #tpu.memory_space<vmem>>, vector<16xf32>,
        tpu.vector_store %arg7[%parallel_loop3A_316, %parallel_loop3A_317, %parallel_loop3A_318], %parallel_loop3A_314 {strides = array<i32>} : memref<2x32x128xf32, #tpu.memory_space<vmem>>, vector<16xf32>,
        %parallel_loop3A_320 = arith.constant 96 : i32
        %parallel_loop3A_321 = arith.addi %parallel_loop3A_320, %parallel_loop3A_200 : i32
        %parallel_loop3A_322 = arith.index_cast %parallel_loop3A_321 : i32 to index
        %parallel_loop3A_323 = arith.constant 112 : index
        %parallel_loop3A_324 = tpu.vector_load %arg6[%parallel_loop3A_322, %parallel_loop3A_323] {strides = array<i32>} : memref<128x128xi32, #tpu.memory_space<vmem>>, vector<16xi32>,
        %parallel_loop3A_325 = arith.constant 7 : i32
        %parallel_loop3A_326 = vector.broadcast %parallel_loop3A_325 : i32 to vector<16xi32>
        %parallel_loop3A_327 = arith.shrui %parallel_loop3A_324, %parallel_loop3A_326 : vector<16xi32>
        %parallel_loop3A_328 = arith.constant 127 : i32
        %parallel_loop3A_329 = vector.broadcast %parallel_loop3A_328 : i32 to vector<16xi32>
        %parallel_loop3A_330 = arith.andi %parallel_loop3A_324, %parallel_loop3A_329 : vector<16xi32>
        %parallel_loop3A_331 = tpu.vector_load_idx %arg5[%parallel_loop3A_327, %parallel_loop3A_330] : memref<782x128xf32, #tpu.memory_space<vmem>>[vector<16xi32>, vector<16xi32>], vector<16xf32>,
        %parallel_loop3A_332 = arith.constant 1 : i32
        %parallel_loop3A_333 = arith.index_cast %parallel_loop3A_332 : i32 to index
        %parallel_loop3A_334 = arith.index_cast %parallel_loop3A_200 : i32 to index
        %parallel_loop3A_335 = arith.constant 112 : index
        %parallel_loop3A_336 = tpu.vector_load %arg7[%parallel_loop3A_333, %parallel_loop3A_334, %parallel_loop3A_335] {strides = array<i32>} : memref<2x32x128xf32, #tpu.memory_space<vmem>>, vector<16xf32>,
        tpu.vector_store %arg7[%parallel_loop3A_333, %parallel_loop3A_334, %parallel_loop3A_335], %parallel_loop3A_331 {strides = array<i32>} : memref<2x32x128xf32, #tpu.memory_space<vmem>>, vector<16xf32>,
      } {sc.loop_unroll_factor = 4 : i64, sc.parallel_access}
      %dma_start3A_182 = arith.constant 1 : i32
      %dma_start3A_183 = arith.constant 0 : i32
      %dma_start3A_184 = arith.constant 0 : i32
      %dma_start3A_185 = tpu.memref_slice %arg7[%dma_start3A_182, %dma_start3A_183, %dma_start3A_184] : memref<2x32x128xf32, #tpu.memory_space<vmem>> -> memref<1x32x128xf32, #tpu.memory_space<vmem>>
      %dma_start3A_186 = tpu.memref_squeeze %dma_start3A_185 : memref<1x32x128xf32, #tpu.memory_space<vmem>> -> memref<32x128xf32, #tpu.memory_space<vmem>>
      %dma_start3A_187 = arith.constant 96 : i32
      %dma_start3A_188 = arith.constant 0 : i32
      %dma_start3A_189 = tpu.memref_slice %arg4[%add3A_46, %dma_start3A_187, %dma_start3A_188] : memref<416x128x128xf32, #tpu.memory_space<hbm>> -> memref<1x32x128xf32, #tpu.memory_space<hbm>>
      %dma_start3A_190 = tpu.memref_squeeze %dma_start3A_189 : memref<1x32x128xf32, #tpu.memory_space<hbm>> -> memref<32x128xf32, #tpu.memory_space<hbm>>
      %dma_start3A_191 = arith.constant 96 : i32
      %dma_start3A_192 = arith.constant 0 : i32
      %dma_start3A_193 = tpu.memref_slice %arg4[%add3A_46, %dma_start3A_191, %dma_start3A_192] : memref<416x128x128xf32, #tpu.memory_space<hbm>> -> memref<1x32x128xf32, #tpu.memory_space<hbm>>
      %dma_start3A_194 = tpu.memref_squeeze %dma_start3A_193 : memref<1x32x128xf32, #tpu.memory_space<hbm>> -> memref<32x128xf32, #tpu.memory_space<hbm>>
      %dma_start3A_195 = arith.constant 0 : i32
      %dma_start3A_196 = arith.constant 0 : i32
      %dma_start3A_197 = tpu.memref_slice %arg7[%dma_start3A_182, %dma_start3A_195, %dma_start3A_196] : memref<2x32x128xf32, #tpu.memory_space<vmem>> -> memref<1x32x128xf32, #tpu.memory_space<vmem>>
      %dma_start3A_198 = tpu.memref_squeeze %dma_start3A_197 : memref<1x32x128xf32, #tpu.memory_space<vmem>> -> memref<32x128xf32, #tpu.memory_space<vmem>>
      tpu.enqueue_dma source(%dma_start3A_198 : memref<32x128xf32, #tpu.memory_space<vmem>>) target(%dma_start3A_194 : memref<32x128xf32, #tpu.memory_space<hbm>>) target_semaphore(%arg11 : memref<!tpu.dma_semaphore, #tpu.memory_space<semaphore_mem>>)
      %scan3A_199 = arith.constant 0 : i32
      scf.yield %scan3A_199 : i32
    }
    %scan3A_6 = arith.constant 13 : i32
    %dma_wait3A = arith.constant 0 : i32
    %dma_wait3A_7 = arith.constant 0 : i32
    %dma_wait3A_8 = arith.constant 0 : i32
    %dma_wait3A_9 = arith.constant 0 : i32
    %dma_wait3A_10 = tpu.memref_slice %arg7[%dma_wait3A, %dma_wait3A_8, %dma_wait3A_9] : memref<2x32x128xf32, #tpu.memory_space<vmem>> -> memref<1x32x128xf32, #tpu.memory_space<vmem>>
    %dma_wait3A_11 = tpu.memref_squeeze %dma_wait3A_10 : memref<1x32x128xf32, #tpu.memory_space<vmem>> -> memref<32x128xf32, #tpu.memory_space<vmem>>
    %dma_wait3A_12 = arith.constant 0 : i32
    %dma_wait3A_13 = arith.constant 0 : i32
    %dma_wait3A_14 = tpu.memref_slice %arg4[%dma_wait3A_7, %dma_wait3A_12, %dma_wait3A_13] : memref<416x128x128xf32, #tpu.memory_space<hbm>> -> memref<1x32x128xf32, #tpu.memory_space<hbm>>
    %dma_wait3A_15 = tpu.memref_squeeze %dma_wait3A_14 : memref<1x32x128xf32, #tpu.memory_space<hbm>> -> memref<32x128xf32, #tpu.memory_space<hbm>>
    %dma_wait3A_16 = arith.constant 0 : i32
    %dma_wait3A_17 = arith.constant 0 : i32
    %dma_wait3A_18 = tpu.memref_slice %arg4[%dma_wait3A_7, %dma_wait3A_16, %dma_wait3A_17] : memref<416x128x128xf32, #tpu.memory_space<hbm>> -> memref<1x32x128xf32, #tpu.memory_space<hbm>>
    %dma_wait3A_19 = tpu.memref_squeeze %dma_wait3A_18 : memref<1x32x128xf32, #tpu.memory_space<hbm>> -> memref<32x128xf32, #tpu.memory_space<hbm>>
    %dma_wait3A_20 = arith.constant 0 : i32
    %dma_wait3A_21 = arith.constant 0 : i32
    %dma_wait3A_22 = tpu.memref_slice %arg7[%dma_wait3A, %dma_wait3A_20, %dma_wait3A_21] : memref<2x32x128xf32, #tpu.memory_space<vmem>> -> memref<1x32x128xf32, #tpu.memory_space<vmem>>
    %dma_wait3A_23 = tpu.memref_squeeze %dma_wait3A_22 : memref<1x32x128xf32, #tpu.memory_space<vmem>> -> memref<32x128xf32, #tpu.memory_space<vmem>>
    tpu.wait_dma2 semaphore(%arg10 : memref<!tpu.dma_semaphore, #tpu.memory_space<semaphore_mem>>) src(%dma_wait3A_23 : memref<32x128xf32, #tpu.memory_space<vmem>>) dst(%dma_wait3A_19 : memref<32x128xf32, #tpu.memory_space<hbm>>)
    %dma_wait3A_24 = arith.constant 1 : i32
    %dma_wait3A_25 = arith.constant 0 : i32
    %dma_wait3A_26 = arith.constant 0 : i32
    %dma_wait3A_27 = arith.constant 0 : i32
    %dma_wait3A_28 = tpu.memref_slice %arg7[%dma_wait3A_24, %dma_wait3A_26, %dma_wait3A_27] : memref<2x32x128xf32, #tpu.memory_space<vmem>> -> memref<1x32x128xf32, #tpu.memory_space<vmem>>
    %dma_wait3A_29 = tpu.memref_squeeze %dma_wait3A_28 : memref<1x32x128xf32, #tpu.memory_space<vmem>> -> memref<32x128xf32, #tpu.memory_space<vmem>>
    %dma_wait3A_30 = arith.constant 0 : i32
    %dma_wait3A_31 = arith.constant 0 : i32
    %dma_wait3A_32 = tpu.memref_slice %arg4[%dma_wait3A_25, %dma_wait3A_30, %dma_wait3A_31] : memref<416x128x128xf32, #tpu.memory_space<hbm>> -> memref<1x32x128xf32, #tpu.memory_space<hbm>>
    %dma_wait3A_33 = tpu.memref_squeeze %dma_wait3A_32 : memref<1x32x128xf32, #tpu.memory_space<hbm>> -> memref<32x128xf32, #tpu.memory_space<hbm>>
    %dma_wait3A_34 = arith.constant 0 : i32
    %dma_wait3A_35 = arith.constant 0 : i32
    %dma_wait3A_36 = tpu.memref_slice %arg4[%dma_wait3A_25, %dma_wait3A_34, %dma_wait3A_35] : memref<416x128x128xf32, #tpu.memory_space<hbm>> -> memref<1x32x128xf32, #tpu.memory_space<hbm>>
    %dma_wait3A_37 = tpu.memref_squeeze %dma_wait3A_36 : memref<1x32x128xf32, #tpu.memory_space<hbm>> -> memref<32x128xf32, #tpu.memory_space<hbm>>
    %dma_wait3A_38 = arith.constant 0 : i32
    %dma_wait3A_39 = arith.constant 0 : i32
    %dma_wait3A_40 = tpu.memref_slice %arg7[%dma_wait3A_24, %dma_wait3A_38, %dma_wait3A_39] : memref<2x32x128xf32, #tpu.memory_space<vmem>> -> memref<1x32x128xf32, #tpu.memory_space<vmem>>
    %dma_wait3A_41 = tpu.memref_squeeze %dma_wait3A_40 : memref<1x32x128xf32, #tpu.memory_space<vmem>> -> memref<32x128xf32, #tpu.memory_space<vmem>>
    tpu.wait_dma2 semaphore(%arg11 : memref<!tpu.dma_semaphore, #tpu.memory_space<semaphore_mem>>) src(%dma_wait3A_41 : memref<32x128xf32, #tpu.memory_space<vmem>>) dst(%dma_wait3A_37 : memref<32x128xf32, #tpu.memory_space<hbm>>)
    return
  }
}

module attributes {stable_mosaic.version = 14 : i64} {
  func.func @_mlp2_body(%arg0: i32, %arg1: memref<416x8x128xf32, #tpu.memory_space<vmem>>, %arg2: memref<1024x13xf32, #tpu.memory_space<vmem>>, %arg3: memref<1x13xf32, #tpu.memory_space<vmem>>, %arg4: memref<1x13xf32, #tpu.memory_space<vmem>>, %arg5: memref<416x128xf32, #tpu.memory_space<vmem>>, %arg6: memref<13x128xf32, #tpu.memory_space<vmem>>, %arg7: memref<1x128xf32, #tpu.memory_space<vmem>>, %arg8: memref<1x128xf32, #tpu.memory_space<vmem>>, %arg9: memref<1x1xf32, #tpu.memory_space<vmem>>, %arg10: memref<1024x1xf32, #tpu.memory_space<vmem>>) attributes {dimension_semantics = [#tpu.dimension_semantics<arbitrary>], iteration_bounds = array<i64: 16>, scalar_prefetch = 0 : i64, scratch_operands = 0 : i64, tpu.core_type = #tpu.core_type<tc>, window_params = [{transform_indices = @transform_0, window_bounds = array<i64: 416, 8, 128>}, {transform_indices = @transform_1, window_bounds = array<i64: 1024, 13>}, {pipeline_mode = #tpu.pipeline_mode<synchronous>, transform_indices = @transform_2, window_bounds = array<i64: 1, 13>}, {pipeline_mode = #tpu.pipeline_mode<synchronous>, transform_indices = @transform_3, window_bounds = array<i64: 1, 13>}, {pipeline_mode = #tpu.pipeline_mode<synchronous>, transform_indices = @transform_4, window_bounds = array<i64: 416, 128>}, {pipeline_mode = #tpu.pipeline_mode<synchronous>, transform_indices = @transform_5, window_bounds = array<i64: 13, 128>}, {pipeline_mode = #tpu.pipeline_mode<synchronous>, transform_indices = @transform_6, window_bounds = array<i64: 1, 128>}, {pipeline_mode = #tpu.pipeline_mode<synchronous>, transform_indices = @transform_7, window_bounds = array<i64: 1, 128>}, {pipeline_mode = #tpu.pipeline_mode<synchronous>, transform_indices = @transform_8, window_bounds = array<i64: 1, 1>}, {transform_indices = @transform_9, window_bounds = array<i64: 1024, 1>}]} {
    %get3A = arith.constant 0 : index
    %get3A_0 = arith.constant 0 : index
    %get3A_1 = vector.load %arg2[%get3A, %get3A_0] : memref<1024x13xf32, #tpu.memory_space<vmem>>, vector<1024x13xf32>
    %get3A_2 = arith.constant 0 : index
    %get3A_3 = arith.constant 0 : index
    %get3A_4 = vector.load %arg3[%get3A_2, %get3A_3] : memref<1x13xf32, #tpu.memory_space<vmem>>, vector<1x13xf32>
    %sub3A = vector.broadcast %get3A_4 : vector<1x13xf32> to vector<1024x13xf32>
    %sub3A_5 = arith.subf %get3A_1, %sub3A : vector<1024x13xf32>
    %get3A_6 = arith.constant 0 : index
    %get3A_7 = arith.constant 0 : index
    %get3A_8 = vector.load %arg4[%get3A_6, %get3A_7] : memref<1x13xf32, #tpu.memory_space<vmem>>, vector<1x13xf32>
    %add3A = arith.constant 9.99999997E-7 : f32
    %add3A_9 = vector.broadcast %add3A : f32 to vector<1x13xf32>
    %add3A_10 = arith.addf %get3A_8, %add3A_9 : vector<1x13xf32>
    %rsqrt3A = math.rsqrt %add3A_10 : vector<1x13xf32>
    %mul3A = vector.broadcast %rsqrt3A : vector<1x13xf32> to vector<1024x13xf32>
    %mul3A_11 = arith.mulf %sub3A_5, %mul3A : vector<1024x13xf32>
    %get3A_12 = arith.constant 0 : index
    %get3A_13 = arith.constant 0 : index
    %get3A_14 = vector.load %arg6[%get3A_12, %get3A_13] : memref<13x128xf32, #tpu.memory_space<vmem>>, vector<13x128xf32>
    %dot_general3A = arith.constant dense<0.000000e+00> : vector<1024x128xf32>
    %dot_general3A_15 = tpu.matmul %mul3A_11, %get3A_14, %dot_general3A {dimension_numbers = #tpu.dot_dimension_numbers<[1], [0], [0], [1], [0, 0, 1, 1], [], []>, transpose_lhs_hint = false} : vector<1024x13xf32>, vector<13x128xf32>, vector<1024x128xf32> -> vector<1024x128xf32>
    %get3A_16 = arith.constant 0 : index
    %get3A_17 = arith.constant 0 : index
    %get3A_18 = arith.constant 0 : index
    %get3A_19 = vector.load %arg1[%get3A_16, %get3A_17, %get3A_18] : memref<416x8x128xf32, #tpu.memory_space<vmem>>, vector<416x1x128xf32>
    %get3A_20 = vector.shape_cast %get3A_19 : vector<416x1x128xf32> to vector<416x128xf32>
    %get3A_21 = arith.constant 0 : index
    %get3A_22 = arith.constant 0 : index
    %get3A_23 = vector.load %arg5[%get3A_21, %get3A_22] : memref<416x128xf32, #tpu.memory_space<vmem>>, vector<416x128xf32>
    %dot_general3A_24 = arith.constant dense<0.000000e+00> : vector<128x128xf32>
    %dot_general3A_25 = tpu.matmul %get3A_20, %get3A_23, %dot_general3A_24 {dimension_numbers = #tpu.dot_dimension_numbers<[0], [0], [1], [1], [0, 1, 1, 1], [], []>, transpose_lhs_hint = false} : vector<416x128xf32>, vector<416x128xf32>, vector<128x128xf32> -> vector<128x128xf32>
    %slice3A = vector.extract_strided_slice %dot_general3A_15 {offsets = [0, 0], sizes = [128, 128], strides = [1, 1]} : vector<1024x128xf32> to vector<128x128xf32>
    %add3A_26 = arith.addf %dot_general3A_25, %slice3A : vector<128x128xf32>
    %get3A_27 = arith.constant 0 : index
    %get3A_28 = arith.constant 0 : index
    %get3A_29 = vector.load %arg7[%get3A_27, %get3A_28] : memref<1x128xf32, #tpu.memory_space<vmem>>, vector<1x128xf32>
    %add3A_30 = vector.broadcast %get3A_29 : vector<1x128xf32> to vector<128x128xf32>
    %add3A_31 = arith.addf %add3A_26, %add3A_30 : vector<128x128xf32>
    %max3A = arith.constant 0.000000e+00 : f32
    %max3A_32 = vector.broadcast %max3A : f32 to vector<128x128xf32>
    %max3A_33 = arith.maximumf %add3A_31, %max3A_32 : vector<128x128xf32>
    %get3A_34 = arith.constant 0 : index
    %get3A_35 = arith.constant 0 : index
    %get3A_36 = vector.load %arg8[%get3A_34, %get3A_35] : memref<1x128xf32, #tpu.memory_space<vmem>>, vector<1x128xf32>
    %mul3A_37 = vector.broadcast %get3A_36 : vector<1x128xf32> to vector<128x128xf32>
    %mul3A_38 = arith.mulf %max3A_33, %mul3A_37 : vector<128x128xf32>
    %reduce_sum3A = arith.constant dense<0.000000e+00> : vector<128xf32>
    %reduce_sum3A_39 = vector.multi_reduction <add>, %mul3A_38, %reduce_sum3A [1] : vector<128x128xf32> to vector<128xf32>
    %broadcast_in_dim3A = vector.shape_cast %reduce_sum3A_39 : vector<128xf32> to vector<128x1xf32>
    %get3A_40 = arith.constant 0 : index
    %get3A_41 = arith.constant 0 : index
    %get3A_42 = vector.load %arg9[%get3A_40, %get3A_41] : memref<1x1xf32, #tpu.memory_space<vmem>>, vector<1x1xf32>
    %add3A_43 = vector.broadcast %get3A_42 : vector<1x1xf32> to vector<128x1xf32>
    %add3A_44 = arith.addf %broadcast_in_dim3A, %add3A_43 : vector<128x1xf32>
    %logistic3A = arith.negf %add3A_44 : vector<128x1xf32>
    %logistic3A_45 = math.exp %logistic3A : vector<128x1xf32>
    %logistic3A_46 = arith.constant 1.000000e+00 : f32
    %logistic3A_47 = vector.broadcast %logistic3A_46 : f32 to vector<128x1xf32>
    %logistic3A_48 = arith.addf %logistic3A_47, %logistic3A_45 : vector<128x1xf32>
    %logistic3A_49 = arith.divf %logistic3A_47, %logistic3A_48 : vector<128x1xf32>
    %swap3A = arith.constant 0 : index
    %swap3A_50 = arith.constant 0 : index
    %swap3A_51 = vector.load %arg10[%swap3A, %swap3A_50] : memref<1024x1xf32, #tpu.memory_space<vmem>>, vector<128x1xf32>
    tpu.vector_store %arg10[%swap3A, %swap3A_50], %logistic3A_49 {strides = array<i32>} : memref<1024x1xf32, #tpu.memory_space<vmem>>, vector<128x1xf32>,
    %get3A_52 = arith.constant 0 : index
    %get3A_53 = arith.constant 1 : index
    %get3A_54 = arith.constant 0 : index
    %get3A_55 = vector.load %arg1[%get3A_52, %get3A_53, %get3A_54] : memref<416x8x128xf32, #tpu.memory_space<vmem>>, vector<416x1x128xf32>
    %get3A_56 = vector.shape_cast %get3A_55 : vector<416x1x128xf32> to vector<416x128xf32>
    %get3A_57 = arith.constant 0 : index
    %get3A_58 = arith.constant 0 : index
    %get3A_59 = vector.load %arg5[%get3A_57, %get3A_58] : memref<416x128xf32, #tpu.memory_space<vmem>>, vector<416x128xf32>
    %dot_general3A_60 = arith.constant dense<0.000000e+00> : vector<128x128xf32>
    %dot_general3A_61 = tpu.matmul %get3A_56, %get3A_59, %dot_general3A_60 {dimension_numbers = #tpu.dot_dimension_numbers<[0], [0], [1], [1], [0, 1, 1, 1], [], []>, transpose_lhs_hint = false} : vector<416x128xf32>, vector<416x128xf32>, vector<128x128xf32> -> vector<128x128xf32>
    %slice3A_62 = vector.extract_strided_slice %dot_general3A_15 {offsets = [128, 0], sizes = [128, 128], strides = [1, 1]} : vector<1024x128xf32> to vector<128x128xf32>
    %add3A_63 = arith.addf %dot_general3A_61, %slice3A_62 : vector<128x128xf32>
    %get3A_64 = arith.constant 0 : index
    %get3A_65 = arith.constant 0 : index
    %get3A_66 = vector.load %arg7[%get3A_64, %get3A_65] : memref<1x128xf32, #tpu.memory_space<vmem>>, vector<1x128xf32>
    %add3A_67 = vector.broadcast %get3A_66 : vector<1x128xf32> to vector<128x128xf32>
    %add3A_68 = arith.addf %add3A_63, %add3A_67 : vector<128x128xf32>
    %max3A_69 = arith.constant 0.000000e+00 : f32
    %max3A_70 = vector.broadcast %max3A_69 : f32 to vector<128x128xf32>
    %max3A_71 = arith.maximumf %add3A_68, %max3A_70 : vector<128x128xf32>
    %get3A_72 = arith.constant 0 : index
    %get3A_73 = arith.constant 0 : index
    %get3A_74 = vector.load %arg8[%get3A_72, %get3A_73] : memref<1x128xf32, #tpu.memory_space<vmem>>, vector<1x128xf32>
    %mul3A_75 = vector.broadcast %get3A_74 : vector<1x128xf32> to vector<128x128xf32>
    %mul3A_76 = arith.mulf %max3A_71, %mul3A_75 : vector<128x128xf32>
    %reduce_sum3A_77 = arith.constant dense<0.000000e+00> : vector<128xf32>
    %reduce_sum3A_78 = vector.multi_reduction <add>, %mul3A_76, %reduce_sum3A_77 [1] : vector<128x128xf32> to vector<128xf32>
    %broadcast_in_dim3A_79 = vector.shape_cast %reduce_sum3A_78 : vector<128xf32> to vector<128x1xf32>
    %get3A_80 = arith.constant 0 : index
    %get3A_81 = arith.constant 0 : index
    %get3A_82 = vector.load %arg9[%get3A_80, %get3A_81] : memref<1x1xf32, #tpu.memory_space<vmem>>, vector<1x1xf32>
    %add3A_83 = vector.broadcast %get3A_82 : vector<1x1xf32> to vector<128x1xf32>
    %add3A_84 = arith.addf %broadcast_in_dim3A_79, %add3A_83 : vector<128x1xf32>
    %logistic3A_85 = arith.negf %add3A_84 : vector<128x1xf32>
    %logistic3A_86 = math.exp %logistic3A_85 : vector<128x1xf32>
    %logistic3A_87 = arith.constant 1.000000e+00 : f32
    %logistic3A_88 = vector.broadcast %logistic3A_87 : f32 to vector<128x1xf32>
    %logistic3A_89 = arith.addf %logistic3A_88, %logistic3A_86 : vector<128x1xf32>
    %logistic3A_90 = arith.divf %logistic3A_88, %logistic3A_89 : vector<128x1xf32>
    %swap3A_91 = arith.constant 128 : index
    %swap3A_92 = arith.constant 0 : index
    %swap3A_93 = vector.load %arg10[%swap3A_91, %swap3A_92] : memref<1024x1xf32, #tpu.memory_space<vmem>>, vector<128x1xf32>
    tpu.vector_store %arg10[%swap3A_91, %swap3A_92], %logistic3A_90 {strides = array<i32>} : memref<1024x1xf32, #tpu.memory_space<vmem>>, vector<128x1xf32>,
    %get3A_94 = arith.constant 0 : index
    %get3A_95 = arith.constant 2 : index
    %get3A_96 = arith.constant 0 : index
    %get3A_97 = vector.load %arg1[%get3A_94, %get3A_95, %get3A_96] : memref<416x8x128xf32, #tpu.memory_space<vmem>>, vector<416x1x128xf32>
    %get3A_98 = vector.shape_cast %get3A_97 : vector<416x1x128xf32> to vector<416x128xf32>
    %get3A_99 = arith.constant 0 : index
    %get3A_100 = arith.constant 0 : index
    %get3A_101 = vector.load %arg5[%get3A_99, %get3A_100] : memref<416x128xf32, #tpu.memory_space<vmem>>, vector<416x128xf32>
    %dot_general3A_102 = arith.constant dense<0.000000e+00> : vector<128x128xf32>
    %dot_general3A_103 = tpu.matmul %get3A_98, %get3A_101, %dot_general3A_102 {dimension_numbers = #tpu.dot_dimension_numbers<[0], [0], [1], [1], [0, 1, 1, 1], [], []>, transpose_lhs_hint = false} : vector<416x128xf32>, vector<416x128xf32>, vector<128x128xf32> -> vector<128x128xf32>
    %slice3A_104 = vector.extract_strided_slice %dot_general3A_15 {offsets = [256, 0], sizes = [128, 128], strides = [1, 1]} : vector<1024x128xf32> to vector<128x128xf32>
    %add3A_105 = arith.addf %dot_general3A_103, %slice3A_104 : vector<128x128xf32>
    %get3A_106 = arith.constant 0 : index
    %get3A_107 = arith.constant 0 : index
    %get3A_108 = vector.load %arg7[%get3A_106, %get3A_107] : memref<1x128xf32, #tpu.memory_space<vmem>>, vector<1x128xf32>
    %add3A_109 = vector.broadcast %get3A_108 : vector<1x128xf32> to vector<128x128xf32>
    %add3A_110 = arith.addf %add3A_105, %add3A_109 : vector<128x128xf32>
    %max3A_111 = arith.constant 0.000000e+00 : f32
    %max3A_112 = vector.broadcast %max3A_111 : f32 to vector<128x128xf32>
    %max3A_113 = arith.maximumf %add3A_110, %max3A_112 : vector<128x128xf32>
    %get3A_114 = arith.constant 0 : index
    %get3A_115 = arith.constant 0 : index
    %get3A_116 = vector.load %arg8[%get3A_114, %get3A_115] : memref<1x128xf32, #tpu.memory_space<vmem>>, vector<1x128xf32>
    %mul3A_117 = vector.broadcast %get3A_116 : vector<1x128xf32> to vector<128x128xf32>
    %mul3A_118 = arith.mulf %max3A_113, %mul3A_117 : vector<128x128xf32>
    %reduce_sum3A_119 = arith.constant dense<0.000000e+00> : vector<128xf32>
    %reduce_sum3A_120 = vector.multi_reduction <add>, %mul3A_118, %reduce_sum3A_119 [1] : vector<128x128xf32> to vector<128xf32>
    %broadcast_in_dim3A_121 = vector.shape_cast %reduce_sum3A_120 : vector<128xf32> to vector<128x1xf32>
    %get3A_122 = arith.constant 0 : index
    %get3A_123 = arith.constant 0 : index
    %get3A_124 = vector.load %arg9[%get3A_122, %get3A_123] : memref<1x1xf32, #tpu.memory_space<vmem>>, vector<1x1xf32>
    %add3A_125 = vector.broadcast %get3A_124 : vector<1x1xf32> to vector<128x1xf32>
    %add3A_126 = arith.addf %broadcast_in_dim3A_121, %add3A_125 : vector<128x1xf32>
    %logistic3A_127 = arith.negf %add3A_126 : vector<128x1xf32>
    %logistic3A_128 = math.exp %logistic3A_127 : vector<128x1xf32>
    %logistic3A_129 = arith.constant 1.000000e+00 : f32
    %logistic3A_130 = vector.broadcast %logistic3A_129 : f32 to vector<128x1xf32>
    %logistic3A_131 = arith.addf %logistic3A_130, %logistic3A_128 : vector<128x1xf32>
    %logistic3A_132 = arith.divf %logistic3A_130, %logistic3A_131 : vector<128x1xf32>
    %swap3A_133 = arith.constant 256 : index
    %swap3A_134 = arith.constant 0 : index
    %swap3A_135 = vector.load %arg10[%swap3A_133, %swap3A_134] : memref<1024x1xf32, #tpu.memory_space<vmem>>, vector<128x1xf32>
    tpu.vector_store %arg10[%swap3A_133, %swap3A_134], %logistic3A_132 {strides = array<i32>} : memref<1024x1xf32, #tpu.memory_space<vmem>>, vector<128x1xf32>,
    %get3A_136 = arith.constant 0 : index
    %get3A_137 = arith.constant 3 : index
    %get3A_138 = arith.constant 0 : index
    %get3A_139 = vector.load %arg1[%get3A_136, %get3A_137, %get3A_138] : memref<416x8x128xf32, #tpu.memory_space<vmem>>, vector<416x1x128xf32>
    %get3A_140 = vector.shape_cast %get3A_139 : vector<416x1x128xf32> to vector<416x128xf32>
    %get3A_141 = arith.constant 0 : index
    %get3A_142 = arith.constant 0 : index
    %get3A_143 = vector.load %arg5[%get3A_141, %get3A_142] : memref<416x128xf32, #tpu.memory_space<vmem>>, vector<416x128xf32>
    %dot_general3A_144 = arith.constant dense<0.000000e+00> : vector<128x128xf32>
    %dot_general3A_145 = tpu.matmul %get3A_140, %get3A_143, %dot_general3A_144 {dimension_numbers = #tpu.dot_dimension_numbers<[0], [0], [1], [1], [0, 1, 1, 1], [], []>, transpose_lhs_hint = false} : vector<416x128xf32>, vector<416x128xf32>, vector<128x128xf32> -> vector<128x128xf32>
    %slice3A_146 = vector.extract_strided_slice %dot_general3A_15 {offsets = [384, 0], sizes = [128, 128], strides = [1, 1]} : vector<1024x128xf32> to vector<128x128xf32>
    %add3A_147 = arith.addf %dot_general3A_145, %slice3A_146 : vector<128x128xf32>
    %get3A_148 = arith.constant 0 : index
    %get3A_149 = arith.constant 0 : index
    %get3A_150 = vector.load %arg7[%get3A_148, %get3A_149] : memref<1x128xf32, #tpu.memory_space<vmem>>, vector<1x128xf32>
    %add3A_151 = vector.broadcast %get3A_150 : vector<1x128xf32> to vector<128x128xf32>
    %add3A_152 = arith.addf %add3A_147, %add3A_151 : vector<128x128xf32>
    %max3A_153 = arith.constant 0.000000e+00 : f32
    %max3A_154 = vector.broadcast %max3A_153 : f32 to vector<128x128xf32>
    %max3A_155 = arith.maximumf %add3A_152, %max3A_154 : vector<128x128xf32>
    %get3A_156 = arith.constant 0 : index
    %get3A_157 = arith.constant 0 : index
    %get3A_158 = vector.load %arg8[%get3A_156, %get3A_157] : memref<1x128xf32, #tpu.memory_space<vmem>>, vector<1x128xf32>
    %mul3A_159 = vector.broadcast %get3A_158 : vector<1x128xf32> to vector<128x128xf32>
    %mul3A_160 = arith.mulf %max3A_155, %mul3A_159 : vector<128x128xf32>
    %reduce_sum3A_161 = arith.constant dense<0.000000e+00> : vector<128xf32>
    %reduce_sum3A_162 = vector.multi_reduction <add>, %mul3A_160, %reduce_sum3A_161 [1] : vector<128x128xf32> to vector<128xf32>
    %broadcast_in_dim3A_163 = vector.shape_cast %reduce_sum3A_162 : vector<128xf32> to vector<128x1xf32>
    %get3A_164 = arith.constant 0 : index
    %get3A_165 = arith.constant 0 : index
    %get3A_166 = vector.load %arg9[%get3A_164, %get3A_165] : memref<1x1xf32, #tpu.memory_space<vmem>>, vector<1x1xf32>
    %add3A_167 = vector.broadcast %get3A_166 : vector<1x1xf32> to vector<128x1xf32>
    %add3A_168 = arith.addf %broadcast_in_dim3A_163, %add3A_167 : vector<128x1xf32>
    %logistic3A_169 = arith.negf %add3A_168 : vector<128x1xf32>
    %logistic3A_170 = math.exp %logistic3A_169 : vector<128x1xf32>
    %logistic3A_171 = arith.constant 1.000000e+00 : f32
    %logistic3A_172 = vector.broadcast %logistic3A_171 : f32 to vector<128x1xf32>
    %logistic3A_173 = arith.addf %logistic3A_172, %logistic3A_170 : vector<128x1xf32>
    %logistic3A_174 = arith.divf %logistic3A_172, %logistic3A_173 : vector<128x1xf32>
    %swap3A_175 = arith.constant 384 : index
    %swap3A_176 = arith.constant 0 : index
    %swap3A_177 = vector.load %arg10[%swap3A_175, %swap3A_176] : memref<1024x1xf32, #tpu.memory_space<vmem>>, vector<128x1xf32>
    tpu.vector_store %arg10[%swap3A_175, %swap3A_176], %logistic3A_174 {strides = array<i32>} : memref<1024x1xf32, #tpu.memory_space<vmem>>, vector<128x1xf32>,
    %get3A_178 = arith.constant 0 : index
    %get3A_179 = arith.constant 4 : index
    %get3A_180 = arith.constant 0 : index
    %get3A_181 = vector.load %arg1[%get3A_178, %get3A_179, %get3A_180] : memref<416x8x128xf32, #tpu.memory_space<vmem>>, vector<416x1x128xf32>
    %get3A_182 = vector.shape_cast %get3A_181 : vector<416x1x128xf32> to vector<416x128xf32>
    %get3A_183 = arith.constant 0 : index
    %get3A_184 = arith.constant 0 : index
    %get3A_185 = vector.load %arg5[%get3A_183, %get3A_184] : memref<416x128xf32, #tpu.memory_space<vmem>>, vector<416x128xf32>
    %dot_general3A_186 = arith.constant dense<0.000000e+00> : vector<128x128xf32>
    %dot_general3A_187 = tpu.matmul %get3A_182, %get3A_185, %dot_general3A_186 {dimension_numbers = #tpu.dot_dimension_numbers<[0], [0], [1], [1], [0, 1, 1, 1], [], []>, transpose_lhs_hint = false} : vector<416x128xf32>, vector<416x128xf32>, vector<128x128xf32> -> vector<128x128xf32>
    %slice3A_188 = vector.extract_strided_slice %dot_general3A_15 {offsets = [512, 0], sizes = [128, 128], strides = [1, 1]} : vector<1024x128xf32> to vector<128x128xf32>
    %add3A_189 = arith.addf %dot_general3A_187, %slice3A_188 : vector<128x128xf32>
    %get3A_190 = arith.constant 0 : index
    %get3A_191 = arith.constant 0 : index
    %get3A_192 = vector.load %arg7[%get3A_190, %get3A_191] : memref<1x128xf32, #tpu.memory_space<vmem>>, vector<1x128xf32>
    %add3A_193 = vector.broadcast %get3A_192 : vector<1x128xf32> to vector<128x128xf32>
    %add3A_194 = arith.addf %add3A_189, %add3A_193 : vector<128x128xf32>
    %max3A_195 = arith.constant 0.000000e+00 : f32
    %max3A_196 = vector.broadcast %max3A_195 : f32 to vector<128x128xf32>
    %max3A_197 = arith.maximumf %add3A_194, %max3A_196 : vector<128x128xf32>
    %get3A_198 = arith.constant 0 : index
    %get3A_199 = arith.constant 0 : index
    %get3A_200 = vector.load %arg8[%get3A_198, %get3A_199] : memref<1x128xf32, #tpu.memory_space<vmem>>, vector<1x128xf32>
    %mul3A_201 = vector.broadcast %get3A_200 : vector<1x128xf32> to vector<128x128xf32>
    %mul3A_202 = arith.mulf %max3A_197, %mul3A_201 : vector<128x128xf32>
    %reduce_sum3A_203 = arith.constant dense<0.000000e+00> : vector<128xf32>
    %reduce_sum3A_204 = vector.multi_reduction <add>, %mul3A_202, %reduce_sum3A_203 [1] : vector<128x128xf32> to vector<128xf32>
    %broadcast_in_dim3A_205 = vector.shape_cast %reduce_sum3A_204 : vector<128xf32> to vector<128x1xf32>
    %get3A_206 = arith.constant 0 : index
    %get3A_207 = arith.constant 0 : index
    %get3A_208 = vector.load %arg9[%get3A_206, %get3A_207] : memref<1x1xf32, #tpu.memory_space<vmem>>, vector<1x1xf32>
    %add3A_209 = vector.broadcast %get3A_208 : vector<1x1xf32> to vector<128x1xf32>
    %add3A_210 = arith.addf %broadcast_in_dim3A_205, %add3A_209 : vector<128x1xf32>
    %logistic3A_211 = arith.negf %add3A_210 : vector<128x1xf32>
    %logistic3A_212 = math.exp %logistic3A_211 : vector<128x1xf32>
    %logistic3A_213 = arith.constant 1.000000e+00 : f32
    %logistic3A_214 = vector.broadcast %logistic3A_213 : f32 to vector<128x1xf32>
    %logistic3A_215 = arith.addf %logistic3A_214, %logistic3A_212 : vector<128x1xf32>
    %logistic3A_216 = arith.divf %logistic3A_214, %logistic3A_215 : vector<128x1xf32>
    %swap3A_217 = arith.constant 512 : index
    %swap3A_218 = arith.constant 0 : index
    %swap3A_219 = vector.load %arg10[%swap3A_217, %swap3A_218] : memref<1024x1xf32, #tpu.memory_space<vmem>>, vector<128x1xf32>
    tpu.vector_store %arg10[%swap3A_217, %swap3A_218], %logistic3A_216 {strides = array<i32>} : memref<1024x1xf32, #tpu.memory_space<vmem>>, vector<128x1xf32>,
    %get3A_220 = arith.constant 0 : index
    %get3A_221 = arith.constant 5 : index
    %get3A_222 = arith.constant 0 : index
    %get3A_223 = vector.load %arg1[%get3A_220, %get3A_221, %get3A_222] : memref<416x8x128xf32, #tpu.memory_space<vmem>>, vector<416x1x128xf32>
    %get3A_224 = vector.shape_cast %get3A_223 : vector<416x1x128xf32> to vector<416x128xf32>
    %get3A_225 = arith.constant 0 : index
    %get3A_226 = arith.constant 0 : index
    %get3A_227 = vector.load %arg5[%get3A_225, %get3A_226] : memref<416x128xf32, #tpu.memory_space<vmem>>, vector<416x128xf32>
    %dot_general3A_228 = arith.constant dense<0.000000e+00> : vector<128x128xf32>
    %dot_general3A_229 = tpu.matmul %get3A_224, %get3A_227, %dot_general3A_228 {dimension_numbers = #tpu.dot_dimension_numbers<[0], [0], [1], [1], [0, 1, 1, 1], [], []>, transpose_lhs_hint = false} : vector<416x128xf32>, vector<416x128xf32>, vector<128x128xf32> -> vector<128x128xf32>
    %slice3A_230 = vector.extract_strided_slice %dot_general3A_15 {offsets = [640, 0], sizes = [128, 128], strides = [1, 1]} : vector<1024x128xf32> to vector<128x128xf32>
    %add3A_231 = arith.addf %dot_general3A_229, %slice3A_230 : vector<128x128xf32>
    %get3A_232 = arith.constant 0 : index
    %get3A_233 = arith.constant 0 : index
    %get3A_234 = vector.load %arg7[%get3A_232, %get3A_233] : memref<1x128xf32, #tpu.memory_space<vmem>>, vector<1x128xf32>
    %add3A_235 = vector.broadcast %get3A_234 : vector<1x128xf32> to vector<128x128xf32>
    %add3A_236 = arith.addf %add3A_231, %add3A_235 : vector<128x128xf32>
    %max3A_237 = arith.constant 0.000000e+00 : f32
    %max3A_238 = vector.broadcast %max3A_237 : f32 to vector<128x128xf32>
    %max3A_239 = arith.maximumf %add3A_236, %max3A_238 : vector<128x128xf32>
    %get3A_240 = arith.constant 0 : index
    %get3A_241 = arith.constant 0 : index
    %get3A_242 = vector.load %arg8[%get3A_240, %get3A_241] : memref<1x128xf32, #tpu.memory_space<vmem>>, vector<1x128xf32>
    %mul3A_243 = vector.broadcast %get3A_242 : vector<1x128xf32> to vector<128x128xf32>
    %mul3A_244 = arith.mulf %max3A_239, %mul3A_243 : vector<128x128xf32>
    %reduce_sum3A_245 = arith.constant dense<0.000000e+00> : vector<128xf32>
    %reduce_sum3A_246 = vector.multi_reduction <add>, %mul3A_244, %reduce_sum3A_245 [1] : vector<128x128xf32> to vector<128xf32>
    %broadcast_in_dim3A_247 = vector.shape_cast %reduce_sum3A_246 : vector<128xf32> to vector<128x1xf32>
    %get3A_248 = arith.constant 0 : index
    %get3A_249 = arith.constant 0 : index
    %get3A_250 = vector.load %arg9[%get3A_248, %get3A_249] : memref<1x1xf32, #tpu.memory_space<vmem>>, vector<1x1xf32>
    %add3A_251 = vector.broadcast %get3A_250 : vector<1x1xf32> to vector<128x1xf32>
    %add3A_252 = arith.addf %broadcast_in_dim3A_247, %add3A_251 : vector<128x1xf32>
    %logistic3A_253 = arith.negf %add3A_252 : vector<128x1xf32>
    %logistic3A_254 = math.exp %logistic3A_253 : vector<128x1xf32>
    %logistic3A_255 = arith.constant 1.000000e+00 : f32
    %logistic3A_256 = vector.broadcast %logistic3A_255 : f32 to vector<128x1xf32>
    %logistic3A_257 = arith.addf %logistic3A_256, %logistic3A_254 : vector<128x1xf32>
    %logistic3A_258 = arith.divf %logistic3A_256, %logistic3A_257 : vector<128x1xf32>
    %swap3A_259 = arith.constant 640 : index
    %swap3A_260 = arith.constant 0 : index
    %swap3A_261 = vector.load %arg10[%swap3A_259, %swap3A_260] : memref<1024x1xf32, #tpu.memory_space<vmem>>, vector<128x1xf32>
    tpu.vector_store %arg10[%swap3A_259, %swap3A_260], %logistic3A_258 {strides = array<i32>} : memref<1024x1xf32, #tpu.memory_space<vmem>>, vector<128x1xf32>,
    %get3A_262 = arith.constant 0 : index
    %get3A_263 = arith.constant 6 : index
    %get3A_264 = arith.constant 0 : index
    %get3A_265 = vector.load %arg1[%get3A_262, %get3A_263, %get3A_264] : memref<416x8x128xf32, #tpu.memory_space<vmem>>, vector<416x1x128xf32>
    %get3A_266 = vector.shape_cast %get3A_265 : vector<416x1x128xf32> to vector<416x128xf32>
    %get3A_267 = arith.constant 0 : index
    %get3A_268 = arith.constant 0 : index
    %get3A_269 = vector.load %arg5[%get3A_267, %get3A_268] : memref<416x128xf32, #tpu.memory_space<vmem>>, vector<416x128xf32>
    %dot_general3A_270 = arith.constant dense<0.000000e+00> : vector<128x128xf32>
    %dot_general3A_271 = tpu.matmul %get3A_266, %get3A_269, %dot_general3A_270 {dimension_numbers = #tpu.dot_dimension_numbers<[0], [0], [1], [1], [0, 1, 1, 1], [], []>, transpose_lhs_hint = false} : vector<416x128xf32>, vector<416x128xf32>, vector<128x128xf32> -> vector<128x128xf32>
    %slice3A_272 = vector.extract_strided_slice %dot_general3A_15 {offsets = [768, 0], sizes = [128, 128], strides = [1, 1]} : vector<1024x128xf32> to vector<128x128xf32>
    %add3A_273 = arith.addf %dot_general3A_271, %slice3A_272 : vector<128x128xf32>
    %get3A_274 = arith.constant 0 : index
    %get3A_275 = arith.constant 0 : index
    %get3A_276 = vector.load %arg7[%get3A_274, %get3A_275] : memref<1x128xf32, #tpu.memory_space<vmem>>, vector<1x128xf32>
    %add3A_277 = vector.broadcast %get3A_276 : vector<1x128xf32> to vector<128x128xf32>
    %add3A_278 = arith.addf %add3A_273, %add3A_277 : vector<128x128xf32>
    %max3A_279 = arith.constant 0.000000e+00 : f32
    %max3A_280 = vector.broadcast %max3A_279 : f32 to vector<128x128xf32>
    %max3A_281 = arith.maximumf %add3A_278, %max3A_280 : vector<128x128xf32>
    %get3A_282 = arith.constant 0 : index
    %get3A_283 = arith.constant 0 : index
    %get3A_284 = vector.load %arg8[%get3A_282, %get3A_283] : memref<1x128xf32, #tpu.memory_space<vmem>>, vector<1x128xf32>
    %mul3A_285 = vector.broadcast %get3A_284 : vector<1x128xf32> to vector<128x128xf32>
    %mul3A_286 = arith.mulf %max3A_281, %mul3A_285 : vector<128x128xf32>
    %reduce_sum3A_287 = arith.constant dense<0.000000e+00> : vector<128xf32>
    %reduce_sum3A_288 = vector.multi_reduction <add>, %mul3A_286, %reduce_sum3A_287 [1] : vector<128x128xf32> to vector<128xf32>
    %broadcast_in_dim3A_289 = vector.shape_cast %reduce_sum3A_288 : vector<128xf32> to vector<128x1xf32>
    %get3A_290 = arith.constant 0 : index
    %get3A_291 = arith.constant 0 : index
    %get3A_292 = vector.load %arg9[%get3A_290, %get3A_291] : memref<1x1xf32, #tpu.memory_space<vmem>>, vector<1x1xf32>
    %add3A_293 = vector.broadcast %get3A_292 : vector<1x1xf32> to vector<128x1xf32>
    %add3A_294 = arith.addf %broadcast_in_dim3A_289, %add3A_293 : vector<128x1xf32>
    %logistic3A_295 = arith.negf %add3A_294 : vector<128x1xf32>
    %logistic3A_296 = math.exp %logistic3A_295 : vector<128x1xf32>
    %logistic3A_297 = arith.constant 1.000000e+00 : f32
    %logistic3A_298 = vector.broadcast %logistic3A_297 : f32 to vector<128x1xf32>
    %logistic3A_299 = arith.addf %logistic3A_298, %logistic3A_296 : vector<128x1xf32>
    %logistic3A_300 = arith.divf %logistic3A_298, %logistic3A_299 : vector<128x1xf32>
    %swap3A_301 = arith.constant 768 : index
    %swap3A_302 = arith.constant 0 : index
    %swap3A_303 = vector.load %arg10[%swap3A_301, %swap3A_302] : memref<1024x1xf32, #tpu.memory_space<vmem>>, vector<128x1xf32>
    tpu.vector_store %arg10[%swap3A_301, %swap3A_302], %logistic3A_300 {strides = array<i32>} : memref<1024x1xf32, #tpu.memory_space<vmem>>, vector<128x1xf32>,
    %get3A_304 = arith.constant 0 : index
    %get3A_305 = arith.constant 7 : index
    %get3A_306 = arith.constant 0 : index
    %get3A_307 = vector.load %arg1[%get3A_304, %get3A_305, %get3A_306] : memref<416x8x128xf32, #tpu.memory_space<vmem>>, vector<416x1x128xf32>
    %get3A_308 = vector.shape_cast %get3A_307 : vector<416x1x128xf32> to vector<416x128xf32>
    %get3A_309 = arith.constant 0 : index
    %get3A_310 = arith.constant 0 : index
    %get3A_311 = vector.load %arg5[%get3A_309, %get3A_310] : memref<416x128xf32, #tpu.memory_space<vmem>>, vector<416x128xf32>
    %dot_general3A_312 = arith.constant dense<0.000000e+00> : vector<128x128xf32>
    %dot_general3A_313 = tpu.matmul %get3A_308, %get3A_311, %dot_general3A_312 {dimension_numbers = #tpu.dot_dimension_numbers<[0], [0], [1], [1], [0, 1, 1, 1], [], []>, transpose_lhs_hint = false} : vector<416x128xf32>, vector<416x128xf32>, vector<128x128xf32> -> vector<128x128xf32>
    %slice3A_314 = vector.extract_strided_slice %dot_general3A_15 {offsets = [896, 0], sizes = [128, 128], strides = [1, 1]} : vector<1024x128xf32> to vector<128x128xf32>
    %add3A_315 = arith.addf %dot_general3A_313, %slice3A_314 : vector<128x128xf32>
    %get3A_316 = arith.constant 0 : index
    %get3A_317 = arith.constant 0 : index
    %get3A_318 = vector.load %arg7[%get3A_316, %get3A_317] : memref<1x128xf32, #tpu.memory_space<vmem>>, vector<1x128xf32>
    %add3A_319 = vector.broadcast %get3A_318 : vector<1x128xf32> to vector<128x128xf32>
    %add3A_320 = arith.addf %add3A_315, %add3A_319 : vector<128x128xf32>
    %max3A_321 = arith.constant 0.000000e+00 : f32
    %max3A_322 = vector.broadcast %max3A_321 : f32 to vector<128x128xf32>
    %max3A_323 = arith.maximumf %add3A_320, %max3A_322 : vector<128x128xf32>
    %get3A_324 = arith.constant 0 : index
    %get3A_325 = arith.constant 0 : index
    %get3A_326 = vector.load %arg8[%get3A_324, %get3A_325] : memref<1x128xf32, #tpu.memory_space<vmem>>, vector<1x128xf32>
    %mul3A_327 = vector.broadcast %get3A_326 : vector<1x128xf32> to vector<128x128xf32>
    %mul3A_328 = arith.mulf %max3A_323, %mul3A_327 : vector<128x128xf32>
    %reduce_sum3A_329 = arith.constant dense<0.000000e+00> : vector<128xf32>
    %reduce_sum3A_330 = vector.multi_reduction <add>, %mul3A_328, %reduce_sum3A_329 [1] : vector<128x128xf32> to vector<128xf32>
    %broadcast_in_dim3A_331 = vector.shape_cast %reduce_sum3A_330 : vector<128xf32> to vector<128x1xf32>
    %get3A_332 = arith.constant 0 : index
    %get3A_333 = arith.constant 0 : index
    %get3A_334 = vector.load %arg9[%get3A_332, %get3A_333] : memref<1x1xf32, #tpu.memory_space<vmem>>, vector<1x1xf32>
    %add3A_335 = vector.broadcast %get3A_334 : vector<1x1xf32> to vector<128x1xf32>
    %add3A_336 = arith.addf %broadcast_in_dim3A_331, %add3A_335 : vector<128x1xf32>
    %logistic3A_337 = arith.negf %add3A_336 : vector<128x1xf32>
    %logistic3A_338 = math.exp %logistic3A_337 : vector<128x1xf32>
    %logistic3A_339 = arith.constant 1.000000e+00 : f32
    %logistic3A_340 = vector.broadcast %logistic3A_339 : f32 to vector<128x1xf32>
    %logistic3A_341 = arith.addf %logistic3A_340, %logistic3A_338 : vector<128x1xf32>
    %logistic3A_342 = arith.divf %logistic3A_340, %logistic3A_341 : vector<128x1xf32>
    %swap3A_343 = arith.constant 896 : index
    %swap3A_344 = arith.constant 0 : index
    %swap3A_345 = vector.load %arg10[%swap3A_343, %swap3A_344] : memref<1024x1xf32, #tpu.memory_space<vmem>>, vector<128x1xf32>
    tpu.vector_store %arg10[%swap3A_343, %swap3A_344], %logistic3A_342 {strides = array<i32>} : memref<1024x1xf32, #tpu.memory_space<vmem>>, vector<128x1xf32>,
    return
  }
  func.func @transform_0(%arg0: i32) -> (i32, i32, i32) {
    %c0_i32 = arith.constant 0 : i32
    %c0_i32_0 = arith.constant 0 : i32
    %c0_i32_1 = arith.constant 0 : i32
    return %c0_i32, %arg0, %c0_i32_0 : i32, i32, i32
  }
  func.func @transform_1(%arg0: i32) -> (i32, i32) {
    %c0_i32 = arith.constant 0 : i32
    %c0_i32_0 = arith.constant 0 : i32
    return %arg0, %c0_i32 : i32, i32
  }
  func.func @transform_2(%arg0: i32) -> (i32, i32) {
    %c0_i32 = arith.constant 0 : i32
    %c0_i32_0 = arith.constant 0 : i32
    %c0_i32_1 = arith.constant 0 : i32
    return %c0_i32, %c0_i32_0 : i32, i32
  }
  func.func @transform_3(%arg0: i32) -> (i32, i32) {
    %c0_i32 = arith.constant 0 : i32
    %c0_i32_0 = arith.constant 0 : i32
    %c0_i32_1 = arith.constant 0 : i32
    return %c0_i32, %c0_i32_0 : i32, i32
  }
  func.func @transform_4(%arg0: i32) -> (i32, i32) {
    %c0_i32 = arith.constant 0 : i32
    %c0_i32_0 = arith.constant 0 : i32
    %c0_i32_1 = arith.constant 0 : i32
    return %c0_i32, %c0_i32_0 : i32, i32
  }
  func.func @transform_5(%arg0: i32) -> (i32, i32) {
    %c0_i32 = arith.constant 0 : i32
    %c0_i32_0 = arith.constant 0 : i32
    %c0_i32_1 = arith.constant 0 : i32
    return %c0_i32, %c0_i32_0 : i32, i32
  }
  func.func @transform_6(%arg0: i32) -> (i32, i32) {
    %c0_i32 = arith.constant 0 : i32
    %c0_i32_0 = arith.constant 0 : i32
    %c0_i32_1 = arith.constant 0 : i32
    return %c0_i32, %c0_i32_0 : i32, i32
  }
  func.func @transform_7(%arg0: i32) -> (i32, i32) {
    %c0_i32 = arith.constant 0 : i32
    %c0_i32_0 = arith.constant 0 : i32
    %c0_i32_1 = arith.constant 0 : i32
    return %c0_i32, %c0_i32_0 : i32, i32
  }
  func.func @transform_8(%arg0: i32) -> (i32, i32) {
    %c0_i32 = arith.constant 0 : i32
    %c0_i32_0 = arith.constant 0 : i32
    %c0_i32_1 = arith.constant 0 : i32
    return %c0_i32, %c0_i32_0 : i32, i32
  }
  func.func @transform_9(%arg0: i32) -> (i32, i32) {
    %c0_i32 = arith.constant 0 : i32
    %c0_i32_0 = arith.constant 0 : i32
    return %arg0, %c0_i32 : i32, i32
  }
}

</mosaic_0001>

<sc_bundles>
// kernel: kernel.4.cloned.1.call-start
scs
__scs_entry_jumppad:
0x0: {  	(pc) =	sbr.rel $0x88, $3  }
0x1: {  	(tag) =	ssettag $0x0;
	lr =	simm.s32 $0x1  }
0x2: {  	[smem:$0x3F98] =	sst lr;
	_ =	strace $0xD0000000  }
0x3: {  	_ = 	snop  }
0x4: {  	_ = 	snop  }
0x5: {  	_ = 	snop  }
0x6: {  	_ = 	snop  }
0x7: {  	_ = 	snop  }
__scs_overlays_trampoline_lowered:
0x8: {  	[smem:$0x3FA7] =	sst s0  }
0x9: {  	[smem:$0x3FA8] =	sst s1  }
0xa: {  	[smem:$0x3FA9] =	sst s2  }
0xb: {  	[smem:$0x3FAA] =	sst s3  }
0xc: {  	[smem:$0x3FAB] =	sst s4  }
0xd: {  	[smem:$0x3FAC] =	sst s5  }
0xe: {  	[smem:$0x3FAD] =	sst s6  }
0xf: {  	[smem:$0x3FAE] =	sst s7  }
0x10: {  	[smem:$0x3FAF] =	sst s8  }
0x11: {  	[smem:$0x3FB0] =	sst s9;
	s0 =	simm.s32 @!p0 $0x0  }
0x12: {  	s1 =	sld [smem:$0x3F96];
	s0 =	simm.s32 @p0 $0x1  }
0x13: {  	[smem:$0x3FB1] =	sst s0;
	s0 =	simm.s32 @!p1 $0x0  }
0x14: {  	s2 =	sld [smem:$0x3F95];
	s0 =	simm.s32 @p1 $0x1  }
0x15: {  	[smem:$0x3FB2] =	sst s0;
	s0 =	simm.s32 @!p2 $0x0  }
0x16: {  	s3 =	sld [smem:$0x3FDB];
	s0 =	simm.s32 @p2 $0x1  }
0x17: {  	s4 =	simm.s32 $0x1BF5;
	[smem:$0x3FB4] =	sst s0  }
0x18: {  	s0 =	sld [smem:$0x3F97];
	_ =	swait.ge [sflag:s4], $0x0  }
0x19: {  	s7 =	sld [smem:$0x3F98]  }
0x1a: {  	s8 =	sadd.s32 $0xFFFFE003, lr  }
0x1b: {  	s9 =	sadd.s32 $0xFFFFFEF7, lr;
	s5 =	simm.s32 $0xFFFFFFFF;
	p2 =	slt.u32 s8, $0xFFFFF086  }
0x1c: {  	p1 =	slt.u32 s9, $0xF7A;
	s5 =	simm.s32 @!p2 $0x0  }
0x1d: {  	s5 =	simm.s32 @p1 $0x1;
	p0 =	seq.s32 s7, s2  }
0x1e: {  	s7 =	smul.u32 @!p0 $0xF7A, s2;
	p2 =	seq.s32 @!p0 s5, $0x0  }
0x1f: {  	s9 =	smul.u32 $0xF7A, s1;
	s8 =	simm.s32 @!p0 $0x1BF5;
	p2 =	por !p2, p0  }
0x20: {  	[sflag:s8] =	ssyncset.s32 @!p0 $0xFFFFF086;
	s6 =	sadd.s32 @!p0 s3, s7;
	s7 =	simm.s32 @!p0 $0x108  }
0x21: {  	s3 =	sadd.s32 s3, s9;
	s6 =	sadd.s32 @!p0 $0x88, s6;
	s7 =	simm.s32 @p2 $0x1082  }
0x22: {  	[simem:s7], [sflag:s8] =	dma.local @!p0 [hbm:s6], $0xF7A  }
0x23: {  	s9 =	sor.u32 $0xD0000000, s2;
	s6 =	simm.s32 $0x108;
	_ =	swait.ge @!p0 [sflag:s8], $0x0  }
0x24: {  	s3 =	sadd.s32 $0x88, s3;
	s6 =	simm.s32 @!p1 $0x1082;
	[sflag:s4] =	ssyncset.s32 $0xFFFFF086  }
0x25: {  	[simem:s6], [sflag:s4] =	dma.local [hbm:s3], $0xF7A  }
0x26: {  	[smem:$0x3F98] =	sst s1;
	(tag) =	ssettag s2;
	_ =	strace s9  }
0x27: {  	s1 =	sld [smem:$0x3FA8]  }
0x28: {  	s2 =	sld [smem:$0x3FA9]  }
0x29: {  	s4 =	sld [smem:$0x3FAB]  }
0x2a: {  	p0 =	seq.s32 s5, $0x0;
	s5 =	sld [smem:$0x3FAC]  }
0x2b: {  	s6 =	sld [smem:$0x3FAD]  }
0x2c: {  	s7 =	sld [smem:$0x3FAE]  }
0x2d: {  	s3 =	simm.s32 $0x108;
	s8 =	sld [smem:$0x3FAF]  }
0x2e: {  	s3 =	simm.s32 @!p0 $0x1082;
	s9 =	sld [smem:$0x3FB0]  }
0x2f: {  	lr =	sadd.s32 s0, s3;
	s0 =	sld [smem:$0x3FA7]  }
0x30: {  	s3 =	sld [smem:$0x3FAA]  }
0x31: {  	[smem:$0x3FB3] =	sst s10  }
0x32: {  	s10 =	sld [smem:$0x3FB1];
	_ =	sdelay $0x3  }
0x33: {  	p0 =	seq.s32 s10, $0x1;
	s10 =	sld [smem:$0x3FB3];
	_ =	sdelay $0x3  }
0x34: {  	[smem:$0x3FB3] =	sst s10  }
0x35: {  	s10 =	sld [smem:$0x3FB2];
	_ =	sdelay $0x3  }
0x36: {  	p1 =	seq.s32 s10, $0x1;
	s10 =	sld [smem:$0x3FB3];
	_ =	sdelay $0x3  }
0x37: {  	[smem:$0x3FB3] =	sst s10  }
0x38: {  	s10 =	sld [smem:$0x3FB4]  }
0x39: {  	_ = 	snop;
	(pc) =	sbr.ind lr, $3  }
0x3a: {  	_ = 	snop  }
0x3b: {  	_ = 	snop  }
0x3c: {  	p2 =	seq.s32 s10, $0x1;
	s10 =	sld [smem:$0x3FB3]  }
0x3d: {  	_ =	shalt  }
0x3e: {  	_ =	shalt  }
0x3f: {  	_ =	shalt  }
0x40: {  	_ =	shalt  }
0x41: {  	_ =	shalt  }
0x42: {  	_ =	shalt  }
0x43: {  	_ =	shalt  }
0x44: {  	_ =	shalt  }
0x45: {  	_ =	shalt  }
0x46: {  	_ =	shalt  }
0x47: {  	_ =	shalt  }
0x48: {  	_ =	shalt  }
0x49: {  	_ =	shalt  }
0x4a: {  	_ =	shalt  }
0x4b: {  	_ =	shalt  }
0x4c: {  	_ =	shalt  }
0x4d: {  	_ =	shalt  }
0x4e: {  	_ =	shalt  }
0x4f: {  	_ =	shalt  }
0x50: {  	_ =	shalt  }
0x51: {  	_ =	shalt  }
0x52: {  	_ =	shalt  }
0x53: {  	_ =	shalt  }
0x54: {  	_ =	shalt  }
0x55: {  	_ =	shalt  }
0x56: {  	_ =	shalt  }
0x57: {  	_ =	shalt  }
0x58: {  	_ =	shalt  }
0x59: {  	_ =	shalt  }
0x5a: {  	_ =	shalt  }
0x5b: {  	_ =	shalt  }
0x5c: {  	_ =	shalt  }
0x5d: {  	_ =	shalt  }
0x5e: {  	_ =	shalt  }
0x5f: {  	_ =	shalt  }
0x60: {  	_ =	shalt  }
0x61: {  	_ =	shalt  }
0x62: {  	_ =	shalt  }
0x63: {  	_ =	shalt  }
0x64: {  	_ =	shalt  }
0x65: {  	_ =	shalt  }
0x66: {  	_ =	shalt  }
0x67: {  	_ =	shalt  }
0x68: {  	_ =	shalt  }
0x69: {  	_ =	shalt  }
0x6a: {  	_ =	shalt  }
0x6b: {  	_ =	shalt  }
0x6c: {  	_ =	shalt  }
0x6d: {  	_ =	shalt  }
0x6e: {  	_ =	shalt  }
0x6f: {  	_ =	shalt  }
0x70: {  	_ =	shalt  }
0x71: {  	_ =	shalt  }
0x72: {  	_ =	shalt  }
0x73: {  	_ =	shalt  }
0x74: {  	_ =	shalt  }
0x75: {  	_ =	shalt  }
0x76: {  	_ =	shalt  }
0x77: {  	_ =	shalt  }
0x78: {  	_ =	shalt  }
0x79: {  	_ =	shalt  }
0x7a: {  	_ =	shalt  }
0x7b: {  	_ =	shalt  }
0x7c: {  	_ =	shalt  }
0x7d: {  	_ =	shalt  }
0x7e: {  	_ =	shalt  }
0x7f: {  	_ =	shalt  }
0x80: {  	_ =	shalt  }
0x81: {  	_ =	shalt  }
0x82: {  	_ =	shalt  }
0x83: {  	_ =	shalt  }
0x84: {  	_ =	shalt  }
0x85: {  	_ =	shalt  }
0x86: {  	_ =	shalt  }
0x87: {  	_ =	shalt  }
.Lfunc_end0:
.L_simem_size_0:
called_computation_lowered:
.L_overlay_start_0:
0x88: {  	s2 =	sld [smem:$0x3FD9]  }
0x89: {  	s3 =	sld [smem:$0x3FFE];
	_ =	sdelay $0x1  }
0x8a: {  	s1 =	srdreg.scid  }
0x8b: {  	s0 =	sand.u32 $0x1, s1  }
0x8c: {  	s16 =	sshll.u32 s0, $0xA;
	s2 =	sadd.s32 s3, s2  }
0x8d: {  	s2 =	sadd.s32 s2, s16  }
0x8e: {  	[smem:$0x3FBF] =	sst s2  }
0x8f: {  	_ = 	snop  }
0x90: {  	(tm) =	ssettm $0x1  }
0x91: {  	s17 =	sld [smem:$0x3FFB];
	_ =	sdelay $0x3  }
0x92: {  	_ =	strace s17  }
0x93: {  	s2 =	sld [smem:$0x3FFC];
	_ =	sdelay $0x3  }
0x94: {  	_ =	strace s2  }
0x95: {  	s2 =	sld [smem:$0x3FFD];
	_ =	sdelay $0x3  }
0x96: {  	_ =	strace s2  }
0x97: {  	_ =	strace $0x8FFFFFFF  }
0x98: {  	s18 =	sld [smem:$0x3FDB];
	_ =	sdelay $0x1  }
0x99: {  	s19 =	simm.s32 $_scs_section_size  }
0x9a: {  	s4 =	simm.s32 $_size__tile_overlayer_lowered;
	s5 =	simm.s32 $_tile_overlayer_lowered  }
0x9b: {  	s22 =	simm.s32 $0x1BFF;
	s21 =	sshll.u32 s5, $0x1;
	s2 =	sadd.s32 s19, s18  }
0x9c: {  	s6 =	simm.s32 $0x0;
	s20 =	sshll.u32 s4, $0x1;
	s4 =	sadd.s32 s21, s2  }
0x9d: {  	[timem:s6], [sflag:s22] =	dma.local [hbm:s4], s20  }
0x9e: {  	_ =	swait.ge [sflag:s22], s20  }
0x9f: {  	s3 =	ssub.s32 $0x0, s20;
	[sflag:s22] =	ssyncset.done $0x0  }
0xa0: {  	[sflag:s22] =	ssyncadd.s32 s3;
	_ =	sdelay $0x1  }
0xa1: {  	s23 =	simm.s32 $0x1B8B  }
0xa2: {  	_ =	swait.ge [sflag:s23], $0x1  }
0xa3: {  	[sflag:s23] =	ssyncset.done $0x0  }
0xa4: {  	s25 =	simm.s32 $0x1B8E;
	s24 =	sld [smem:$0x3FFE];
	[sflag:s23] =	ssyncadd.s32 $0xFFFFFFFF  }
0xa5: {  	s26 =	simm.s32 $execute0_lowered;
	[smem:$0x3FD2] =	sst s25  }
0xa6: {  	s4 =	sshll.u32 s26, $0x1;
	_ =	strace $0x80000046;
	[dreg:$0x1] =	wrdreg $0xFFFFFFFF  }
0xa7: {  	s28 =	simm.s32 $_size_execute0_lowered;
	s2 =	sadd.s32 s2, s4;
	[dreg:$0x0] =	wrdreg $0x0  }
0xa8: {  	s4 =	sshll.u32 s28, $0x1;
	[dreg:$0x2] =	wrdreg s2  }
0xa9: {  	[dreg:$0x3] =	wrdreg s4  }
0xaa: {  	[dreg:$0x4] =	wrdreg $0xC0  }
0xab: {  	_ =	task [dreg:s6], $0x5FFFF  }
0xac: {  	[dreg:$0x1] =	wrdreg $0xFFFFFFFF  }
0xad: {  	[dreg:$0x0] =	wrdreg $0x60  }
0xae: {  	[dreg:$0x2] =	wrdreg s24  }
0xaf: {  	[dreg:$0x3] =	wrdreg $0x9  }
0xb0: {  	_ =	task.clear_ibuf [dreg:s6], $0x4FFFF;
	_ =	strace $0x90000046  }
0xb1: {  	s29 =	simm.s32 $0x9;
	_ =	strace $0x80000048  }
0xb2: {  	_ =	swait.ge [sflag:s29], $0x1  }
0xb3: {  	[sflag:s29] =	ssyncadd.s32 $0xFFFFFFFF  }
0xb4: {  	_ =	strace $0x90000048  }
0xb5: {  	_ =	sfence  }
0xb6: {  	s30 =	sld [smem:$0x0];
	_ =	sdelay $0x2  }
0xb7: {  	s31 =	sshll.u32 s1, $0xD;
	s1 =	sshrl.u32 s1, $0x2  }
0xb8: {  	s3 =	sand.u32 $0x4000, s31;
	s1 =	sadd.s32 s1, s30  }
0xb9: {  	s0 =	sor.u32 s3, s0;
	s1 =	sshll.u32 s1, $0x11  }
0xba: {  	s0 =	sor.u32 s1, s0  }
0xbb: {  	s0 =	sadd.s32 $0x8F2B, s0  }
0xbc: {  	[sflag:s0] =	ssyncadd.remote.s32 $0x1  }
0xbd: {  	_ =	sfence.sel $0xFFFF  }
0xbe: {  	[dreg:$0x0] =	wrdreg $0xFFFFFFFF;
	(pc) =	sbr.abs _section_cstart, $3  }
0xbf: {  	[dreg:$0x1] =	wrdreg $0xFFFFFFFF  }
0xc0: {  	_ =	task.clear_ibuf [dreg:s6], $0x2FFFF;
	_ =	strace $0x9FFFFFFF  }
0xc1: {  	(tm) =	ssettm $0x7FFFFFFF  }
tec
execute0_lowered:
.L_overlay_start_1:
0x0: {  	(tag) =	ssettag $0x1  }
0x1: {  	s9 =	rddreg [dreg:$0x0]  }
0x2: {  	s0 =	rddreg [dreg:$0x1]  }
0x3: {  	s2 =	simm.s32 $0x0;
	s3 =	srdreg.scid;
	s1 =	stileid.u32  }
0x4: {  	s11 =	simm.s32 $0x18700;
	s12 =	simm.s32 $0x1;
	s13 =	simm.s32 $0x2  }
0x5: {  	s14 =	simm.s32 $0x1C700;
	s15 =	simm.s32 $0x1D700;
	s16 =	simm.s32 $0x3  }
0x6: {  	s17 =	simm.s32 $0x4;
	s18 =	simm.s32 $0x0;
	[smem:$0x7FF] =	sst s2  }
0x7: {  	s5 =	sand.u32 $0x1, s3;
	s3 =	sadd.s32 $0x1200, s9;
	s7 =	sshll.u32 s1, $0x1  }
0x8: {  	s4 =	sadd.s32 $0x4F7E00, s9;
	_ =	strace $0x80000047;
	s6 =	ssub.s32 $0x2, s5  }
0x9: {  	s7 =	sor.u32 s5, s7;
	s5 =	sadd.s32 $0xE200, s9;
	s8 =	sshrl.u32 s6, $0x1  }
0xa: {  	s10 =	ssub.s32 s6, s8;
	s6 =	smul.u32 $0xD, s7;
	s7 =	sadd.s32 $0xE400, s9  }
0xb: {  	s8 =	sadd.s32 $0xE600, s9;
	s9 =	sadd.s32 $0xE800, s9;
	s10 =	smax.u32 s10, $0x1  }
.LBB2_1:
0xc: {  	s19 =	simm.s32 $0x0  }
.LBB2_2:
0xd: {  	s20 =	sadd.s32 s6, s19  }
0xe: {  	s21 =	smul.u32 $0x30E0, s20;
	_ =	sdelay $0x1  }
0xf: {  	s31 =	sshll.u32 s20, $0x7;
	s21 =	sadd.s32 s4, s21  }
0x10: {  	[tilespmem:s2], [sflag:$0x1] =	stream.linear.gather [hbm4b:s21+s2], $0x18700, $0x38;
	[tilespmem:$0x1E700] =	vst v63  }
0x11: {  	s21 =	sand.u32 $0x1FFFF800, s31  }
0x12: {  	s21 =	sadd.s32 s3, s21  }
0x13: {  	[tilespmem:s11], [sflag:$0x2] =	stream.linear.gather [hbm4b:s21+s2], $0x4000, $0x38;
	[tilespmem:$0x1E700] =	vst v63  }
0x14: {  	_ =	swait.ge [sflag:s12], $0x18700  }
0x15: {  	[sflag:s12] =	ssyncset.done $0x0  }
0x16: {  	[sflag:s12] =	ssyncadd.s32 $0xFFFE7900  }
0x17: {  	_ =	swait.ge [sflag:s13], $0x4000  }
0x18: {  	p0 =	seq.s32 s19, $0x0;
	[sflag:s13] =	ssyncset.done $0x0  }
0x19: {  	s21 =	simm.s32 @!p0 $0x3;
	[sflag:s13] =	ssyncadd.s32 $0xFFFFC000  }
0x1a: {  	_ =	swait.ge @!p0 [sflag:s21], $0x1000  }
0x1b: {  	[sflag:s21] =	ssyncset.done @!p0 $0x0  }
0x1c: {  	s24 =	simm.s32 $0x18800;
	[sflag:s21] =	ssyncadd.s32 @!p0 $0xFFFFF000  }
0x1d: {  	v0 =	vld [tilespmem:s24+$0x80]  }
0x1e: {  	v1 =	vld [tilespmem:s24+$0xFFFFFF80]  }
0x1f: {  	v2 =	vld [tilespmem:s24+$0x0];
	_ =	sdelay $0x2  }
0x20: {  	v3 =	vld [tilespmem:s24+$0xFFFFFF00];
	_ =	sdelay $0x2  }
0x21: {  	v0 =	vld.idx.msk [tilespmem:v0+s2+$0x0], $0xffff  }
0x22: {  	v1 =	vld.idx.msk [tilespmem:v1+s2+$0x0], $0xffff  }
0x23: {  	v2 =	vld.idx.msk [tilespmem:v2+s2+$0x0], $0xffff;
	_ =	sdelay $0x1  }
0x24: {  	s21 =	simm.s32 $0x1C800  }
0x25: {  	v3 =	vld.idx.msk [tilespmem:v3+s2+$0x0], $0xffff;
	[tilespmem:s21+$0x80] =	vst v0  }
0x26: {  	[tilespmem:s21+$0xFFFFFF80] =	vst v1;
	v0 =	vld [tilespmem:s24+$0x90]  }
0x27: {  	[tilespmem:s21+$0x0] =	vst v2;
	v1 =	vld [tilespmem:s24+$0xFFFFFF90]  }
0x28: {  	v2 =	vld [tilespmem:s24+$0x10];
	_ =	sdelay $0x1  }
0x29: {  	[tilespmem:s21+$0xFFFFFF00] =	vst v3  }
0x2a: {  	v3 =	vld [tilespmem:s24+$0xFFFFFF10];
	_ =	sdelay $0x2  }
0x2b: {  	v0 =	vld.idx.msk [tilespmem:v0+s2+$0x0], $0xffff  }
0x2c: {  	v1 =	vld.idx.msk [tilespmem:v1+s2+$0x0], $0xffff  }
0x2d: {  	v2 =	vld.idx.msk [tilespmem:v2+s2+$0x0], $0xffff;
	_ =	sdelay $0x2  }
0x2e: {  	v3 =	vld.idx.msk [tilespmem:v3+s2+$0x0], $0xffff;
	[tilespmem:s21+$0x90] =	vst v0  }
0x2f: {  	[tilespmem:s21+$0xFFFFFF90] =	vst v1;
	v0 =	vld [tilespmem:s24+$0xA0]  }
0x30: {  	[tilespmem:s21+$0x10] =	vst v2;
	v1 =	vld [tilespmem:s24+$0xFFFFFFA0]  }
0x31: {  	v2 =	vld [tilespmem:s24+$0x20];
	_ =	sdelay $0x1  }
0x32: {  	[tilespmem:s21+$0xFFFFFF10] =	vst v3  }
0x33: {  	v3 =	vld [tilespmem:s24+$0xFFFFFF20]  }
0x34: {  	s22 =	simm.s32 $0x18A00  }
0x35: {  	v4 =	vld [tilespmem:s22+$0x80]  }
0x36: {  	v0 =	vld.idx.msk [tilespmem:v0+s2+$0x0], $0xffff  }
0x37: {  	v1 =	vld.idx.msk [tilespmem:v1+s2+$0x0], $0xffff  }
0x38: {  	v2 =	vld.idx.msk [tilespmem:v2+s2+$0x0], $0xffff;
	_ =	sdelay $0x1  }
0x39: {  	v5 =	vld [tilespmem:s22+$0xFFFFFF80]  }
0x3a: {  	v3 =	vld.idx.msk [tilespmem:v3+s2+$0x0], $0xffff;
	[tilespmem:s21+$0xA0] =	vst v0  }
0x3b: {  	[tilespmem:s21+$0xFFFFFFA0] =	vst v1;
	v0 =	vld [tilespmem:s24+$0xB0]  }
0x3c: {  	[tilespmem:s21+$0x20] =	vst v2;
	v1 =	vld [tilespmem:s24+$0xFFFFFFB0]  }
0x3d: {  	v2 =	vld [tilespmem:s24+$0x30];
	_ =	sdelay $0x1  }
0x3e: {  	v4 =	vld.idx.msk [tilespmem:v4+s2+$0x0], $0xffff;
	[tilespmem:s21+$0xFFFFFF20] =	vst v3  }
0x3f: {  	v3 =	vld [tilespmem:s24+$0xFFFFFF30]  }
0x40: {  	v5 =	vld.idx.msk [tilespmem:v5+s2+$0x0], $0xffff  }
0x41: {  	v6 =	vld [tilespmem:s22+$0x0]  }
0x42: {  	v0 =	vld.idx.msk [tilespmem:v0+s2+$0x0], $0xffff  }
0x43: {  	s23 =	simm.s32 $0x1CA00;
	v1 =	vld.idx.msk [tilespmem:v1+s2+$0x0], $0xffff  }
0x44: {  	[tilespmem:s23+$0x80] =	vst v4;
	v2 =	vld.idx.msk [tilespmem:v2+s2+$0x0], $0xffff  }
0x45: {  	[tilespmem:s23+$0xFFFFFF80] =	vst v5;
	v4 =	vld [tilespmem:s22+$0x90]  }
0x46: {  	v5 =	vld [tilespmem:s22+$0xFFFFFF90]  }
0x47: {  	v3 =	vld.idx.msk [tilespmem:v3+s2+$0x0], $0xffff;
	[tilespmem:s21+$0xB0] =	vst v0  }
0x48: {  	[tilespmem:s21+$0xFFFFFFB0] =	vst v1;
	v0 =	vld [tilespmem:s24+$0xC0]  }
0x49: {  	[tilespmem:s21+$0x30] =	vst v2;
	v1 =	vld [tilespmem:s24+$0xFFFFFFC0]  }
0x4a: {  	v2 =	vld [tilespmem:s24+$0x40]  }
0x4b: {  	v7 =	vld [tilespmem:s22+$0xFFFFFF00]  }
0x4c: {  	v6 =	vld.idx.msk [tilespmem:v6+s2+$0x0], $0xffff  }
0x4d: {  	v4 =	vld.idx.msk [tilespmem:v4+s2+$0x0], $0xffff;
	[tilespmem:s21+$0xFFFFFF30] =	vst v3  }
0x4e: {  	v3 =	vld [tilespmem:s24+$0xFFFFFF40]  }
0x4f: {  	v5 =	vld.idx.msk [tilespmem:v5+s2+$0x0], $0xffff  }
0x50: {  	v0 =	vld.idx.msk [tilespmem:v0+s2+$0x0], $0xffff  }
0x51: {  	v1 =	vld.idx.msk [tilespmem:v1+s2+$0x0], $0xffff  }
0x52: {  	[tilespmem:s23+$0x0] =	vst v6;
	v2 =	vld.idx.msk [tilespmem:v2+s2+$0x0], $0xffff  }
0x53: {  	[tilespmem:s23+$0x90] =	vst v4  }
0x54: {  	v7 =	vld.idx.msk [tilespmem:v7+s2+$0x0], $0xffff;
	[tilespmem:s23+$0xFFFFFF90] =	vst v5  }
0x55: {  	v5 =	vld [tilespmem:s22+$0xA0];
	[tilespmem:s21+$0xC0] =	vst v0  }
0x56: {  	[tilespmem:s21+$0xFFFFFFC0] =	vst v1;
	v1 =	vld.idx.msk [tilespmem:v3+s2+$0x0], $0xffff  }
0x57: {  	[tilespmem:s21+$0x40] =	vst v2;
	v2 =	vld [tilespmem:s22+$0x10]  }
0x58: {  	v0 =	vld [tilespmem:s24+$0xD0]  }
0x59: {  	v3 =	vld [tilespmem:s24+$0xFFFFFFD0]  }
0x5a: {  	[tilespmem:s23+$0xFFFFFF00] =	vst v7;
	v6 =	vld [tilespmem:s24+$0x50]  }
0x5b: {  	[tilespmem:s21+$0xFFFFFF40] =	vst v1;
	v1 =	vld [tilespmem:s22+$0xFFFFFF10]  }
0x5c: {  	v7 =	vld [tilespmem:s24+$0xFFFFFF50];
	_ =	sdelay $0x1  }
0x5d: {  	v5 =	vld.idx.msk [tilespmem:v5+s2+$0x0], $0xffff  }
0x5e: {  	v2 =	vld.idx.msk [tilespmem:v2+s2+$0x0], $0xffff  }
0x5f: {  	v0 =	vld.idx.msk [tilespmem:v0+s2+$0x0], $0xffff  }
0x60: {  	v3 =	vld.idx.msk [tilespmem:v3+s2+$0x0], $0xffff  }
0x61: {  	v6 =	vld.idx.msk [tilespmem:v6+s2+$0x0], $0xffff  }
0x62: {  	v1 =	vld.idx.msk [tilespmem:v1+s2+$0x0], $0xffff  }
0x63: {  	v4 =	vld.idx.msk [tilespmem:v7+s2+$0x0], $0xffff  }
0x64: {  	[tilespmem:s23+$0x10] =	vst v2;
	v7 =	vld [tilespmem:s22+$0xFFFFFFA0]  }
0x65: {  	[tilespmem:s21+$0xD0] =	vst v0;
	v2 =	vld [tilespmem:s22+$0x20]  }
0x66: {  	[tilespmem:s21+$0xFFFFFFD0] =	vst v3;
	v0 =	vld [tilespmem:s24+$0xE0]  }
0x67: {  	v3 =	vld [tilespmem:s24+$0xFFFFFFE0];
	[tilespmem:s23+$0xFFFFFF10] =	vst v1  }
0x68: {  	v1 =	vld [tilespmem:s22+$0xFFFFFF20];
	[tilespmem:s21+$0xFFFFFF50] =	vst v4  }
0x69: {  	[tilespmem:s23+$0xA0] =	vst v5;
	v4 =	vld [tilespmem:s24+$0xFFFFFF60]  }
0x6a: {  	v5 =	vld [tilespmem:s22+$0xB0];
	[tilespmem:s21+$0x50] =	vst v6  }
0x6b: {  	v6 =	vld [tilespmem:s24+$0x60]  }
0x6c: {  	v7 =	vld.idx.msk [tilespmem:v7+s2+$0x0], $0xffff  }
0x6d: {  	v2 =	vld.idx.msk [tilespmem:v2+s2+$0x0], $0xffff  }
0x6e: {  	v0 =	vld.idx.msk [tilespmem:v0+s2+$0x0], $0xffff  }
0x6f: {  	v3 =	vld.idx.msk [tilespmem:v3+s2+$0x0], $0xffff  }
0x70: {  	v1 =	vld.idx.msk [tilespmem:v1+s2+$0x0], $0xffff  }
0x71: {  	[tilespmem:s23+$0xFFFFFFA0] =	vst v7;
	v4 =	vld.idx.msk [tilespmem:v4+s2+$0x0], $0xffff  }
0x72: {  	[tilespmem:s23+$0x20] =	vst v2;
	v7 =	vld [tilespmem:s22+$0xFFFFFFB0]  }
0x73: {  	[tilespmem:s21+$0xE0] =	vst v0;
	v2 =	vld [tilespmem:s22+$0x30]  }
0x74: {  	v0 =	vld [tilespmem:s24+$0xF0]  }
0x75: {  	v6 =	vld.idx.msk [tilespmem:v6+s2+$0x0], $0xffff;
	[tilespmem:s23+$0xFFFFFF20] =	vst v1  }
0x76: {  	[tilespmem:s21+$0xFFFFFFE0] =	vst v3;
	v1 =	vld [tilespmem:s22+$0xFFFFFF30]  }
0x77: {  	v3 =	vld.idx.msk [tilespmem:v5+s2+$0x0], $0xffff;
	[tilespmem:s21+$0xFFFFFF60] =	vst v4  }
0x78: {  	v4 =	vld [tilespmem:s24+$0xFFFFFF70]  }
0x79: {  	v9 =	vld [tilespmem:s24+$0xFFFFFFF0]  }
0x7a: {  	v5 =	vld.idx.msk [tilespmem:v7+s2+$0x0], $0xffff  }
0x7b: {  	v2 =	vld.idx.msk [tilespmem:v2+s2+$0x0], $0xffff  }
0x7c: {  	[tilespmem:s21+$0x60] =	vst v6;
	v8 =	vld.idx.msk [tilespmem:v0+s2+$0x0], $0xffff  }
0x7d: {  	v0 =	vld [tilespmem:s24+$0x70]  }
0x7e: {  	[tilespmem:s23+$0xB0] =	vst v3;
	v6 =	vld.idx.msk [tilespmem:v1+s2+$0x0], $0xffff  }
0x7f: {  	[tilespmem:s23+$0xFFFFFFB0] =	vst v5;
	v5 =	vld [tilespmem:s22+$0xC0]  }
0x80: {  	v1 =	vld.idx.msk [tilespmem:v4+s2+$0x0], $0xffff  }
0x81: {  	[tilespmem:s23+$0x30] =	vst v2;
	v2 =	vld.idx.msk [tilespmem:v9+s2+$0x0], $0xffff  }
0x82: {  	v3 =	vld [tilespmem:s22+$0xFFFFFFC0]  }
0x83: {  	s25 =	simm.s32 $0x4;
	s26 =	simm.s32 $0x18C00;
	s24 =	simm.s32 $0x1CA00;
	v4 =	vld [tilespmem:s22+$0x40];
	[tilespmem:s21+$0xF0] =	vst v8  }
.LBB2_3:
0x84: {  	v7 =	vld [tilespmem:s26+$0x80];
	s25 =	sadd.s32 $0x4, s25;
	[tilespmem:s23+$0xFFFFFF30] =	vst v6  }
0x85: {  	v6 =	vld [tilespmem:s26+$0xFFFFFF80];
	p1 =	slt.u32 s25, $0x1C;
	[tilespmem:s21+$0xFFFFFF70] =	vst v1  }
0x86: {  	v1 =	vld [tilespmem:s26+$0x0]  }
0x87: {  	v8 =	vld [tilespmem:s26+$0xFFFFFF00]  }
0x88: {  	v5 =	vld.idx.msk [tilespmem:v5+s2+$0x0], $0xffff  }
0x89: {  	v9 =	vld [tilespmem:s22+$0xFFFFFF40];
	[tilespmem:s21+$0xFFFFFFF0] =	vst v2  }
0x8a: {  	v2 =	vld.idx.msk [tilespmem:v3+s2+$0x0], $0xffff  }
0x8b: {  	v3 =	vld.idx.msk [tilespmem:v4+s2+$0x0], $0xffff  }
0x8c: {  	v4 =	vld.idx.msk [tilespmem:v7+s2+$0x0], $0xffff  }
0x8d: {  	v6 =	vld.idx.msk [tilespmem:v6+s2+$0x0], $0xffff  }
0x8e: {  	v1 =	vld.idx.msk [tilespmem:v1+s2+$0x0], $0xffff;
	[tilespmem:s23+$0xC0] =	vst v5  }
0x8f: {  	v5 =	vld [tilespmem:s22+$0xD0]  }
0x90: {  	v7 =	vld.idx.msk [tilespmem:v8+s2+$0x0], $0xffff;
	[tilespmem:s23+$0xFFFFFFC0] =	vst v2  }
0x91: {  	s23 =	sadd.s32 $0x200, s23;
	v2 =	vld.idx.msk [tilespmem:v9+s2+$0x0], $0xffff;
	[tilespmem:s24+$0x40] =	vst v3  }
0x92: {  	[tilespmem:s23+$0x80] =	vst v4;
	v3 =	vld [tilespmem:s22+$0xFFFFFFD0]  }
0x93: {  	[tilespmem:s23+$0xFFFFFF80] =	vst v6;
	v4 =	vld [tilespmem:s26+$0x90]  }
0x94: {  	v6 =	vld [tilespmem:s26+$0xFFFFFF90];
	[tilespmem:s23+$0x0] =	vst v1  }
0x95: {  	v1 =	vld [tilespmem:s26+$0x10]  }
0x96: {  	[tilespmem:s23+$0xFFFFFF00] =	vst v7;
	v7 =	vld [tilespmem:s22+$0x50]  }
0x97: {  	[tilespmem:s24+$0xFFFFFF40] =	vst v2;
	v2 =	vld.idx.msk [tilespmem:v5+s2+$0x0], $0xffff  }
0x98: {  	v5 =	vld [tilespmem:s26+$0xFFFFFF10]  }
0x99: {  	v8 =	vld [tilespmem:s22+$0xFFFFFF50]  }
0x9a: {  	v3 =	vld.idx.msk [tilespmem:v3+s2+$0x0], $0xffff  }
0x9b: {  	v4 =	vld.idx.msk [tilespmem:v4+s2+$0x0], $0xffff  }
0x9c: {  	v6 =	vld.idx.msk [tilespmem:v6+s2+$0x0], $0xffff  }
0x9d: {  	v1 =	vld.idx.msk [tilespmem:v1+s2+$0x0], $0xffff;
	[tilespmem:s24+$0xD0] =	vst v2  }
0x9e: {  	v2 =	vld [tilespmem:s22+$0xE0]  }
0x9f: {  	v7 =	vld.idx.msk [tilespmem:v7+s2+$0x0], $0xffff  }
0xa0: {  	v5 =	vld.idx.msk [tilespmem:v5+s2+$0x0], $0xffff;
	[tilespmem:s24+$0xFFFFFFD0] =	vst v3  }
0xa1: {  	[tilespmem:s23+$0x90] =	vst v4;
	v3 =	vld.idx.msk [tilespmem:v8+s2+$0x0], $0xffff  }
0xa2: {  	[tilespmem:s23+$0xFFFFFF90] =	vst v6;
	v4 =	vld [tilespmem:s26+$0xA0]  }
0xa3: {  	v6 =	vld [tilespmem:s26+$0xFFFFFFA0];
	[tilespmem:s23+$0x10] =	vst v1  }
0xa4: {  	v1 =	vld [tilespmem:s26+$0x20]  }
0xa5: {  	v8 =	vld [tilespmem:s22+$0xFFFFFFE0];
	[tilespmem:s24+$0x50] =	vst v7  }
0xa6: {  	[tilespmem:s23+$0xFFFFFF10] =	vst v5;
	v2 =	vld.idx.msk [tilespmem:v2+s2+$0x0], $0xffff  }
0xa7: {  	v5 =	vld [tilespmem:s26+$0xFFFFFF20];
	[tilespmem:s24+$0xFFFFFF50] =	vst v3  }
0xa8: {  	v3 =	vld [tilespmem:s22+$0xFFFFFF60]  }
0xa9: {  	v7 =	vld [tilespmem:s22+$0x60]  }
0xaa: {  	v4 =	vld.idx.msk [tilespmem:v4+s2+$0x0], $0xffff  }
0xab: {  	v6 =	vld.idx.msk [tilespmem:v6+s2+$0x0], $0xffff  }
0xac: {  	v1 =	vld.idx.msk [tilespmem:v1+s2+$0x0], $0xffff;
	[tilespmem:s24+$0xE0] =	vst v2  }
0xad: {  	v2 =	vld [tilespmem:s22+$0xF0]  }
0xae: {  	v8 =	vld.idx.msk [tilespmem:v8+s2+$0x0], $0xffff  }
0xaf: {  	v5 =	vld.idx.msk [tilespmem:v5+s2+$0x0], $0xffff  }
0xb0: {  	[tilespmem:s23+$0xA0] =	vst v4;
	v3 =	vld.idx.msk [tilespmem:v3+s2+$0x0], $0xffff  }
0xb1: {  	[tilespmem:s23+$0xFFFFFFA0] =	vst v6;
	v4 =	vld [tilespmem:s26+$0xB0]  }
0xb2: {  	v6 =	vld [tilespmem:s26+$0xFFFFFFB0];
	[tilespmem:s23+$0x20] =	vst v1  }
0xb3: {  	v1 =	vld [tilespmem:s26+$0x30]  }
0xb4: {  	[tilespmem:s24+$0xFFFFFFE0] =	vst v8;
	v7 =	vld.idx.msk [tilespmem:v7+s2+$0x0], $0xffff  }
0xb5: {  	[tilespmem:s23+$0xFFFFFF20] =	vst v5;
	v2 =	vld.idx.msk [tilespmem:v2+s2+$0x0], $0xffff  }
0xb6: {  	v5 =	vld [tilespmem:s26+$0xFFFFFF30];
	[tilespmem:s24+$0xFFFFFF60] =	vst v3  }
0xb7: {  	v3 =	vld [tilespmem:s22+$0xFFFFFF70]  }
0xb8: {  	v8 =	vld [tilespmem:s22+$0xFFFFFFF0]  }
0xb9: {  	v4 =	vld.idx.msk [tilespmem:v4+s2+$0x0], $0xffff  }
0xba: {  	v9 =	vld.idx.msk [tilespmem:v6+s2+$0x0], $0xffff;
	[tilespmem:s24+$0x60] =	vst v7  }
0xbb: {  	v7 =	vld.idx.msk [tilespmem:v1+s2+$0x0], $0xffff;
	[tilespmem:s24+$0xF0] =	vst v2  }
0xbc: {  	v2 =	vld [tilespmem:s22+$0x70];
	s22 =	smov.u32 s26  }
0xbd: {  	v10 =	vld.idx.msk [tilespmem:v0+s2+$0x0], $0xffff  }
0xbe: {  	v6 =	vld.idx.msk [tilespmem:v5+s2+$0x0], $0xffff  }
.Ltmp0:
0xbf: {  	[tilespmem:s23+$0xB0] =	vst v4;
	v1 =	vld.idx.msk [tilespmem:v3+s2+$0x0], $0xffff;
	(pc) =	sbr.rel @p1 .LBB2_3-.Ltmp0, $4  }
0xc0: {  	[tilespmem:s23+$0xFFFFFFB0] =	vst v9;
	v5 =	vld [tilespmem:s26+$0xC0]  }
0xc1: {  	v3 =	vld [tilespmem:s26+$0xFFFFFFC0];
	[tilespmem:s23+$0x30] =	vst v7;
	v0 =	vmov v2  }
0xc2: {  	v4 =	vld [tilespmem:s26+$0x40]  }
0xc3: {  	s26 =	sadd.s32 $0x200, s26;
	v2 =	vld.idx.msk [tilespmem:v8+s2+$0x0], $0xffff;
	[tilespmem:s21+$0x70] =	vst v10;
	s21 =	smov.u32 s24;
	s24 =	smov.u32 s23  }
0xc4: {  	[tilespmem:s23+$0xFFFFFF30] =	vst v6  }
0xc5: {  	v6 =	vld [tilespmem:s22+$0xFFFFFF40];
	_ =	sdelay $0x4  }
0xc6: {  	v5 =	vld.idx.msk [tilespmem:v5+s2+$0x0], $0xffff  }
0xc7: {  	v3 =	vld.idx.msk [tilespmem:v3+s2+$0x0], $0xffff  }
0xc8: {  	v4 =	vld.idx.msk [tilespmem:v4+s2+$0x0], $0xffff  }
0xc9: {  	v6 =	vld.idx.msk [tilespmem:v6+s2+$0x0], $0xffff;
	_ =	sdelay $0x1  }
0xca: {  	[tilespmem:s23+$0xC0] =	vst v5  }
0xcb: {  	v5 =	vld [tilespmem:s22+$0xD0];
	[tilespmem:s23+$0xFFFFFFC0] =	vst v3  }
0xcc: {  	[tilespmem:s24+$0x40] =	vst v4;
	v4 =	vld [tilespmem:s22+$0xFFFFFFD0]  }
0xcd: {  	[tilespmem:s24+$0xFFFFFF40] =	vst v6;
	v6 =	vld [tilespmem:s22+$0x50]  }
0xce: {  	v3 =	vld [tilespmem:s22+$0xFFFFFF50];
	_ =	sdelay $0x4  }
0xcf: {  	v5 =	vld.idx.msk [tilespmem:v5+s2+$0x0], $0xffff  }
0xd0: {  	v4 =	vld.idx.msk [tilespmem:v4+s2+$0x0], $0xffff  }
0xd1: {  	v6 =	vld.idx.msk [tilespmem:v6+s2+$0x0], $0xffff  }
0xd2: {  	v3 =	vld.idx.msk [tilespmem:v3+s2+$0x0], $0xffff;
	_ =	sdelay $0x1  }
0xd3: {  	[tilespmem:s24+$0xD0] =	vst v5  }
0xd4: {  	v5 =	vld [tilespmem:s22+$0xE0];
	[tilespmem:s24+$0xFFFFFFD0] =	vst v4  }
0xd5: {  	v4 =	vld [tilespmem:s22+$0xFFFFFFE0];
	[tilespmem:s24+$0x50] =	vst v6  }
0xd6: {  	[tilespmem:s24+$0xFFFFFF50] =	vst v3;
	v6 =	vld [tilespmem:s22+$0x60]  }
0xd7: {  	v3 =	vld [tilespmem:s22+$0xFFFFFF60];
	_ =	sdelay $0x4  }
0xd8: {  	v5 =	vld.idx.msk [tilespmem:v5+s2+$0x0], $0xffff  }
0xd9: {  	v4 =	vld.idx.msk [tilespmem:v4+s2+$0x0], $0xffff  }
0xda: {  	v6 =	vld.idx.msk [tilespmem:v6+s2+$0x0], $0xffff  }
0xdb: {  	v3 =	vld.idx.msk [tilespmem:v3+s2+$0x0], $0xffff;
	_ =	sdelay $0x1  }
0xdc: {  	[tilespmem:s24+$0xE0] =	vst v5  }
0xdd: {  	v5 =	vld [tilespmem:s22+$0xF0];
	[tilespmem:s24+$0xFFFFFFE0] =	vst v4  }
0xde: {  	v4 =	vld [tilespmem:s22+$0xFFFFFFF0];
	[tilespmem:s24+$0x60] =	vst v6  }
0xdf: {  	[tilespmem:s24+$0xFFFFFF60] =	vst v3;
	v6 =	vld [tilespmem:s22+$0x70]  }
0xe0: {  	v3 =	vld [tilespmem:s22+$0xFFFFFF70];
	_ =	sdelay $0x3  }
0xe1: {  	v0 =	vld.idx.msk [tilespmem:v0+s2+$0x0], $0xffff  }
0xe2: {  	v5 =	vld.idx.msk [tilespmem:v5+s2+$0x0], $0xffff  }
0xe3: {  	[tilespmem:s21+$0xFFFFFF70] =	vst v1;
	v1 =	vld.idx.msk [tilespmem:v4+s2+$0x0], $0xffff  }
0xe4: {  	[tilespmem:s21+$0xFFFFFFF0] =	vst v2;
	v2 =	vld.idx.msk [tilespmem:v6+s2+$0x0], $0xffff  }
0xe5: {  	v3 =	vld.idx.msk [tilespmem:v3+s2+$0x0], $0xffff  }
0xe6: {  	[tilespmem:s21+$0x70] =	vst v0  }
0xe7: {  	[tilespmem:s24+$0xF0] =	vst v5  }
0xe8: {  	[tilespmem:s24+$0xFFFFFFF0] =	vst v1  }
0xe9: {  	s20 =	sshll.u32 s20, $0xB;
	[tilespmem:s24+$0x70] =	vst v2  }
0xea: {  	s30 =	sadd.s32 s5, s20;
	s21 =	simm.s32 @!p0 $0x4;
	[tilespmem:s24+$0xFFFFFF70] =	vst v3  }
0xeb: {  	[hbm4b:s30+s2] =	stream.linear.scatter [tilespmem:s14], [sflag:$0x3], $0x1000, $0x38;
	[tilespmem:$0x1E700] =	vst v63  }
0xec: {  	_ =	swait.ge @!p0 [sflag:s21], $0x1000  }
0xed: {  	[sflag:s21] =	ssyncset.done @!p0 $0x0  }
0xee: {  	s31 =	simm.s32 $0x198F0;
	[sflag:s21] =	ssyncadd.s32 @!p0 $0xFFFFF000  }
0xef: {  	v0 =	vld [tilespmem:s31+$0xFFFFFF90]  }
0xf0: {  	v1 =	vld [tilespmem:s31+$0xFFFFFE90]  }
0xf1: {  	v2 =	vld [tilespmem:s31+$0xFFFFFF10];
	_ =	sdelay $0x2  }
0xf2: {  	v3 =	vld [tilespmem:s31+$0xFFFFFE10];
	_ =	sdelay $0x2  }
0xf3: {  	v0 =	vld.idx.msk [tilespmem:v0+s2+$0x0], $0xffff  }
0xf4: {  	v1 =	vld.idx.msk [tilespmem:v1+s2+$0x0], $0xffff  }
0xf5: {  	v2 =	vld.idx.msk [tilespmem:v2+s2+$0x0], $0xffff;
	_ =	sdelay $0x1  }
0xf6: {  	s21 =	simm.s32 $0x1D8F0  }
0xf7: {  	v3 =	vld.idx.msk [tilespmem:v3+s2+$0x0], $0xffff;
	[tilespmem:s21+$0xFFFFFF90] =	vst v0  }
0xf8: {  	[tilespmem:s21+$0xFFFFFE90] =	vst v1;
	v0 =	vld [tilespmem:s31+$0xFFFFFFA0]  }
0xf9: {  	[tilespmem:s21+$0xFFFFFF10] =	vst v2;
	v1 =	vld [tilespmem:s31+$0xFFFFFEA0]  }
0xfa: {  	v2 =	vld [tilespmem:s31+$0xFFFFFF20];
	_ =	sdelay $0x1  }
0xfb: {  	[tilespmem:s21+$0xFFFFFE10] =	vst v3  }
0xfc: {  	v3 =	vld [tilespmem:s31+$0xFFFFFE20];
	_ =	sdelay $0x2  }
0xfd: {  	v0 =	vld.idx.msk [tilespmem:v0+s2+$0x0], $0xffff  }
0xfe: {  	v1 =	vld.idx.msk [tilespmem:v1+s2+$0x0], $0xffff  }
0xff: {  	v2 =	vld.idx.msk [tilespmem:v2+s2+$0x0], $0xffff;
	_ =	sdelay $0x2  }
0x100: {  	v3 =	vld.idx.msk [tilespmem:v3+s2+$0x0], $0xffff;
	[tilespmem:s21+$0xFFFFFFA0] =	vst v0  }
0x101: {  	[tilespmem:s21+$0xFFFFFEA0] =	vst v1;
	v0 =	vld [tilespmem:s31+$0xFFFFFFB0]  }
0x102: {  	[tilespmem:s21+$0xFFFFFF20] =	vst v2;
	v1 =	vld [tilespmem:s31+$0xFFFFFEB0]  }
0x103: {  	v2 =	vld [tilespmem:s31+$0xFFFFFF30];
	_ =	sdelay $0x1  }
0x104: {  	[tilespmem:s21+$0xFFFFFE20] =	vst v3  }
0x105: {  	v3 =	vld [tilespmem:s31+$0xFFFFFE30]  }
0x106: {  	s22 =	simm.s32 $0x19AF0  }
0x107: {  	v4 =	vld [tilespmem:s22+$0xFFFFFF90]  }
0x108: {  	v0 =	vld.idx.msk [tilespmem:v0+s2+$0x0], $0xffff  }
0x109: {  	v1 =	vld.idx.msk [tilespmem:v1+s2+$0x0], $0xffff  }
0x10a: {  	v2 =	vld.idx.msk [tilespmem:v2+s2+$0x0], $0xffff;
	_ =	sdelay $0x1  }
0x10b: {  	v5 =	vld [tilespmem:s22+$0xFFFFFE90]  }
0x10c: {  	v3 =	vld.idx.msk [tilespmem:v3+s2+$0x0], $0xffff;
	[tilespmem:s21+$0xFFFFFFB0] =	vst v0  }
0x10d: {  	[tilespmem:s21+$0xFFFFFEB0] =	vst v1;
	v0 =	vld [tilespmem:s31+$0xFFFFFFC0]  }
0x10e: {  	[tilespmem:s21+$0xFFFFFF30] =	vst v2;
	v1 =	vld [tilespmem:s31+$0xFFFFFEC0]  }
0x10f: {  	v2 =	vld [tilespmem:s31+$0xFFFFFF40];
	_ =	sdelay $0x1  }
0x110: {  	v4 =	vld.idx.msk [tilespmem:v4+s2+$0x0], $0xffff;
	[tilespmem:s21+$0xFFFFFE30] =	vst v3  }
0x111: {  	v3 =	vld [tilespmem:s31+$0xFFFFFE40]  }
0x112: {  	v5 =	vld.idx.msk [tilespmem:v5+s2+$0x0], $0xffff  }
0x113: {  	v6 =	vld [tilespmem:s22+$0xFFFFFF10]  }
0x114: {  	v0 =	vld.idx.msk [tilespmem:v0+s2+$0x0], $0xffff  }
0x115: {  	s23 =	simm.s32 $0x1DAF0;
	v1 =	vld.idx.msk [tilespmem:v1+s2+$0x0], $0xffff  }
0x116: {  	[tilespmem:s23+$0xFFFFFF90] =	vst v4;
	v2 =	vld.idx.msk [tilespmem:v2+s2+$0x0], $0xffff  }
0x117: {  	[tilespmem:s23+$0xFFFFFE90] =	vst v5;
	v4 =	vld [tilespmem:s22+$0xFFFFFFA0]  }
0x118: {  	v5 =	vld [tilespmem:s22+$0xFFFFFEA0]  }
0x119: {  	v3 =	vld.idx.msk [tilespmem:v3+s2+$0x0], $0xffff;
	[tilespmem:s21+$0xFFFFFFC0] =	vst v0  }
0x11a: {  	[tilespmem:s21+$0xFFFFFEC0] =	vst v1;
	v0 =	vld [tilespmem:s31+$0xFFFFFFD0]  }
0x11b: {  	[tilespmem:s21+$0xFFFFFF40] =	vst v2;
	v1 =	vld [tilespmem:s31+$0xFFFFFED0]  }
0x11c: {  	v2 =	vld [tilespmem:s31+$0xFFFFFF50]  }
0x11d: {  	v7 =	vld [tilespmem:s22+$0xFFFFFE10]  }
0x11e: {  	v6 =	vld.idx.msk [tilespmem:v6+s2+$0x0], $0xffff  }
0x11f: {  	v4 =	vld.idx.msk [tilespmem:v4+s2+$0x0], $0xffff;
	[tilespmem:s21+$0xFFFFFE40] =	vst v3  }
0x120: {  	v3 =	vld [tilespmem:s31+$0xFFFFFE50]  }
0x121: {  	v5 =	vld.idx.msk [tilespmem:v5+s2+$0x0], $0xffff  }
0x122: {  	v0 =	vld.idx.msk [tilespmem:v0+s2+$0x0], $0xffff  }
0x123: {  	v1 =	vld.idx.msk [tilespmem:v1+s2+$0x0], $0xffff  }
0x124: {  	[tilespmem:s23+$0xFFFFFF10] =	vst v6;
	v2 =	vld.idx.msk [tilespmem:v2+s2+$0x0], $0xffff  }
0x125: {  	[tilespmem:s23+$0xFFFFFFA0] =	vst v4  }
0x126: {  	v7 =	vld.idx.msk [tilespmem:v7+s2+$0x0], $0xffff;
	[tilespmem:s23+$0xFFFFFEA0] =	vst v5  }
0x127: {  	v5 =	vld [tilespmem:s22+$0xFFFFFFB0];
	[tilespmem:s21+$0xFFFFFFD0] =	vst v0  }
0x128: {  	[tilespmem:s21+$0xFFFFFED0] =	vst v1;
	v1 =	vld.idx.msk [tilespmem:v3+s2+$0x0], $0xffff  }
0x129: {  	[tilespmem:s21+$0xFFFFFF50] =	vst v2;
	v2 =	vld [tilespmem:s22+$0xFFFFFF20]  }
0x12a: {  	v0 =	vld [tilespmem:s31+$0xFFFFFFE0]  }
0x12b: {  	v3 =	vld [tilespmem:s31+$0xFFFFFEE0]  }
0x12c: {  	[tilespmem:s23+$0xFFFFFE10] =	vst v7;
	v6 =	vld [tilespmem:s31+$0xFFFFFF60]  }
0x12d: {  	[tilespmem:s21+$0xFFFFFE50] =	vst v1;
	v1 =	vld [tilespmem:s22+$0xFFFFFE20]  }
0x12e: {  	v7 =	vld [tilespmem:s31+$0xFFFFFE60];
	_ =	sdelay $0x1  }
0x12f: {  	v5 =	vld.idx.msk [tilespmem:v5+s2+$0x0], $0xffff  }
0x130: {  	v2 =	vld.idx.msk [tilespmem:v2+s2+$0x0], $0xffff  }
0x131: {  	v0 =	vld.idx.msk [tilespmem:v0+s2+$0x0], $0xffff  }
0x132: {  	v3 =	vld.idx.msk [tilespmem:v3+s2+$0x0], $0xffff  }
0x133: {  	v6 =	vld.idx.msk [tilespmem:v6+s2+$0x0], $0xffff  }
0x134: {  	v1 =	vld.idx.msk [tilespmem:v1+s2+$0x0], $0xffff  }
0x135: {  	v4 =	vld.idx.msk [tilespmem:v7+s2+$0x0], $0xffff  }
0x136: {  	[tilespmem:s23+$0xFFFFFF20] =	vst v2;
	v7 =	vld [tilespmem:s22+$0xFFFFFEB0]  }
0x137: {  	[tilespmem:s21+$0xFFFFFFE0] =	vst v0;
	v2 =	vld [tilespmem:s22+$0xFFFFFF30]  }
0x138: {  	[tilespmem:s21+$0xFFFFFEE0] =	vst v3;
	v0 =	vld [tilespmem:s31+$0xFFFFFFF0]  }
0x139: {  	v3 =	vld [tilespmem:s31+$0xFFFFFEF0];
	[tilespmem:s23+$0xFFFFFE20] =	vst v1  }
0x13a: {  	v1 =	vld [tilespmem:s22+$0xFFFFFE30];
	[tilespmem:s21+$0xFFFFFE60] =	vst v4  }
0x13b: {  	[tilespmem:s23+$0xFFFFFFB0] =	vst v5;
	v4 =	vld [tilespmem:s31+$0xFFFFFE70]  }
0x13c: {  	v5 =	vld [tilespmem:s22+$0xFFFFFFC0];
	[tilespmem:s21+$0xFFFFFF60] =	vst v6  }
0x13d: {  	v6 =	vld [tilespmem:s31+$0xFFFFFF70]  }
0x13e: {  	v7 =	vld.idx.msk [tilespmem:v7+s2+$0x0], $0xffff  }
0x13f: {  	v2 =	vld.idx.msk [tilespmem:v2+s2+$0x0], $0xffff  }
0x140: {  	v0 =	vld.idx.msk [tilespmem:v0+s2+$0x0], $0xffff  }
0x141: {  	v3 =	vld.idx.msk [tilespmem:v3+s2+$0x0], $0xffff  }
0x142: {  	v1 =	vld.idx.msk [tilespmem:v1+s2+$0x0], $0xffff  }
0x143: {  	[tilespmem:s23+$0xFFFFFEB0] =	vst v7;
	v4 =	vld.idx.msk [tilespmem:v4+s2+$0x0], $0xffff  }
0x144: {  	[tilespmem:s23+$0xFFFFFF30] =	vst v2;
	v7 =	vld [tilespmem:s22+$0xFFFFFEC0]  }
0x145: {  	[tilespmem:s21+$0xFFFFFFF0] =	vst v0;
	v2 =	vld [tilespmem:s22+$0xFFFFFF40]  }
0x146: {  	v0 =	vld [tilespmem:s31+$0x0]  }
0x147: {  	v6 =	vld.idx.msk [tilespmem:v6+s2+$0x0], $0xffff;
	[tilespmem:s23+$0xFFFFFE30] =	vst v1  }
0x148: {  	[tilespmem:s21+$0xFFFFFEF0] =	vst v3;
	v1 =	vld [tilespmem:s22+$0xFFFFFE40]  }
0x149: {  	v3 =	vld.idx.msk [tilespmem:v5+s2+$0x0], $0xffff;
	[tilespmem:s21+$0xFFFFFE70] =	vst v4  }
0x14a: {  	v4 =	vld [tilespmem:s31+$0xFFFFFE80]  }
0x14b: {  	v9 =	vld [tilespmem:s31+$0xFFFFFF00]  }
0x14c: {  	v5 =	vld.idx.msk [tilespmem:v7+s2+$0x0], $0xffff  }
0x14d: {  	v2 =	vld.idx.msk [tilespmem:v2+s2+$0x0], $0xffff  }
0x14e: {  	[tilespmem:s21+$0xFFFFFF70] =	vst v6;
	v8 =	vld.idx.msk [tilespmem:v0+s2+$0x0], $0xffff  }
0x14f: {  	v0 =	vld [tilespmem:s31+$0xFFFFFF80]  }
0x150: {  	[tilespmem:s23+$0xFFFFFFC0] =	vst v3;
	v6 =	vld.idx.msk [tilespmem:v1+s2+$0x0], $0xffff  }
0x151: {  	[tilespmem:s23+$0xFFFFFEC0] =	vst v5;
	v5 =	vld [tilespmem:s22+$0xFFFFFFD0]  }
0x152: {  	v1 =	vld.idx.msk [tilespmem:v4+s2+$0x0], $0xffff  }
0x153: {  	[tilespmem:s23+$0xFFFFFF40] =	vst v2;
	v2 =	vld.idx.msk [tilespmem:v9+s2+$0x0], $0xffff  }
0x154: {  	v3 =	vld [tilespmem:s22+$0xFFFFFED0]  }
0x155: {  	s25 =	simm.s32 $0x4;
	s26 =	simm.s32 $0x19CF0;
	s24 =	simm.s32 $0x1DAF0;
	v4 =	vld [tilespmem:s22+$0xFFFFFF50];
	[tilespmem:s21+$0x0] =	vst v8  }
.LBB2_5:
0x156: {  	v7 =	vld [tilespmem:s26+$0xFFFFFF90];
	s25 =	sadd.s32 $0x4, s25;
	[tilespmem:s23+$0xFFFFFE40] =	vst v6  }
0x157: {  	v6 =	vld [tilespmem:s26+$0xFFFFFE90];
	p0 =	slt.u32 s25, $0x1C;
	[tilespmem:s21+$0xFFFFFE80] =	vst v1  }
0x158: {  	v1 =	vld [tilespmem:s26+$0xFFFFFF10]  }
0x159: {  	v8 =	vld [tilespmem:s26+$0xFFFFFE10]  }
0x15a: {  	v5 =	vld.idx.msk [tilespmem:v5+s2+$0x0], $0xffff  }
0x15b: {  	v9 =	vld [tilespmem:s22+$0xFFFFFE50];
	[tilespmem:s21+$0xFFFFFF00] =	vst v2  }
0x15c: {  	v2 =	vld.idx.msk [tilespmem:v3+s2+$0x0], $0xffff  }
0x15d: {  	v3 =	vld.idx.msk [tilespmem:v4+s2+$0x0], $0xffff  }
0x15e: {  	v4 =	vld.idx.msk [tilespmem:v7+s2+$0x0], $0xffff  }
0x15f: {  	v6 =	vld.idx.msk [tilespmem:v6+s2+$0x0], $0xffff  }
0x160: {  	v1 =	vld.idx.msk [tilespmem:v1+s2+$0x0], $0xffff;
	[tilespmem:s23+$0xFFFFFFD0] =	vst v5  }
0x161: {  	v5 =	vld [tilespmem:s22+$0xFFFFFFE0]  }
0x162: {  	v7 =	vld.idx.msk [tilespmem:v8+s2+$0x0], $0xffff;
	[tilespmem:s23+$0xFFFFFED0] =	vst v2  }
0x163: {  	s23 =	sadd.s32 $0x200, s23;
	v2 =	vld.idx.msk [tilespmem:v9+s2+$0x0], $0xffff;
	[tilespmem:s24+$0xFFFFFF50] =	vst v3  }
0x164: {  	[tilespmem:s23+$0xFFFFFF90] =	vst v4;
	v3 =	vld [tilespmem:s22+$0xFFFFFEE0]  }
0x165: {  	[tilespmem:s23+$0xFFFFFE90] =	vst v6;
	v4 =	vld [tilespmem:s26+$0xFFFFFFA0]  }
0x166: {  	v6 =	vld [tilespmem:s26+$0xFFFFFEA0];
	[tilespmem:s23+$0xFFFFFF10] =	vst v1  }
0x167: {  	v1 =	vld [tilespmem:s26+$0xFFFFFF20]  }
0x168: {  	[tilespmem:s23+$0xFFFFFE10] =	vst v7;
	v7 =	vld [tilespmem:s22+$0xFFFFFF60]  }
0x169: {  	[tilespmem:s24+$0xFFFFFE50] =	vst v2;
	v2 =	vld.idx.msk [tilespmem:v5+s2+$0x0], $0xffff  }
0x16a: {  	v5 =	vld [tilespmem:s26+$0xFFFFFE20]  }
0x16b: {  	v8 =	vld [tilespmem:s22+$0xFFFFFE60]  }
0x16c: {  	v3 =	vld.idx.msk [tilespmem:v3+s2+$0x0], $0xffff  }
0x16d: {  	v4 =	vld.idx.msk [tilespmem:v4+s2+$0x0], $0xffff  }
0x16e: {  	v6 =	vld.idx.msk [tilespmem:v6+s2+$0x0], $0xffff  }
0x16f: {  	v1 =	vld.idx.msk [tilespmem:v1+s2+$0x0], $0xffff;
	[tilespmem:s24+$0xFFFFFFE0] =	vst v2  }
0x170: {  	v2 =	vld [tilespmem:s22+$0xFFFFFFF0]  }
0x171: {  	v7 =	vld.idx.msk [tilespmem:v7+s2+$0x0], $0xffff  }
0x172: {  	v5 =	vld.idx.msk [tilespmem:v5+s2+$0x0], $0xffff;
	[tilespmem:s24+$0xFFFFFEE0] =	vst v3  }
0x173: {  	[tilespmem:s23+$0xFFFFFFA0] =	vst v4;
	v3 =	vld.idx.msk [tilespmem:v8+s2+$0x0], $0xffff  }
0x174: {  	[tilespmem:s23+$0xFFFFFEA0] =	vst v6;
	v4 =	vld [tilespmem:s26+$0xFFFFFFB0]  }
0x175: {  	v6 =	vld [tilespmem:s26+$0xFFFFFEB0];
	[tilespmem:s23+$0xFFFFFF20] =	vst v1  }
0x176: {  	v1 =	vld [tilespmem:s26+$0xFFFFFF30]  }
0x177: {  	v8 =	vld [tilespmem:s22+$0xFFFFFEF0];
	[tilespmem:s24+$0xFFFFFF60] =	vst v7  }
0x178: {  	[tilespmem:s23+$0xFFFFFE20] =	vst v5;
	v2 =	vld.idx.msk [tilespmem:v2+s2+$0x0], $0xffff  }
0x179: {  	v5 =	vld [tilespmem:s26+$0xFFFFFE30];
	[tilespmem:s24+$0xFFFFFE60] =	vst v3  }
0x17a: {  	v3 =	vld [tilespmem:s22+$0xFFFFFE70]  }
0x17b: {  	v7 =	vld [tilespmem:s22+$0xFFFFFF70]  }
0x17c: {  	v4 =	vld.idx.msk [tilespmem:v4+s2+$0x0], $0xffff  }
0x17d: {  	v6 =	vld.idx.msk [tilespmem:v6+s2+$0x0], $0xffff  }
0x17e: {  	v1 =	vld.idx.msk [tilespmem:v1+s2+$0x0], $0xffff;
	[tilespmem:s24+$0xFFFFFFF0] =	vst v2  }
0x17f: {  	v2 =	vld [tilespmem:s22+$0x0]  }
0x180: {  	v8 =	vld.idx.msk [tilespmem:v8+s2+$0x0], $0xffff  }
0x181: {  	v5 =	vld.idx.msk [tilespmem:v5+s2+$0x0], $0xffff  }
0x182: {  	[tilespmem:s23+$0xFFFFFFB0] =	vst v4;
	v3 =	vld.idx.msk [tilespmem:v3+s2+$0x0], $0xffff  }
0x183: {  	[tilespmem:s23+$0xFFFFFEB0] =	vst v6;
	v4 =	vld [tilespmem:s26+$0xFFFFFFC0]  }
0x184: {  	v6 =	vld [tilespmem:s26+$0xFFFFFEC0];
	[tilespmem:s23+$0xFFFFFF30] =	vst v1  }
0x185: {  	v1 =	vld [tilespmem:s26+$0xFFFFFF40]  }
0x186: {  	[tilespmem:s24+$0xFFFFFEF0] =	vst v8;
	v7 =	vld.idx.msk [tilespmem:v7+s2+$0x0], $0xffff  }
0x187: {  	[tilespmem:s23+$0xFFFFFE30] =	vst v5;
	v2 =	vld.idx.msk [tilespmem:v2+s2+$0x0], $0xffff  }
0x188: {  	v5 =	vld [tilespmem:s26+$0xFFFFFE40];
	[tilespmem:s24+$0xFFFFFE70] =	vst v3  }
0x189: {  	v3 =	vld [tilespmem:s22+$0xFFFFFE80]  }
0x18a: {  	v8 =	vld [tilespmem:s22+$0xFFFFFF00]  }
0x18b: {  	v4 =	vld.idx.msk [tilespmem:v4+s2+$0x0], $0xffff  }
0x18c: {  	v9 =	vld.idx.msk [tilespmem:v6+s2+$0x0], $0xffff;
	[tilespmem:s24+$0xFFFFFF70] =	vst v7  }
0x18d: {  	v7 =	vld.idx.msk [tilespmem:v1+s2+$0x0], $0xffff;
	[tilespmem:s24+$0x0] =	vst v2  }
0x18e: {  	v2 =	vld [tilespmem:s22+$0xFFFFFF80];
	s22 =	smov.u32 s26  }
0x18f: {  	v10 =	vld.idx.msk [tilespmem:v0+s2+$0x0], $0xffff  }
0x190: {  	v6 =	vld.idx.msk [tilespmem:v5+s2+$0x0], $0xffff  }
.Ltmp1:
0x191: {  	[tilespmem:s23+$0xFFFFFFC0] =	vst v4;
	v1 =	vld.idx.msk [tilespmem:v3+s2+$0x0], $0xffff;
	(pc) =	sbr.rel @p0 .LBB2_5-.Ltmp1, $4  }
0x192: {  	[tilespmem:s23+$0xFFFFFEC0] =	vst v9;
	v5 =	vld [tilespmem:s26+$0xFFFFFFD0]  }
0x193: {  	v3 =	vld [tilespmem:s26+$0xFFFFFED0];
	[tilespmem:s23+$0xFFFFFF40] =	vst v7;
	v0 =	vmov v2  }
0x194: {  	v4 =	vld [tilespmem:s26+$0xFFFFFF50]  }
0x195: {  	s26 =	sadd.s32 $0x200, s26;
	v2 =	vld.idx.msk [tilespmem:v8+s2+$0x0], $0xffff;
	[tilespmem:s21+$0xFFFFFF80] =	vst v10;
	s21 =	smov.u32 s24;
	s24 =	smov.u32 s23  }
0x196: {  	[tilespmem:s23+$0xFFFFFE40] =	vst v6  }
0x197: {  	v6 =	vld [tilespmem:s22+$0xFFFFFE50];
	_ =	sdelay $0x4  }
0x198: {  	v5 =	vld.idx.msk [tilespmem:v5+s2+$0x0], $0xffff  }
0x199: {  	v3 =	vld.idx.msk [tilespmem:v3+s2+$0x0], $0xffff  }
0x19a: {  	v4 =	vld.idx.msk [tilespmem:v4+s2+$0x0], $0xffff  }
0x19b: {  	v6 =	vld.idx.msk [tilespmem:v6+s2+$0x0], $0xffff;
	_ =	sdelay $0x1  }
0x19c: {  	[tilespmem:s23+$0xFFFFFFD0] =	vst v5  }
0x19d: {  	v5 =	vld [tilespmem:s22+$0xFFFFFFE0];
	[tilespmem:s23+$0xFFFFFED0] =	vst v3  }
0x19e: {  	[tilespmem:s24+$0xFFFFFF50] =	vst v4;
	v4 =	vld [tilespmem:s22+$0xFFFFFEE0]  }
0x19f: {  	[tilespmem:s24+$0xFFFFFE50] =	vst v6;
	v6 =	vld [tilespmem:s22+$0xFFFFFF60]  }
0x1a0: {  	v3 =	vld [tilespmem:s22+$0xFFFFFE60];
	_ =	sdelay $0x4  }
0x1a1: {  	v5 =	vld.idx.msk [tilespmem:v5+s2+$0x0], $0xffff  }
0x1a2: {  	v4 =	vld.idx.msk [tilespmem:v4+s2+$0x0], $0xffff  }
0x1a3: {  	v6 =	vld.idx.msk [tilespmem:v6+s2+$0x0], $0xffff  }
0x1a4: {  	v3 =	vld.idx.msk [tilespmem:v3+s2+$0x0], $0xffff;
	_ =	sdelay $0x1  }
0x1a5: {  	[tilespmem:s24+$0xFFFFFFE0] =	vst v5  }
0x1a6: {  	v5 =	vld [tilespmem:s22+$0xFFFFFFF0];
	[tilespmem:s24+$0xFFFFFEE0] =	vst v4  }
0x1a7: {  	v4 =	vld [tilespmem:s22+$0xFFFFFEF0];
	[tilespmem:s24+$0xFFFFFF60] =	vst v6  }
0x1a8: {  	[tilespmem:s24+$0xFFFFFE60] =	vst v3;
	v6 =	vld [tilespmem:s22+$0xFFFFFF70]  }
0x1a9: {  	v3 =	vld [tilespmem:s22+$0xFFFFFE70];
	_ =	sdelay $0x4  }
0x1aa: {  	v5 =	vld.idx.msk [tilespmem:v5+s2+$0x0], $0xffff  }
0x1ab: {  	v4 =	vld.idx.msk [tilespmem:v4+s2+$0x0], $0xffff  }
0x1ac: {  	v6 =	vld.idx.msk [tilespmem:v6+s2+$0x0], $0xffff  }
0x1ad: {  	v3 =	vld.idx.msk [tilespmem:v3+s2+$0x0], $0xffff;
	_ =	sdelay $0x1  }
0x1ae: {  	[tilespmem:s24+$0xFFFFFFF0] =	vst v5  }
0x1af: {  	v5 =	vld [tilespmem:s22+$0x0];
	[tilespmem:s24+$0xFFFFFEF0] =	vst v4  }
0x1b0: {  	v4 =	vld [tilespmem:s22+$0xFFFFFF00];
	[tilespmem:s24+$0xFFFFFF70] =	vst v6  }
0x1b1: {  	[tilespmem:s24+$0xFFFFFE70] =	vst v3;
	v6 =	vld [tilespmem:s22+$0xFFFFFF80]  }
0x1b2: {  	v3 =	vld [tilespmem:s22+$0xFFFFFE80];
	_ =	sdelay $0x3  }
0x1b3: {  	v0 =	vld.idx.msk [tilespmem:v0+s2+$0x0], $0xffff  }
0x1b4: {  	v5 =	vld.idx.msk [tilespmem:v5+s2+$0x0], $0xffff  }
0x1b5: {  	[tilespmem:s21+$0xFFFFFE80] =	vst v1;
	v1 =	vld.idx.msk [tilespmem:v4+s2+$0x0], $0xffff  }
0x1b6: {  	[tilespmem:s21+$0xFFFFFF00] =	vst v2;
	v2 =	vld.idx.msk [tilespmem:v6+s2+$0x0], $0xffff  }
0x1b7: {  	v3 =	vld.idx.msk [tilespmem:v3+s2+$0x0], $0xffff  }
0x1b8: {  	[tilespmem:s21+$0xFFFFFF80] =	vst v0  }
0x1b9: {  	[tilespmem:s24+$0x0] =	vst v5  }
0x1ba: {  	[tilespmem:s24+$0xFFFFFF00] =	vst v1  }
0x1bb: {  	[tilespmem:s24+$0xFFFFFF80] =	vst v2  }
0x1bc: {  	s30 =	sadd.s32 s20, s7;
	[tilespmem:s24+$0xFFFFFE80] =	vst v3  }
0x1bd: {  	[hbm4b:s30+s2] =	stream.linear.scatter [tilespmem:s15], [sflag:$0x4], $0x1000, $0x38;
	[tilespmem:$0x1E700] =	vst v63  }
0x1be: {  	_ =	swait.ge [sflag:s16], $0x1000  }
0x1bf: {  	[sflag:s16] =	ssyncset.done $0x0  }
0x1c0: {  	s31 =	simm.s32 $0x1A8F0;
	[sflag:s16] =	ssyncadd.s32 $0xFFFFF000  }
0x1c1: {  	v0 =	vld [tilespmem:s31+$0xFFFFFF90]  }
0x1c2: {  	v1 =	vld [tilespmem:s31+$0xFFFFFE90]  }
0x1c3: {  	v2 =	vld [tilespmem:s31+$0xFFFFFF10];
	_ =	sdelay $0x2  }
0x1c4: {  	v3 =	vld [tilespmem:s31+$0xFFFFFE10];
	_ =	sdelay $0x2  }
0x1c5: {  	v0 =	vld.idx.msk [tilespmem:v0+s2+$0x0], $0xffff  }
0x1c6: {  	v1 =	vld.idx.msk [tilespmem:v1+s2+$0x0], $0xffff  }
0x1c7: {  	v2 =	vld.idx.msk [tilespmem:v2+s2+$0x0], $0xffff;
	_ =	sdelay $0x1  }
0x1c8: {  	s21 =	simm.s32 $0x1C800  }
0x1c9: {  	v3 =	vld.idx.msk [tilespmem:v3+s2+$0x0], $0xffff;
	[tilespmem:s21+$0x80] =	vst v0  }
0x1ca: {  	[tilespmem:s21+$0xFFFFFF80] =	vst v1;
	v0 =	vld [tilespmem:s31+$0xFFFFFFA0]  }
0x1cb: {  	[tilespmem:s21+$0x0] =	vst v2;
	v1 =	vld [tilespmem:s31+$0xFFFFFEA0]  }
0x1cc: {  	v2 =	vld [tilespmem:s31+$0xFFFFFF20];
	_ =	sdelay $0x1  }
0x1cd: {  	[tilespmem:s21+$0xFFFFFF00] =	vst v3  }
0x1ce: {  	v3 =	vld [tilespmem:s31+$0xFFFFFE20];
	_ =	sdelay $0x2  }
0x1cf: {  	v0 =	vld.idx.msk [tilespmem:v0+s2+$0x0], $0xffff  }
0x1d0: {  	v1 =	vld.idx.msk [tilespmem:v1+s2+$0x0], $0xffff  }
0x1d1: {  	v2 =	vld.idx.msk [tilespmem:v2+s2+$0x0], $0xffff;
	_ =	sdelay $0x2  }
0x1d2: {  	v3 =	vld.idx.msk [tilespmem:v3+s2+$0x0], $0xffff;
	[tilespmem:s21+$0x90] =	vst v0  }
0x1d3: {  	[tilespmem:s21+$0xFFFFFF90] =	vst v1;
	v0 =	vld [tilespmem:s31+$0xFFFFFFB0]  }
0x1d4: {  	[tilespmem:s21+$0x10] =	vst v2;
	v1 =	vld [tilespmem:s31+$0xFFFFFEB0]  }
0x1d5: {  	v2 =	vld [tilespmem:s31+$0xFFFFFF30];
	_ =	sdelay $0x1  }
0x1d6: {  	[tilespmem:s21+$0xFFFFFF10] =	vst v3  }
0x1d7: {  	v3 =	vld [tilespmem:s31+$0xFFFFFE30]  }
0x1d8: {  	s22 =	simm.s32 $0x1AAF0  }
0x1d9: {  	v4 =	vld [tilespmem:s22+$0xFFFFFF90]  }
0x1da: {  	v0 =	vld.idx.msk [tilespmem:v0+s2+$0x0], $0xffff  }
0x1db: {  	v1 =	vld.idx.msk [tilespmem:v1+s2+$0x0], $0xffff  }
0x1dc: {  	v2 =	vld.idx.msk [tilespmem:v2+s2+$0x0], $0xffff;
	_ =	sdelay $0x1  }
0x1dd: {  	v5 =	vld [tilespmem:s22+$0xFFFFFE90]  }
0x1de: {  	v3 =	vld.idx.msk [tilespmem:v3+s2+$0x0], $0xffff;
	[tilespmem:s21+$0xA0] =	vst v0  }
0x1df: {  	[tilespmem:s21+$0xFFFFFFA0] =	vst v1;
	v0 =	vld [tilespmem:s31+$0xFFFFFFC0]  }
0x1e0: {  	[tilespmem:s21+$0x20] =	vst v2;
	v1 =	vld [tilespmem:s31+$0xFFFFFEC0]  }
0x1e1: {  	v2 =	vld [tilespmem:s31+$0xFFFFFF40];
	_ =	sdelay $0x1  }
0x1e2: {  	v4 =	vld.idx.msk [tilespmem:v4+s2+$0x0], $0xffff;
	[tilespmem:s21+$0xFFFFFF20] =	vst v3  }
0x1e3: {  	v3 =	vld [tilespmem:s31+$0xFFFFFE40]  }
0x1e4: {  	v5 =	vld.idx.msk [tilespmem:v5+s2+$0x0], $0xffff  }
0x1e5: {  	v6 =	vld [tilespmem:s22+$0xFFFFFF10]  }
0x1e6: {  	v0 =	vld.idx.msk [tilespmem:v0+s2+$0x0], $0xffff  }
0x1e7: {  	s23 =	simm.s32 $0x1CA00;
	v1 =	vld.idx.msk [tilespmem:v1+s2+$0x0], $0xffff  }
0x1e8: {  	[tilespmem:s23+$0x80] =	vst v4;
	v2 =	vld.idx.msk [tilespmem:v2+s2+$0x0], $0xffff  }
0x1e9: {  	[tilespmem:s23+$0xFFFFFF80] =	vst v5;
	v4 =	vld [tilespmem:s22+$0xFFFFFFA0]  }
0x1ea: {  	v5 =	vld [tilespmem:s22+$0xFFFFFEA0]  }
0x1eb: {  	v3 =	vld.idx.msk [tilespmem:v3+s2+$0x0], $0xffff;
	[tilespmem:s21+$0xB0] =	vst v0  }
0x1ec: {  	[tilespmem:s21+$0xFFFFFFB0] =	vst v1;
	v0 =	vld [tilespmem:s31+$0xFFFFFFD0]  }
0x1ed: {  	[tilespmem:s21+$0x30] =	vst v2;
	v1 =	vld [tilespmem:s31+$0xFFFFFED0]  }
0x1ee: {  	v2 =	vld [tilespmem:s31+$0xFFFFFF50]  }
0x1ef: {  	v7 =	vld [tilespmem:s22+$0xFFFFFE10]  }
0x1f0: {  	v6 =	vld.idx.msk [tilespmem:v6+s2+$0x0], $0xffff  }
0x1f1: {  	v4 =	vld.idx.msk [tilespmem:v4+s2+$0x0], $0xffff;
	[tilespmem:s21+$0xFFFFFF30] =	vst v3  }
0x1f2: {  	v3 =	vld [tilespmem:s31+$0xFFFFFE50]  }
0x1f3: {  	v5 =	vld.idx.msk [tilespmem:v5+s2+$0x0], $0xffff  }
0x1f4: {  	v0 =	vld.idx.msk [tilespmem:v0+s2+$0x0], $0xffff  }
0x1f5: {  	v1 =	vld.idx.msk [tilespmem:v1+s2+$0x0], $0xffff  }
0x1f6: {  	[tilespmem:s23+$0x0] =	vst v6;
	v2 =	vld.idx.msk [tilespmem:v2+s2+$0x0], $0xffff  }
0x1f7: {  	[tilespmem:s23+$0x90] =	vst v4  }
0x1f8: {  	v7 =	vld.idx.msk [tilespmem:v7+s2+$0x0], $0xffff;
	[tilespmem:s23+$0xFFFFFF90] =	vst v5  }
0x1f9: {  	v5 =	vld [tilespmem:s22+$0xFFFFFFB0];
	[tilespmem:s21+$0xC0] =	vst v0  }
0x1fa: {  	[tilespmem:s21+$0xFFFFFFC0] =	vst v1;
	v1 =	vld.idx.msk [tilespmem:v3+s2+$0x0], $0xffff  }
0x1fb: {  	[tilespmem:s21+$0x40] =	vst v2;
	v2 =	vld [tilespmem:s22+$0xFFFFFF20]  }
0x1fc: {  	v0 =	vld [tilespmem:s31+$0xFFFFFFE0]  }
0x1fd: {  	v3 =	vld [tilespmem:s31+$0xFFFFFEE0]  }
0x1fe: {  	[tilespmem:s23+$0xFFFFFF00] =	vst v7;
	v6 =	vld [tilespmem:s31+$0xFFFFFF60]  }
0x1ff: {  	[tilespmem:s21+$0xFFFFFF40] =	vst v1;
	v1 =	vld [tilespmem:s22+$0xFFFFFE20]  }
0x200: {  	v7 =	vld [tilespmem:s31+$0xFFFFFE60];
	_ =	sdelay $0x1  }
0x201: {  	v5 =	vld.idx.msk [tilespmem:v5+s2+$0x0], $0xffff  }
0x202: {  	v2 =	vld.idx.msk [tilespmem:v2+s2+$0x0], $0xffff  }
0x203: {  	v0 =	vld.idx.msk [tilespmem:v0+s2+$0x0], $0xffff  }
0x204: {  	v3 =	vld.idx.msk [tilespmem:v3+s2+$0x0], $0xffff  }
0x205: {  	v6 =	vld.idx.msk [tilespmem:v6+s2+$0x0], $0xffff  }
0x206: {  	v1 =	vld.idx.msk [tilespmem:v1+s2+$0x0], $0xffff  }
0x207: {  	v4 =	vld.idx.msk [tilespmem:v7+s2+$0x0], $0xffff  }
0x208: {  	[tilespmem:s23+$0x10] =	vst v2;
	v7 =	vld [tilespmem:s22+$0xFFFFFEB0]  }
0x209: {  	[tilespmem:s21+$0xD0] =	vst v0;
	v2 =	vld [tilespmem:s22+$0xFFFFFF30]  }
0x20a: {  	[tilespmem:s21+$0xFFFFFFD0] =	vst v3;
	v0 =	vld [tilespmem:s31+$0xFFFFFFF0]  }
0x20b: {  	v3 =	vld [tilespmem:s31+$0xFFFFFEF0];
	[tilespmem:s23+$0xFFFFFF10] =	vst v1  }
0x20c: {  	v1 =	vld [tilespmem:s22+$0xFFFFFE30];
	[tilespmem:s21+$0xFFFFFF50] =	vst v4  }
0x20d: {  	[tilespmem:s23+$0xA0] =	vst v5;
	v4 =	vld [tilespmem:s31+$0xFFFFFE70]  }
0x20e: {  	v5 =	vld [tilespmem:s22+$0xFFFFFFC0];
	[tilespmem:s21+$0x50] =	vst v6  }
0x20f: {  	v6 =	vld [tilespmem:s31+$0xFFFFFF70]  }
0x210: {  	v7 =	vld.idx.msk [tilespmem:v7+s2+$0x0], $0xffff  }
0x211: {  	v2 =	vld.idx.msk [tilespmem:v2+s2+$0x0], $0xffff  }
0x212: {  	v0 =	vld.idx.msk [tilespmem:v0+s2+$0x0], $0xffff  }
0x213: {  	v3 =	vld.idx.msk [tilespmem:v3+s2+$0x0], $0xffff  }
0x214: {  	v1 =	vld.idx.msk [tilespmem:v1+s2+$0x0], $0xffff  }
0x215: {  	[tilespmem:s23+$0xFFFFFFA0] =	vst v7;
	v4 =	vld.idx.msk [tilespmem:v4+s2+$0x0], $0xffff  }
0x216: {  	[tilespmem:s23+$0x20] =	vst v2;
	v7 =	vld [tilespmem:s22+$0xFFFFFEC0]  }
0x217: {  	[tilespmem:s21+$0xE0] =	vst v0;
	v2 =	vld [tilespmem:s22+$0xFFFFFF40]  }
0x218: {  	v0 =	vld [tilespmem:s31+$0x0]  }
0x219: {  	v6 =	vld.idx.msk [tilespmem:v6+s2+$0x0], $0xffff;
	[tilespmem:s23+$0xFFFFFF20] =	vst v1  }
0x21a: {  	v1 =	vld [tilespmem:s22+$0xFFFFFE40];
	[tilespmem:s21+$0xFFFFFF60] =	vst v4  }
0x21b: {  	v4 =	vld [tilespmem:s31+$0xFFFFFE80]  }
0x21c: {  	[tilespmem:s21+$0xFFFFFFE0] =	vst v3;
	v3 =	vld.idx.msk [tilespmem:v5+s2+$0x0], $0xffff  }
0x21d: {  	v9 =	vld [tilespmem:s31+$0xFFFFFF00]  }
0x21e: {  	v5 =	vld.idx.msk [tilespmem:v7+s2+$0x0], $0xffff  }
0x21f: {  	v2 =	vld.idx.msk [tilespmem:v2+s2+$0x0], $0xffff  }
0x220: {  	[tilespmem:s21+$0x60] =	vst v6;
	v8 =	vld.idx.msk [tilespmem:v0+s2+$0x0], $0xffff  }
0x221: {  	v0 =	vld [tilespmem:s31+$0xFFFFFF80]  }
0x222: {  	v6 =	vld.idx.msk [tilespmem:v1+s2+$0x0], $0xffff  }
0x223: {  	[tilespmem:s23+$0xB0] =	vst v3;
	v1 =	vld.idx.msk [tilespmem:v4+s2+$0x0], $0xffff  }
0x224: {  	[tilespmem:s23+$0xFFFFFFB0] =	vst v5;
	v4 =	vld [tilespmem:s22+$0xFFFFFFD0]  }
0x225: {  	[tilespmem:s23+$0x30] =	vst v2;
	v2 =	vld.idx.msk [tilespmem:v9+s2+$0x0], $0xffff  }
0x226: {  	s26 =	simm.s32 $0x4;
	v3 =	vld [tilespmem:s22+$0xFFFFFED0]  }
0x227: {  	s28 =	simm.s32 $0x1ACF0;
	s25 =	simm.s32 $0x1CA00;
	s24 =	sadd.s32 s20, s8;
	v5 =	vld [tilespmem:s22+$0xFFFFFF50];
	[tilespmem:s21+$0xF0] =	vst v8  }
.LBB2_7:
0x228: {  	v7 =	vld [tilespmem:s28+$0xFFFFFF90];
	s26 =	sadd.s32 $0x4, s26;
	[tilespmem:s23+$0xFFFFFF30] =	vst v6  }
0x229: {  	v6 =	vld [tilespmem:s28+$0xFFFFFE90];
	p0 =	slt.u32 s26, $0x1C;
	[tilespmem:s21+$0xFFFFFF70] =	vst v1  }
0x22a: {  	v1 =	vld [tilespmem:s28+$0xFFFFFF10]  }
0x22b: {  	v8 =	vld [tilespmem:s28+$0xFFFFFE10]  }
0x22c: {  	v4 =	vld.idx.msk [tilespmem:v4+s2+$0x0], $0xffff  }
0x22d: {  	v9 =	vld [tilespmem:s22+$0xFFFFFE50];
	[tilespmem:s21+$0xFFFFFFF0] =	vst v2  }
0x22e: {  	v2 =	vld.idx.msk [tilespmem:v3+s2+$0x0], $0xffff  }
0x22f: {  	v3 =	vld.idx.msk [tilespmem:v5+s2+$0x0], $0xffff  }
0x230: {  	v5 =	vld.idx.msk [tilespmem:v7+s2+$0x0], $0xffff  }
0x231: {  	v6 =	vld.idx.msk [tilespmem:v6+s2+$0x0], $0xffff  }
0x232: {  	v1 =	vld.idx.msk [tilespmem:v1+s2+$0x0], $0xffff;
	[tilespmem:s23+$0xC0] =	vst v4  }
0x233: {  	v4 =	vld [tilespmem:s22+$0xFFFFFFE0]  }
0x234: {  	v7 =	vld.idx.msk [tilespmem:v8+s2+$0x0], $0xffff;
	[tilespmem:s23+$0xFFFFFFC0] =	vst v2  }
0x235: {  	s23 =	sadd.s32 $0x200, s23;
	v2 =	vld.idx.msk [tilespmem:v9+s2+$0x0], $0xffff;
	[tilespmem:s25+$0x40] =	vst v3  }
0x236: {  	[tilespmem:s23+$0x80] =	vst v5;
	v3 =	vld [tilespmem:s22+$0xFFFFFEE0]  }
0x237: {  	[tilespmem:s23+$0xFFFFFF80] =	vst v6;
	v5 =	vld [tilespmem:s28+$0xFFFFFFA0]  }
0x238: {  	v6 =	vld [tilespmem:s28+$0xFFFFFEA0];
	[tilespmem:s23+$0x0] =	vst v1  }
0x239: {  	v1 =	vld [tilespmem:s28+$0xFFFFFF20]  }
0x23a: {  	[tilespmem:s23+$0xFFFFFF00] =	vst v7;
	v7 =	vld [tilespmem:s22+$0xFFFFFF60]  }
0x23b: {  	[tilespmem:s25+$0xFFFFFF40] =	vst v2;
	v2 =	vld.idx.msk [tilespmem:v4+s2+$0x0], $0xffff  }
0x23c: {  	v4 =	vld [tilespmem:s28+$0xFFFFFE20]  }
0x23d: {  	v8 =	vld [tilespmem:s22+$0xFFFFFE60]  }
0x23e: {  	v3 =	vld.idx.msk [tilespmem:v3+s2+$0x0], $0xffff  }
0x23f: {  	v5 =	vld.idx.msk [tilespmem:v5+s2+$0x0], $0xffff  }
0x240: {  	v6 =	vld.idx.msk [tilespmem:v6+s2+$0x0], $0xffff  }
0x241: {  	v1 =	vld.idx.msk [tilespmem:v1+s2+$0x0], $0xffff;
	[tilespmem:s25+$0xD0] =	vst v2  }
0x242: {  	v2 =	vld [tilespmem:s22+$0xFFFFFFF0]  }
0x243: {  	v7 =	vld.idx.msk [tilespmem:v7+s2+$0x0], $0xffff  }
0x244: {  	v4 =	vld.idx.msk [tilespmem:v4+s2+$0x0], $0xffff;
	[tilespmem:s25+$0xFFFFFFD0] =	vst v3  }
0x245: {  	[tilespmem:s23+$0x90] =	vst v5;
	v3 =	vld.idx.msk [tilespmem:v8+s2+$0x0], $0xffff  }
0x246: {  	[tilespmem:s23+$0xFFFFFF90] =	vst v6;
	v5 =	vld [tilespmem:s28+$0xFFFFFFB0]  }
0x247: {  	v6 =	vld [tilespmem:s28+$0xFFFFFEB0];
	[tilespmem:s23+$0x10] =	vst v1  }
0x248: {  	v1 =	vld [tilespmem:s28+$0xFFFFFF30]  }
0x249: {  	v8 =	vld [tilespmem:s22+$0xFFFFFEF0];
	[tilespmem:s25+$0x50] =	vst v7  }
0x24a: {  	[tilespmem:s23+$0xFFFFFF10] =	vst v4;
	v2 =	vld.idx.msk [tilespmem:v2+s2+$0x0], $0xffff  }
0x24b: {  	v4 =	vld [tilespmem:s28+$0xFFFFFE30];
	[tilespmem:s25+$0xFFFFFF50] =	vst v3  }
0x24c: {  	v3 =	vld [tilespmem:s22+$0xFFFFFE70]  }
0x24d: {  	v7 =	vld [tilespmem:s22+$0xFFFFFF70]  }
0x24e: {  	v5 =	vld.idx.msk [tilespmem:v5+s2+$0x0], $0xffff  }
0x24f: {  	v6 =	vld.idx.msk [tilespmem:v6+s2+$0x0], $0xffff  }
0x250: {  	v1 =	vld.idx.msk [tilespmem:v1+s2+$0x0], $0xffff;
	[tilespmem:s25+$0xE0] =	vst v2  }
0x251: {  	v2 =	vld [tilespmem:s22+$0x0]  }
0x252: {  	v8 =	vld.idx.msk [tilespmem:v8+s2+$0x0], $0xffff  }
0x253: {  	v4 =	vld.idx.msk [tilespmem:v4+s2+$0x0], $0xffff  }
0x254: {  	[tilespmem:s23+$0xA0] =	vst v5;
	v3 =	vld.idx.msk [tilespmem:v3+s2+$0x0], $0xffff  }
0x255: {  	[tilespmem:s23+$0xFFFFFFA0] =	vst v6;
	v5 =	vld [tilespmem:s28+$0xFFFFFFC0]  }
0x256: {  	v6 =	vld [tilespmem:s28+$0xFFFFFEC0];
	[tilespmem:s23+$0x20] =	vst v1  }
0x257: {  	v1 =	vld [tilespmem:s28+$0xFFFFFF40]  }
0x258: {  	[tilespmem:s25+$0xFFFFFFE0] =	vst v8;
	v7 =	vld.idx.msk [tilespmem:v7+s2+$0x0], $0xffff  }
0x259: {  	[tilespmem:s23+$0xFFFFFF20] =	vst v4;
	v2 =	vld.idx.msk [tilespmem:v2+s2+$0x0], $0xffff  }
0x25a: {  	v4 =	vld [tilespmem:s28+$0xFFFFFE40];
	[tilespmem:s25+$0xFFFFFF60] =	vst v3  }
0x25b: {  	v3 =	vld [tilespmem:s22+$0xFFFFFE80]  }
0x25c: {  	v8 =	vld [tilespmem:s22+$0xFFFFFF00]  }
0x25d: {  	v5 =	vld.idx.msk [tilespmem:v5+s2+$0x0], $0xffff  }
0x25e: {  	v9 =	vld.idx.msk [tilespmem:v6+s2+$0x0], $0xffff;
	[tilespmem:s25+$0x60] =	vst v7  }
0x25f: {  	v7 =	vld.idx.msk [tilespmem:v1+s2+$0x0], $0xffff;
	[tilespmem:s25+$0xF0] =	vst v2  }
0x260: {  	v2 =	vld [tilespmem:s22+$0xFFFFFF80];
	s22 =	smov.u32 s28  }
0x261: {  	v10 =	vld.idx.msk [tilespmem:v0+s2+$0x0], $0xffff  }
0x262: {  	v6 =	vld.idx.msk [tilespmem:v4+s2+$0x0], $0xffff  }
.Ltmp2:
0x263: {  	[tilespmem:s23+$0xB0] =	vst v5;
	v1 =	vld.idx.msk [tilespmem:v3+s2+$0x0], $0xffff;
	(pc) =	sbr.rel @p0 .LBB2_7-.Ltmp2, $4  }
0x264: {  	[tilespmem:s23+$0xFFFFFFB0] =	vst v9;
	v4 =	vld [tilespmem:s28+$0xFFFFFFD0]  }
0x265: {  	v3 =	vld [tilespmem:s28+$0xFFFFFED0];
	[tilespmem:s23+$0x30] =	vst v7;
	v0 =	vmov v2  }
0x266: {  	v5 =	vld [tilespmem:s28+$0xFFFFFF50]  }
0x267: {  	s28 =	sadd.s32 $0x200, s28;
	v2 =	vld.idx.msk [tilespmem:v8+s2+$0x0], $0xffff;
	[tilespmem:s21+$0x70] =	vst v10;
	s21 =	smov.u32 s25;
	s25 =	smov.u32 s23  }
0x268: {  	[tilespmem:s23+$0xFFFFFF30] =	vst v6  }
0x269: {  	v6 =	vld [tilespmem:s22+$0xFFFFFE50];
	_ =	sdelay $0x4  }
0x26a: {  	v4 =	vld.idx.msk [tilespmem:v4+s2+$0x0], $0xffff  }
0x26b: {  	v3 =	vld.idx.msk [tilespmem:v3+s2+$0x0], $0xffff  }
0x26c: {  	v5 =	vld.idx.msk [tilespmem:v5+s2+$0x0], $0xffff  }
0x26d: {  	v6 =	vld.idx.msk [tilespmem:v6+s2+$0x0], $0xffff;
	_ =	sdelay $0x1  }
0x26e: {  	[tilespmem:s23+$0xC0] =	vst v4  }
0x26f: {  	v4 =	vld [tilespmem:s22+$0xFFFFFFE0];
	[tilespmem:s23+$0xFFFFFFC0] =	vst v3  }
0x270: {  	[tilespmem:s25+$0x40] =	vst v5;
	v5 =	vld [tilespmem:s22+$0xFFFFFEE0]  }
0x271: {  	[tilespmem:s25+$0xFFFFFF40] =	vst v6;
	v6 =	vld [tilespmem:s22+$0xFFFFFF60]  }
0x272: {  	v3 =	vld [tilespmem:s22+$0xFFFFFE60];
	_ =	sdelay $0x4  }
0x273: {  	v4 =	vld.idx.msk [tilespmem:v4+s2+$0x0], $0xffff  }
0x274: {  	v5 =	vld.idx.msk [tilespmem:v5+s2+$0x0], $0xffff  }
0x275: {  	v6 =	vld.idx.msk [tilespmem:v6+s2+$0x0], $0xffff  }
0x276: {  	v3 =	vld.idx.msk [tilespmem:v3+s2+$0x0], $0xffff;
	_ =	sdelay $0x1  }
0x277: {  	[tilespmem:s25+$0xD0] =	vst v4  }
0x278: {  	v4 =	vld [tilespmem:s22+$0xFFFFFFF0];
	[tilespmem:s25+$0xFFFFFFD0] =	vst v5  }
0x279: {  	v5 =	vld [tilespmem:s22+$0xFFFFFEF0];
	[tilespmem:s25+$0x50] =	vst v6  }
0x27a: {  	[tilespmem:s25+$0xFFFFFF50] =	vst v3;
	v6 =	vld [tilespmem:s22+$0xFFFFFF70]  }
0x27b: {  	v3 =	vld [tilespmem:s22+$0xFFFFFE70];
	_ =	sdelay $0x4  }
0x27c: {  	v4 =	vld.idx.msk [tilespmem:v4+s2+$0x0], $0xffff  }
0x27d: {  	v5 =	vld.idx.msk [tilespmem:v5+s2+$0x0], $0xffff  }
0x27e: {  	v6 =	vld.idx.msk [tilespmem:v6+s2+$0x0], $0xffff  }
0x27f: {  	v3 =	vld.idx.msk [tilespmem:v3+s2+$0x0], $0xffff;
	_ =	sdelay $0x1  }
0x280: {  	[tilespmem:s25+$0xE0] =	vst v4  }
0x281: {  	v4 =	vld [tilespmem:s22+$0x0];
	[tilespmem:s25+$0xFFFFFFE0] =	vst v5  }
0x282: {  	v5 =	vld [tilespmem:s22+$0xFFFFFF00];
	[tilespmem:s25+$0x60] =	vst v6  }
0x283: {  	[tilespmem:s25+$0xFFFFFF60] =	vst v3;
	v6 =	vld [tilespmem:s22+$0xFFFFFF80]  }
0x284: {  	v3 =	vld [tilespmem:s22+$0xFFFFFE80];
	_ =	sdelay $0x3  }
0x285: {  	v0 =	vld.idx.msk [tilespmem:v0+s2+$0x0], $0xffff  }
0x286: {  	v4 =	vld.idx.msk [tilespmem:v4+s2+$0x0], $0xffff  }
0x287: {  	[tilespmem:s21+$0xFFFFFF70] =	vst v1;
	v1 =	vld.idx.msk [tilespmem:v5+s2+$0x0], $0xffff  }
0x288: {  	[tilespmem:s21+$0xFFFFFFF0] =	vst v2;
	v2 =	vld.idx.msk [tilespmem:v6+s2+$0x0], $0xffff  }
0x289: {  	v3 =	vld.idx.msk [tilespmem:v3+s2+$0x0], $0xffff  }
0x28a: {  	[tilespmem:s21+$0x70] =	vst v0  }
0x28b: {  	[tilespmem:s25+$0xF0] =	vst v4  }
0x28c: {  	[tilespmem:s25+$0xFFFFFFF0] =	vst v1  }
0x28d: {  	[tilespmem:s25+$0x70] =	vst v2  }
0x28e: {  	[tilespmem:s25+$0xFFFFFF70] =	vst v3  }
0x28f: {  	[hbm4b:s24+s2] =	stream.linear.scatter [tilespmem:s14], [sflag:$0x3], $0x1000, $0x38;
	[tilespmem:$0x1E700] =	vst v63  }
0x290: {  	_ =	swait.ge [sflag:s17], $0x1000  }
0x291: {  	[sflag:s17] =	ssyncset.done $0x0  }
0x292: {  	s31 =	simm.s32 $0x1B8F0;
	[sflag:s17] =	ssyncadd.s32 $0xFFFFF000  }
0x293: {  	v0 =	vld [tilespmem:s31+$0xFFFFFF90]  }
0x294: {  	v1 =	vld [tilespmem:s31+$0xFFFFFE90]  }
0x295: {  	v2 =	vld [tilespmem:s31+$0xFFFFFF10];
	_ =	sdelay $0x2  }
0x296: {  	v3 =	vld [tilespmem:s31+$0xFFFFFE10];
	_ =	sdelay $0x2  }
0x297: {  	v0 =	vld.idx.msk [tilespmem:v0+s2+$0x0], $0xffff  }
0x298: {  	v1 =	vld.idx.msk [tilespmem:v1+s2+$0x0], $0xffff  }
0x299: {  	v2 =	vld.idx.msk [tilespmem:v2+s2+$0x0], $0xffff;
	_ =	sdelay $0x1  }
0x29a: {  	s21 =	simm.s32 $0x1D8F0  }
0x29b: {  	v3 =	vld.idx.msk [tilespmem:v3+s2+$0x0], $0xffff;
	[tilespmem:s21+$0xFFFFFF90] =	vst v0  }
0x29c: {  	[tilespmem:s21+$0xFFFFFE90] =	vst v1;
	v0 =	vld [tilespmem:s31+$0xFFFFFFA0]  }
0x29d: {  	[tilespmem:s21+$0xFFFFFF10] =	vst v2;
	v1 =	vld [tilespmem:s31+$0xFFFFFEA0]  }
0x29e: {  	v2 =	vld [tilespmem:s31+$0xFFFFFF20];
	_ =	sdelay $0x1  }
0x29f: {  	[tilespmem:s21+$0xFFFFFE10] =	vst v3  }
0x2a0: {  	v3 =	vld [tilespmem:s31+$0xFFFFFE20];
	_ =	sdelay $0x2  }
0x2a1: {  	v0 =	vld.idx.msk [tilespmem:v0+s2+$0x0], $0xffff  }
0x2a2: {  	v1 =	vld.idx.msk [tilespmem:v1+s2+$0x0], $0xffff  }
0x2a3: {  	v2 =	vld.idx.msk [tilespmem:v2+s2+$0x0], $0xffff;
	_ =	sdelay $0x2  }
0x2a4: {  	v3 =	vld.idx.msk [tilespmem:v3+s2+$0x0], $0xffff;
	[tilespmem:s21+$0xFFFFFFA0] =	vst v0  }
0x2a5: {  	[tilespmem:s21+$0xFFFFFEA0] =	vst v1;
	v0 =	vld [tilespmem:s31+$0xFFFFFFB0]  }
0x2a6: {  	[tilespmem:s21+$0xFFFFFF20] =	vst v2;
	v1 =	vld [tilespmem:s31+$0xFFFFFEB0]  }
0x2a7: {  	v2 =	vld [tilespmem:s31+$0xFFFFFF30];
	_ =	sdelay $0x1  }
0x2a8: {  	[tilespmem:s21+$0xFFFFFE20] =	vst v3  }
0x2a9: {  	v3 =	vld [tilespmem:s31+$0xFFFFFE30]  }
0x2aa: {  	s22 =	simm.s32 $0x1BAF0  }
0x2ab: {  	v4 =	vld [tilespmem:s22+$0xFFFFFF90]  }
0x2ac: {  	v0 =	vld.idx.msk [tilespmem:v0+s2+$0x0], $0xffff  }
0x2ad: {  	v1 =	vld.idx.msk [tilespmem:v1+s2+$0x0], $0xffff  }
0x2ae: {  	v2 =	vld.idx.msk [tilespmem:v2+s2+$0x0], $0xffff;
	_ =	sdelay $0x1  }
0x2af: {  	v5 =	vld [tilespmem:s22+$0xFFFFFE90]  }
0x2b0: {  	v3 =	vld.idx.msk [tilespmem:v3+s2+$0x0], $0xffff;
	[tilespmem:s21+$0xFFFFFFB0] =	vst v0  }
0x2b1: {  	[tilespmem:s21+$0xFFFFFEB0] =	vst v1;
	v0 =	vld [tilespmem:s31+$0xFFFFFFC0]  }
0x2b2: {  	[tilespmem:s21+$0xFFFFFF30] =	vst v2;
	v1 =	vld [tilespmem:s31+$0xFFFFFEC0]  }
0x2b3: {  	v2 =	vld [tilespmem:s31+$0xFFFFFF40];
	_ =	sdelay $0x1  }
0x2b4: {  	v4 =	vld.idx.msk [tilespmem:v4+s2+$0x0], $0xffff;
	[tilespmem:s21+$0xFFFFFE30] =	vst v3  }
0x2b5: {  	v3 =	vld [tilespmem:s31+$0xFFFFFE40]  }
0x2b6: {  	v5 =	vld.idx.msk [tilespmem:v5+s2+$0x0], $0xffff  }
0x2b7: {  	v6 =	vld [tilespmem:s22+$0xFFFFFF10]  }
0x2b8: {  	v0 =	vld.idx.msk [tilespmem:v0+s2+$0x0], $0xffff  }
0x2b9: {  	s23 =	simm.s32 $0x1DAF0;
	v1 =	vld.idx.msk [tilespmem:v1+s2+$0x0], $0xffff  }
0x2ba: {  	[tilespmem:s23+$0xFFFFFF90] =	vst v4;
	v2 =	vld.idx.msk [tilespmem:v2+s2+$0x0], $0xffff  }
0x2bb: {  	[tilespmem:s23+$0xFFFFFE90] =	vst v5;
	v4 =	vld [tilespmem:s22+$0xFFFFFFA0]  }
0x2bc: {  	v5 =	vld [tilespmem:s22+$0xFFFFFEA0]  }
0x2bd: {  	v3 =	vld.idx.msk [tilespmem:v3+s2+$0x0], $0xffff;
	[tilespmem:s21+$0xFFFFFFC0] =	vst v0  }
0x2be: {  	[tilespmem:s21+$0xFFFFFEC0] =	vst v1;
	v0 =	vld [tilespmem:s31+$0xFFFFFFD0]  }
0x2bf: {  	[tilespmem:s21+$0xFFFFFF40] =	vst v2;
	v1 =	vld [tilespmem:s31+$0xFFFFFED0]  }
0x2c0: {  	v2 =	vld [tilespmem:s31+$0xFFFFFF50]  }
0x2c1: {  	v7 =	vld [tilespmem:s22+$0xFFFFFE10]  }
0x2c2: {  	v6 =	vld.idx.msk [tilespmem:v6+s2+$0x0], $0xffff  }
0x2c3: {  	v4 =	vld.idx.msk [tilespmem:v4+s2+$0x0], $0xffff;
	[tilespmem:s21+$0xFFFFFE40] =	vst v3  }
0x2c4: {  	v3 =	vld [tilespmem:s31+$0xFFFFFE50]  }
0x2c5: {  	v5 =	vld.idx.msk [tilespmem:v5+s2+$0x0], $0xffff  }
0x2c6: {  	v0 =	vld.idx.msk [tilespmem:v0+s2+$0x0], $0xffff  }
0x2c7: {  	v1 =	vld.idx.msk [tilespmem:v1+s2+$0x0], $0xffff  }
0x2c8: {  	[tilespmem:s23+$0xFFFFFF10] =	vst v6;
	v2 =	vld.idx.msk [tilespmem:v2+s2+$0x0], $0xffff  }
0x2c9: {  	[tilespmem:s23+$0xFFFFFFA0] =	vst v4  }
0x2ca: {  	v7 =	vld.idx.msk [tilespmem:v7+s2+$0x0], $0xffff;
	[tilespmem:s23+$0xFFFFFEA0] =	vst v5  }
0x2cb: {  	v5 =	vld [tilespmem:s22+$0xFFFFFFB0];
	[tilespmem:s21+$0xFFFFFFD0] =	vst v0  }
0x2cc: {  	[tilespmem:s21+$0xFFFFFED0] =	vst v1;
	v1 =	vld.idx.msk [tilespmem:v3+s2+$0x0], $0xffff  }
0x2cd: {  	[tilespmem:s21+$0xFFFFFF50] =	vst v2;
	v2 =	vld [tilespmem:s22+$0xFFFFFF20]  }
0x2ce: {  	v0 =	vld [tilespmem:s31+$0xFFFFFFE0]  }
0x2cf: {  	v3 =	vld [tilespmem:s31+$0xFFFFFEE0]  }
0x2d0: {  	[tilespmem:s23+$0xFFFFFE10] =	vst v7;
	v6 =	vld [tilespmem:s31+$0xFFFFFF60]  }
0x2d1: {  	[tilespmem:s21+$0xFFFFFE50] =	vst v1;
	v1 =	vld [tilespmem:s22+$0xFFFFFE20]  }
0x2d2: {  	v7 =	vld [tilespmem:s31+$0xFFFFFE60];
	_ =	sdelay $0x1  }
0x2d3: {  	v5 =	vld.idx.msk [tilespmem:v5+s2+$0x0], $0xffff  }
0x2d4: {  	v2 =	vld.idx.msk [tilespmem:v2+s2+$0x0], $0xffff  }
0x2d5: {  	v0 =	vld.idx.msk [tilespmem:v0+s2+$0x0], $0xffff  }
0x2d6: {  	v3 =	vld.idx.msk [tilespmem:v3+s2+$0x0], $0xffff  }
0x2d7: {  	v6 =	vld.idx.msk [tilespmem:v6+s2+$0x0], $0xffff  }
0x2d8: {  	v1 =	vld.idx.msk [tilespmem:v1+s2+$0x0], $0xffff  }
0x2d9: {  	v4 =	vld.idx.msk [tilespmem:v7+s2+$0x0], $0xffff  }
0x2da: {  	[tilespmem:s23+$0xFFFFFF20] =	vst v2;
	v7 =	vld [tilespmem:s22+$0xFFFFFEB0]  }
0x2db: {  	[tilespmem:s21+$0xFFFFFFE0] =	vst v0;
	v2 =	vld [tilespmem:s22+$0xFFFFFF30]  }
0x2dc: {  	[tilespmem:s21+$0xFFFFFEE0] =	vst v3;
	v0 =	vld [tilespmem:s31+$0xFFFFFFF0]  }
0x2dd: {  	v3 =	vld [tilespmem:s31+$0xFFFFFEF0];
	[tilespmem:s23+$0xFFFFFE20] =	vst v1  }
0x2de: {  	v1 =	vld [tilespmem:s22+$0xFFFFFE30];
	[tilespmem:s21+$0xFFFFFE60] =	vst v4  }
0x2df: {  	[tilespmem:s23+$0xFFFFFFB0] =	vst v5;
	v4 =	vld [tilespmem:s31+$0xFFFFFE70]  }
0x2e0: {  	v5 =	vld [tilespmem:s22+$0xFFFFFFC0];
	[tilespmem:s21+$0xFFFFFF60] =	vst v6  }
0x2e1: {  	v6 =	vld [tilespmem:s31+$0xFFFFFF70]  }
0x2e2: {  	v7 =	vld.idx.msk [tilespmem:v7+s2+$0x0], $0xffff  }
0x2e3: {  	v2 =	vld.idx.msk [tilespmem:v2+s2+$0x0], $0xffff  }
0x2e4: {  	v0 =	vld.idx.msk [tilespmem:v0+s2+$0x0], $0xffff  }
0x2e5: {  	v3 =	vld.idx.msk [tilespmem:v3+s2+$0x0], $0xffff  }
0x2e6: {  	v1 =	vld.idx.msk [tilespmem:v1+s2+$0x0], $0xffff  }
0x2e7: {  	[tilespmem:s23+$0xFFFFFEB0] =	vst v7;
	v4 =	vld.idx.msk [tilespmem:v4+s2+$0x0], $0xffff  }
0x2e8: {  	[tilespmem:s23+$0xFFFFFF30] =	vst v2;
	v7 =	vld [tilespmem:s22+$0xFFFFFEC0]  }
0x2e9: {  	[tilespmem:s21+$0xFFFFFFF0] =	vst v0;
	v2 =	vld [tilespmem:s22+$0xFFFFFF40]  }
0x2ea: {  	v0 =	vld [tilespmem:s31+$0x0]  }
0x2eb: {  	v6 =	vld.idx.msk [tilespmem:v6+s2+$0x0], $0xffff;
	[tilespmem:s23+$0xFFFFFE30] =	vst v1  }
0x2ec: {  	v1 =	vld [tilespmem:s22+$0xFFFFFE40];
	[tilespmem:s21+$0xFFFFFE70] =	vst v4  }
0x2ed: {  	v4 =	vld [tilespmem:s31+$0xFFFFFE80]  }
0x2ee: {  	[tilespmem:s21+$0xFFFFFEF0] =	vst v3;
	v3 =	vld.idx.msk [tilespmem:v5+s2+$0x0], $0xffff  }
0x2ef: {  	v9 =	vld [tilespmem:s31+$0xFFFFFF00]  }
0x2f0: {  	v5 =	vld.idx.msk [tilespmem:v7+s2+$0x0], $0xffff  }
0x2f1: {  	v2 =	vld.idx.msk [tilespmem:v2+s2+$0x0], $0xffff  }
0x2f2: {  	[tilespmem:s21+$0xFFFFFF70] =	vst v6;
	v8 =	vld.idx.msk [tilespmem:v0+s2+$0x0], $0xffff  }
0x2f3: {  	v0 =	vld [tilespmem:s31+$0xFFFFFF80]  }
0x2f4: {  	v6 =	vld.idx.msk [tilespmem:v1+s2+$0x0], $0xffff  }
0x2f5: {  	[tilespmem:s23+$0xFFFFFFC0] =	vst v3;
	v1 =	vld.idx.msk [tilespmem:v4+s2+$0x0], $0xffff  }
0x2f6: {  	[tilespmem:s23+$0xFFFFFEC0] =	vst v5;
	v4 =	vld [tilespmem:s22+$0xFFFFFFD0]  }
0x2f7: {  	[tilespmem:s23+$0xFFFFFF40] =	vst v2;
	v2 =	vld.idx.msk [tilespmem:v9+s2+$0x0], $0xffff  }
0x2f8: {  	s20 =	sadd.s32 s20, s9;
	v3 =	vld [tilespmem:s22+$0xFFFFFED0]  }
0x2f9: {  	s26 =	simm.s32 $0x1BCF0;
	s25 =	simm.s32 $0x4;
	s24 =	simm.s32 $0x1DAF0;
	v5 =	vld [tilespmem:s22+$0xFFFFFF50];
	[tilespmem:s21+$0x0] =	vst v8  }
.LBB2_9:
0x2fa: {  	v7 =	vld [tilespmem:s26+$0xFFFFFF90];
	s25 =	sadd.s32 $0x4, s25;
	[tilespmem:s23+$0xFFFFFE40] =	vst v6  }
0x2fb: {  	v6 =	vld [tilespmem:s26+$0xFFFFFE90];
	p0 =	slt.u32 s25, $0x1C;
	[tilespmem:s21+$0xFFFFFE80] =	vst v1  }
0x2fc: {  	v1 =	vld [tilespmem:s26+$0xFFFFFF10]  }
0x2fd: {  	v8 =	vld [tilespmem:s26+$0xFFFFFE10]  }
0x2fe: {  	v4 =	vld.idx.msk [tilespmem:v4+s2+$0x0], $0xffff  }
0x2ff: {  	v9 =	vld [tilespmem:s22+$0xFFFFFE50];
	[tilespmem:s21+$0xFFFFFF00] =	vst v2  }
0x300: {  	v2 =	vld.idx.msk [tilespmem:v3+s2+$0x0], $0xffff  }
0x301: {  	v3 =	vld.idx.msk [tilespmem:v5+s2+$0x0], $0xffff  }
0x302: {  	v5 =	vld.idx.msk [tilespmem:v7+s2+$0x0], $0xffff  }
0x303: {  	v6 =	vld.idx.msk [tilespmem:v6+s2+$0x0], $0xffff  }
0x304: {  	v1 =	vld.idx.msk [tilespmem:v1+s2+$0x0], $0xffff;
	[tilespmem:s23+$0xFFFFFFD0] =	vst v4  }
0x305: {  	v4 =	vld [tilespmem:s22+$0xFFFFFFE0]  }
0x306: {  	v7 =	vld.idx.msk [tilespmem:v8+s2+$0x0], $0xffff;
	[tilespmem:s23+$0xFFFFFED0] =	vst v2  }
0x307: {  	s23 =	sadd.s32 $0x200, s23;
	v2 =	vld.idx.msk [tilespmem:v9+s2+$0x0], $0xffff;
	[tilespmem:s24+$0xFFFFFF50] =	vst v3  }
0x308: {  	[tilespmem:s23+$0xFFFFFF90] =	vst v5;
	v3 =	vld [tilespmem:s22+$0xFFFFFEE0]  }
0x309: {  	[tilespmem:s23+$0xFFFFFE90] =	vst v6;
	v5 =	vld [tilespmem:s26+$0xFFFFFFA0]  }
0x30a: {  	v6 =	vld [tilespmem:s26+$0xFFFFFEA0];
	[tilespmem:s23+$0xFFFFFF10] =	vst v1  }
0x30b: {  	v1 =	vld [tilespmem:s26+$0xFFFFFF20]  }
0x30c: {  	[tilespmem:s23+$0xFFFFFE10] =	vst v7;
	v7 =	vld [tilespmem:s22+$0xFFFFFF60]  }
0x30d: {  	[tilespmem:s24+$0xFFFFFE50] =	vst v2;
	v2 =	vld.idx.msk [tilespmem:v4+s2+$0x0], $0xffff  }
0x30e: {  	v4 =	vld [tilespmem:s26+$0xFFFFFE20]  }
0x30f: {  	v8 =	vld [tilespmem:s22+$0xFFFFFE60]  }
0x310: {  	v3 =	vld.idx.msk [tilespmem:v3+s2+$0x0], $0xffff  }
0x311: {  	v5 =	vld.idx.msk [tilespmem:v5+s2+$0x0], $0xffff  }
0x312: {  	v6 =	vld.idx.msk [tilespmem:v6+s2+$0x0], $0xffff  }
0x313: {  	v1 =	vld.idx.msk [tilespmem:v1+s2+$0x0], $0xffff;
	[tilespmem:s24+$0xFFFFFFE0] =	vst v2  }
0x314: {  	v2 =	vld [tilespmem:s22+$0xFFFFFFF0]  }
0x315: {  	v7 =	vld.idx.msk [tilespmem:v7+s2+$0x0], $0xffff  }
0x316: {  	v4 =	vld.idx.msk [tilespmem:v4+s2+$0x0], $0xffff;
	[tilespmem:s24+$0xFFFFFEE0] =	vst v3  }
0x317: {  	[tilespmem:s23+$0xFFFFFFA0] =	vst v5;
	v3 =	vld.idx.msk [tilespmem:v8+s2+$0x0], $0xffff  }
0x318: {  	[tilespmem:s23+$0xFFFFFEA0] =	vst v6;
	v5 =	vld [tilespmem:s26+$0xFFFFFFB0]  }
0x319: {  	v6 =	vld [tilespmem:s26+$0xFFFFFEB0];
	[tilespmem:s23+$0xFFFFFF20] =	vst v1  }
0x31a: {  	v1 =	vld [tilespmem:s26+$0xFFFFFF30]  }
0x31b: {  	v8 =	vld [tilespmem:s22+$0xFFFFFEF0];
	[tilespmem:s24+$0xFFFFFF60] =	vst v7  }
0x31c: {  	[tilespmem:s23+$0xFFFFFE20] =	vst v4;
	v2 =	vld.idx.msk [tilespmem:v2+s2+$0x0], $0xffff  }
0x31d: {  	v4 =	vld [tilespmem:s26+$0xFFFFFE30];
	[tilespmem:s24+$0xFFFFFE60] =	vst v3  }
0x31e: {  	v3 =	vld [tilespmem:s22+$0xFFFFFE70]  }
0x31f: {  	v7 =	vld [tilespmem:s22+$0xFFFFFF70]  }
0x320: {  	v5 =	vld.idx.msk [tilespmem:v5+s2+$0x0], $0xffff  }
0x321: {  	v6 =	vld.idx.msk [tilespmem:v6+s2+$0x0], $0xffff  }
0x322: {  	v1 =	vld.idx.msk [tilespmem:v1+s2+$0x0], $0xffff;
	[tilespmem:s24+$0xFFFFFFF0] =	vst v2  }
0x323: {  	v2 =	vld [tilespmem:s22+$0x0]  }
0x324: {  	v8 =	vld.idx.msk [tilespmem:v8+s2+$0x0], $0xffff  }
0x325: {  	v4 =	vld.idx.msk [tilespmem:v4+s2+$0x0], $0xffff  }
0x326: {  	[tilespmem:s23+$0xFFFFFFB0] =	vst v5;
	v3 =	vld.idx.msk [tilespmem:v3+s2+$0x0], $0xffff  }
0x327: {  	[tilespmem:s23+$0xFFFFFEB0] =	vst v6;
	v5 =	vld [tilespmem:s26+$0xFFFFFFC0]  }
0x328: {  	v6 =	vld [tilespmem:s26+$0xFFFFFEC0];
	[tilespmem:s23+$0xFFFFFF30] =	vst v1  }
0x329: {  	v1 =	vld [tilespmem:s26+$0xFFFFFF40]  }
0x32a: {  	[tilespmem:s24+$0xFFFFFEF0] =	vst v8;
	v7 =	vld.idx.msk [tilespmem:v7+s2+$0x0], $0xffff  }
0x32b: {  	[tilespmem:s23+$0xFFFFFE30] =	vst v4;
	v2 =	vld.idx.msk [tilespmem:v2+s2+$0x0], $0xffff  }
0x32c: {  	v4 =	vld [tilespmem:s26+$0xFFFFFE40];
	[tilespmem:s24+$0xFFFFFE70] =	vst v3  }
0x32d: {  	v3 =	vld [tilespmem:s22+$0xFFFFFE80]  }
0x32e: {  	v8 =	vld [tilespmem:s22+$0xFFFFFF00]  }
0x32f: {  	v5 =	vld.idx.msk [tilespmem:v5+s2+$0x0], $0xffff  }
0x330: {  	v9 =	vld.idx.msk [tilespmem:v6+s2+$0x0], $0xffff;
	[tilespmem:s24+$0xFFFFFF70] =	vst v7  }
0x331: {  	v7 =	vld.idx.msk [tilespmem:v1+s2+$0x0], $0xffff;
	[tilespmem:s24+$0x0] =	vst v2  }
0x332: {  	v2 =	vld [tilespmem:s22+$0xFFFFFF80];
	s22 =	smov.u32 s26  }
0x333: {  	v10 =	vld.idx.msk [tilespmem:v0+s2+$0x0], $0xffff  }
0x334: {  	v6 =	vld.idx.msk [tilespmem:v4+s2+$0x0], $0xffff  }
.Ltmp3:
0x335: {  	[tilespmem:s23+$0xFFFFFFC0] =	vst v5;
	v1 =	vld.idx.msk [tilespmem:v3+s2+$0x0], $0xffff;
	(pc) =	sbr.rel @p0 .LBB2_9-.Ltmp3, $4  }
0x336: {  	[tilespmem:s23+$0xFFFFFEC0] =	vst v9;
	v4 =	vld [tilespmem:s26+$0xFFFFFFD0]  }
0x337: {  	v3 =	vld [tilespmem:s26+$0xFFFFFED0];
	[tilespmem:s23+$0xFFFFFF40] =	vst v7;
	v0 =	vmov v2  }
0x338: {  	v5 =	vld [tilespmem:s26+$0xFFFFFF50]  }
0x339: {  	s26 =	sadd.s32 $0x200, s26;
	v2 =	vld.idx.msk [tilespmem:v8+s2+$0x0], $0xffff;
	[tilespmem:s21+$0xFFFFFF80] =	vst v10;
	s21 =	smov.u32 s24;
	s24 =	smov.u32 s23  }
0x33a: {  	[tilespmem:s23+$0xFFFFFE40] =	vst v6  }
0x33b: {  	v6 =	vld [tilespmem:s22+$0xFFFFFE50];
	_ =	sdelay $0x4  }
0x33c: {  	v4 =	vld.idx.msk [tilespmem:v4+s2+$0x0], $0xffff  }
0x33d: {  	v3 =	vld.idx.msk [tilespmem:v3+s2+$0x0], $0xffff  }
0x33e: {  	v5 =	vld.idx.msk [tilespmem:v5+s2+$0x0], $0xffff  }
0x33f: {  	v6 =	vld.idx.msk [tilespmem:v6+s2+$0x0], $0xffff;
	_ =	sdelay $0x1  }
0x340: {  	[tilespmem:s23+$0xFFFFFFD0] =	vst v4  }
0x341: {  	v4 =	vld [tilespmem:s22+$0xFFFFFFE0];
	[tilespmem:s23+$0xFFFFFED0] =	vst v3  }
0x342: {  	[tilespmem:s24+$0xFFFFFF50] =	vst v5;
	v60 =	vld [tilespmem:s22+$0xFFFFFEE0]  }
0x343: {  	v61 =	vld [tilespmem:s22+$0xFFFFFF60];
	[tilespmem:s24+$0xFFFFFE50] =	vst v6  }
0x344: {  	v59 =	vld [tilespmem:s22+$0xFFFFFE60];
	_ =	sdelay $0x4  }
0x345: {  	v4 =	vld.idx.msk [tilespmem:v4+s2+$0x0], $0xffff  }
0x346: {  	v5 =	vld.idx.msk [tilespmem:v60+s2+$0x0], $0xffff  }
0x347: {  	v6 =	vld.idx.msk [tilespmem:v61+s2+$0x0], $0xffff  }
0x348: {  	v3 =	vld.idx.msk [tilespmem:v59+s2+$0x0], $0xffff;
	_ =	sdelay $0x1  }
0x349: {  	[tilespmem:s24+$0xFFFFFFE0] =	vst v4  }
0x34a: {  	v4 =	vld [tilespmem:s22+$0xFFFFFFF0];
	[tilespmem:s24+$0xFFFFFEE0] =	vst v5  }
0x34b: {  	v5 =	vld [tilespmem:s22+$0xFFFFFEF0];
	[tilespmem:s24+$0xFFFFFF60] =	vst v6  }
0x34c: {  	v6 =	vld [tilespmem:s22+$0xFFFFFF70];
	[tilespmem:s24+$0xFFFFFE60] =	vst v3  }
0x34d: {  	v3 =	vld [tilespmem:s22+$0xFFFFFE70];
	_ =	sdelay $0x4  }
0x34e: {  	v4 =	vld.idx.msk [tilespmem:v4+s2+$0x0], $0xffff  }
0x34f: {  	v5 =	vld.idx.msk [tilespmem:v5+s2+$0x0], $0xffff  }
0x350: {  	v6 =	vld.idx.msk [tilespmem:v6+s2+$0x0], $0xffff  }
0x351: {  	v3 =	vld.idx.msk [tilespmem:v3+s2+$0x0], $0xffff;
	_ =	sdelay $0x1  }
0x352: {  	[tilespmem:s24+$0xFFFFFFF0] =	vst v4  }
0x353: {  	v4 =	vld [tilespmem:s22+$0x0];
	[tilespmem:s24+$0xFFFFFEF0] =	vst v5  }
0x354: {  	v5 =	vld [tilespmem:s22+$0xFFFFFF00];
	[tilespmem:s24+$0xFFFFFF70] =	vst v6  }
0x355: {  	v6 =	vld [tilespmem:s22+$0xFFFFFF80];
	[tilespmem:s24+$0xFFFFFE70] =	vst v3  }
0x356: {  	v3 =	vld [tilespmem:s22+$0xFFFFFE80];
	_ =	sdelay $0x3  }
0x357: {  	v0 =	vld.idx.msk [tilespmem:v0+s2+$0x0], $0xffff  }
0x358: {  	v4 =	vld.idx.msk [tilespmem:v4+s2+$0x0], $0xffff  }
0x359: {  	v62 =	vld.idx.msk [tilespmem:v5+s2+$0x0], $0xffff  }
0x35a: {  	[tilespmem:s21+$0xFFFFFE80] =	vst v1;
	v63 =	vld.idx.msk [tilespmem:v6+s2+$0x0], $0xffff  }
0x35b: {  	s19 =	sadd.s32 $0x1, s19;
	[tilespmem:s21+$0xFFFFFF00] =	vst v2;
	v3 =	vld.idx.msk [tilespmem:v3+s2+$0x0], $0xffff  }
0x35c: {  	p0 =	sne.s32 s19, $0xD;
	[tilespmem:s21+$0xFFFFFF80] =	vst v0  }
.Ltmp4:
0x35d: {  	[tilespmem:s24+$0x0] =	vst v4;
	(pc) =	sbr.rel @p0 .LBB2_2-.Ltmp4, $4  }
0x35e: {  	[tilespmem:s24+$0xFFFFFF00] =	vst v62  }
0x35f: {  	[tilespmem:s24+$0xFFFFFF80] =	vst v63  }
0x360: {  	[tilespmem:s24+$0xFFFFFE80] =	vst v3  }
0x361: {  	[hbm4b:s20+s2] =	stream.linear.scatter [tilespmem:s15], [sflag:$0x4], $0x1000, $0x38;
	[tilespmem:$0x1E700] =	vst v63  }
0x362: {  	s18 =	sadd.s32 $0x1, s18  }
0x363: {  	_ =	swait.ge [sflag:s16], $0x1000;
	p0 =	sne.s32 s18, s10  }
.Ltmp5:
0x364: {  	[sflag:s16] =	ssyncset.done $0x0;
	(pc) =	sbr.rel @p0 .LBB2_1-.Ltmp5, $4  }
0x365: {  	[sflag:s16] =	ssyncadd.s32 $0xFFFFF000  }
0x366: {  	_ =	swait.ge [sflag:s17], $0x1000  }
0x367: {  	[sflag:s17] =	ssyncset.done $0x0  }
0x368: {  	[sflag:s17] =	ssyncadd.s32 $0xFFFFF000  }
0x369: {  	_ =	sfence.sel $0x180000  }
0x36a: {  	[bflag:$0x0] =	sbarrier.arrive $0xFFFF  }
0x36b: {  	p0 =	sne.s32 s1, $0x0;
	_ =	strace $0x90000047  }
0x36c: {  	s0 =	sadd.s32 @!p0 $0x100000, s0;
	[bflag:$0x2] =	sbarrier.arrive $0xFFFF  }
0x36d: {  	[sflag:s0] =	ssyncadd.tile.s32 @!p0 $0x1;
	_ =	shalt  }
.Lfunc_end2:
_tile_overlayer_lowered:
.L_overlay_start_2:
0x36e: {  	(tag) =	ssettag $0x2  }
0x36f: {  	s0 =	rddreg [dreg:$0x0];
	s2 =	stileid.u32  }
0x370: {  	s1 =	rddreg [dreg:$0x1];
	p0 =	sne.s32 s2, $0x0  }
0x371: {  	s3 =	rddreg [dreg:$0x2];
	[bflag:$0x3] =	sbarrier.arrive $0xFFFF;
	s2 =	simm.s32 @!p0 $0x1C05  }
0x372: {  	[timem:s3], [sflag:s2] =	dma.local @!p0 [hbm:s0], s1  }
0x373: {  	s0 =	simm.s32 @!p0 $0x5  }
0x374: {  	_ =	swait.ge @!p0 [sflag:s0], s1  }
0x375: {  	s1 =	ssub.s32 @!p0 $0x0, s1;
	[sflag:s0] =	ssyncset.done @!p0 $0x0  }
0x376: {  	[sflag:s0] =	ssyncadd.s32 @!p0 s1  }
0x377: {  	[bflag:$0x3] =	sbarrier.arrive $0xFFFF  }
0x378: {  	_ =	shalt  }

</sc_bundles>
